<compile_context>
chip_gen: v7x
topology: tpu7x:2x2x1
jax: 0.10.2.dev20260603
libtpu: 0.0.44.dev20260713+nightly
codegen_flags: <defaults>
</compile_context>

<pallas_src>
import functools

import jax
import jax.numpy as jnp
from jax import lax
from jax.experimental import pallas as pl
from jax.experimental.pallas import tpu as pltpu
from jax.experimental.pallas import tpu_sc as plsc

U = 5000
I = 5000
H = 128
E = 320000
EL = 65536

NC = 2
NS = 16
NW = NC * NS

PAD = 5120
RPS = PAD // NS
C = 128
CA = 64
EP = 327680
NCHUNK = EP // CA
CHUNKS_PER_W = NCHUNK // NW
NLCHUNK = EL // C
LCHUNKS_PER_W = NLCHUNK // NW

_MESH = plsc.VectorSubcoreMesh(core_axis_name="c", subcore_axis_name="s")

_f32 = jnp.float32


def _make_sc_agg(with_counts: bool):
  out_type = [
      jax.ShapeDtypeStruct((NC * PAD, H), _f32),
      jax.ShapeDtypeStruct((NC * PAD, H), _f32),
  ]
  del with_counts

  ZR = 16
  scratch = [
      pltpu.VMEM((CA,), jnp.int32),
      pltpu.VMEM((CA,), jnp.int32),
      pltpu.VMEM((CA,), jnp.int32),
      pltpu.VMEM((CA,), jnp.int32),
      pltpu.VMEM((CA, H), _f32),
      pltpu.VMEM((CA, H), _f32),
      pltpu.VMEM((CA, H), _f32),
      pltpu.VMEM((CA, H), _f32),
      pltpu.VMEM((ZR, H), _f32),
      pltpu.VMEM_SHARED((PAD, H), _f32),
      pltpu.VMEM_SHARED((PAD, H), _f32),
      pltpu.SemaphoreType.DMA,
      pltpu.SemaphoreType.DMA,
      pltpu.SemaphoreType.DMA,
      pltpu.SemaphoreType.DMA,
  ]

  @functools.partial(pl.kernel, out_type=out_type, mesh=_MESH,
                     scratch_types=scratch)
  def agg(xu_hbm, xi_hbm, src_hbm, dst_hbm, sumI_hbm, sumU_hbm,
          src0_v, dst0_v, src1_v, dst1_v, u0_v, i0_v, u1_v, i1_v,
          zblk_v, accI_s, accU_s, sem_u0, sem_i0, sem_u1, sem_i1):
    cid = lax.axis_index("c")
    sid = lax.axis_index("s")
    w = sid * NC + cid

    src_v = (src0_v, src1_v)
    dst_v = (dst0_v, dst1_v)
    urows_v = (u0_v, u1_v)
    irows_v = (i0_v, i1_v)
    sem_u = (sem_u0, sem_u1)
    sem_i = (sem_i0, sem_i1)

    zeros16 = jnp.zeros((16,), _f32)

    def zrow(r, carry):
      for j in range(H // 16):
        zblk_v[r, pl.ds(j * 16, 16)] = zeros16
      return carry
    lax.fori_loop(0, ZR, zrow, 0)

    base_r = sid * RPS

    def zcopy(b, carry):
      r = base_r + b * ZR
      pltpu.sync_copy(zblk_v, accI_s.at[pl.ds(r, ZR), :])
      pltpu.sync_copy(zblk_v, accU_s.at[pl.ds(r, ZR), :])
      return carry
    lax.fori_loop(0, RPS // ZR, zcopy, 0)
    plsc.subcore_barrier()

    def prefetch(t, b):
      base = (w + t * NW) * CA
      pltpu.sync_copy(src_hbm.at[pl.ds(base, CA)], src_v[b])
      pltpu.sync_copy(dst_hbm.at[pl.ds(base, CA)], dst_v[b])
      pltpu.async_copy(xu_hbm.at[src_v[b]], urows_v[b], sem_u[b])
      pltpu.async_copy(xi_hbm.at[dst_v[b]], irows_v[b], sem_i[b])

    def drain(b):
      pltpu.make_async_copy(xu_hbm.at[src_v[b]], urows_v[b], sem_u[b]).wait()
      pltpu.make_async_copy(xi_hbm.at[dst_v[b]], irows_v[b], sem_i[b]).wait()
      pltpu.sync_copy(urows_v[b], accI_s.at[dst_v[b]], add=True)
      pltpu.sync_copy(irows_v[b], accU_s.at[src_v[b]], add=True)

    prefetch(0, 0)

    def body(t, carry):
      prefetch(2 * t + 1, 1)
      drain(0)
      prefetch(2 * t + 2, 0)
      drain(1)
      return carry
    lax.fori_loop(0, CHUNKS_PER_W // 2 - 1, body, 0)
    prefetch(CHUNKS_PER_W - 1, 1)
    drain(0)
    drain(1)
    plsc.subcore_barrier()

    out_r = cid * PAD + base_r
    pltpu.sync_copy(accI_s.at[pl.ds(base_r, RPS), :],
                    sumI_hbm.at[pl.ds(out_r, RPS), :])
    pltpu.sync_copy(accU_s.at[pl.ds(base_r, RPS), :],
                    sumU_hbm.at[pl.ds(out_r, RPS), :])

  return agg


_sc_agg = _make_sc_agg(False)


CC = 128
NCHUNK_C = EP // CC
CCHUNKS_PER_W = NCHUNK_C // NW


@functools.partial(
    pl.kernel,
    out_type=[jax.ShapeDtypeStruct((NC * PAD, H), _f32),
              jax.ShapeDtypeStruct((NC * PAD, H), _f32)],
    mesh=_MESH,
    scratch_types=[
        pltpu.VMEM((CC,), jnp.int32),
        pltpu.VMEM((CC,), jnp.int32),
        pltpu.VMEM((CC, H), _f32),
        pltpu.VMEM((16, H), _f32),
        pltpu.VMEM_SHARED((PAD, H), _f32),
        pltpu.VMEM_SHARED((PAD, H), _f32),
    ],
)
def _sc_counts(src_hbm, dst_hbm, cntI_hbm, cntU_hbm,
               src_v, dst_v, ones_v, zblk_v, cntI_s, cntU_s):
  cid = lax.axis_index("c")
  sid = lax.axis_index("s")
  w = sid * NC + cid

  ZR = 16
  zeros16 = jnp.zeros((16,), _f32)
  ones16 = jnp.ones((16,), _f32)

  def zrow(r, carry):
    for j in range(H // 16):
      zblk_v[r, pl.ds(j * 16, 16)] = zeros16
    return carry
  lax.fori_loop(0, ZR, zrow, 0)

  def onesrow(r, carry):
    for j in range(H // 16):
      ones_v[r, pl.ds(j * 16, 16)] = ones16
    return carry
  lax.fori_loop(0, CC, onesrow, 0)

  base_r = sid * RPS

  def zcopy(b, carry):
    r = base_r + b * ZR
    pltpu.sync_copy(zblk_v, cntI_s.at[pl.ds(r, ZR), :])
    pltpu.sync_copy(zblk_v, cntU_s.at[pl.ds(r, ZR), :])
    return carry
  lax.fori_loop(0, RPS // ZR, zcopy, 0)
  plsc.subcore_barrier()

  def body(t, carry):
    base = (w + t * NW) * CC
    pltpu.sync_copy(src_hbm.at[pl.ds(base, CC)], src_v)
    pltpu.sync_copy(dst_hbm.at[pl.ds(base, CC)], dst_v)
    pltpu.sync_copy(ones_v, cntI_s.at[dst_v], add=True)
    pltpu.sync_copy(ones_v, cntU_s.at[src_v], add=True)
    return carry
  lax.fori_loop(0, CCHUNKS_PER_W, body, 0)
  plsc.subcore_barrier()

  out_r = cid * PAD + base_r
  pltpu.sync_copy(cntI_s.at[pl.ds(base_r, RPS), :],
                  cntI_hbm.at[pl.ds(out_r, RPS), :])
  pltpu.sync_copy(cntU_s.at[pl.ds(base_r, RPS), :],
                  cntU_hbm.at[pl.ds(out_r, RPS), :])


@functools.partial(
    pl.kernel,
    out_type=[jax.ShapeDtypeStruct((EL, H), _f32),
              jax.ShapeDtypeStruct((EL, H), _f32)],
    mesh=_MESH,
    scratch_types=[
        pltpu.VMEM((C,), jnp.int32),
        pltpu.VMEM((C,), jnp.int32),
        pltpu.VMEM((C, H), _f32),
        pltpu.VMEM((C, H), _f32),
        pltpu.SemaphoreType.DMA,
        pltpu.SemaphoreType.DMA,
    ],
)
def _sc_gather_pairs(hu_hbm, hi_hbm, eu_hbm, ei_hbm, EU_hbm, EI_hbm,
                     uidx_v, iidx_v, urows_v, irows_v, sem_u, sem_i):
  cid = lax.axis_index("c")
  sid = lax.axis_index("s")
  w = sid * NC + cid

  def body(t, carry):
    base = (w * LCHUNKS_PER_W + t) * C
    pltpu.sync_copy(eu_hbm.at[pl.ds(base, C)], uidx_v)
    pltpu.sync_copy(ei_hbm.at[pl.ds(base, C)], iidx_v)
    cp_u = pltpu.async_copy(hu_hbm.at[uidx_v], urows_v, sem_u)
    cp_i = pltpu.async_copy(hi_hbm.at[iidx_v], irows_v, sem_i)
    cp_u.wait()
    cp_i.wait()
    pltpu.sync_copy(urows_v, EU_hbm.at[pl.ds(base, C), :])
    pltpu.sync_copy(irows_v, EI_hbm.at[pl.ds(base, C), :])
    return carry
  lax.fori_loop(0, LCHUNKS_PER_W, body, 0)


def _tc_layer_body(sI_ref, sU_ref, cI_ref, cU_ref, xi_ref, xu_ref,
                   Wsl_ref, bs_ref, Wsr_ref, Wrl_ref, br_ref, Wrr_ref,
                   hi_ref, hu_ref, *, relu):
  hp = jax.lax.Precision.HIGHEST
  cI = cI_ref[0, :, 0] + cI_ref[1, :, 0]
  cU = cU_ref[0, :, 0] + cU_ref[1, :, 0]
  aggI = (sI_ref[0] + sI_ref[1]) / jnp.clip(cI, 1.0, None)[:, None]
  aggU = (sU_ref[0] + sU_ref[1]) / jnp.clip(cU, 1.0, None)[:, None]
  hi = (jnp.dot(aggI, Wsl_ref[...], preferred_element_type=_f32, precision=hp)
        + bs_ref[...][None, :]
        + jnp.dot(xi_ref[...], Wsr_ref[...], preferred_element_type=_f32,
                  precision=hp))
  hu = (jnp.dot(aggU, Wrl_ref[...], preferred_element_type=_f32, precision=hp)
        + br_ref[...][None, :]
        + jnp.dot(xu_ref[...], Wrr_ref[...], preferred_element_type=_f32,
                  precision=hp))
  if relu:
    hi = jnp.maximum(hi, 0.0)
    hu = jnp.maximum(hu, 0.0)
  hi_ref[...] = hi
  hu_ref[...] = hu


def _tc_layer(sumI, sumU, cntI, cntU, xi, xu, Wsl, bs, Wsr, Wrl, br, Wrr,
              relu):
  return pl.pallas_call(
      functools.partial(_tc_layer_body, relu=relu),
      out_shape=[jax.ShapeDtypeStruct((PAD, H), _f32),
                 jax.ShapeDtypeStruct((PAD, H), _f32)],
  )(sumI, sumU, cntI, cntU, xi, xu, Wsl, bs, Wsr, Wrl, br, Wrr)


def _tc_dot_body(eu_ref, ei_ref, out_ref):
  out_ref[...] = jnp.sum(eu_ref[...] * ei_ref[...], axis=1)


def _tc_dot(EU, EI):
  blk = 8192
  return pl.pallas_call(
      _tc_dot_body,
      grid=(EL // blk,),
      in_specs=[pl.BlockSpec((blk, H), lambda i: (i, 0)),
                pl.BlockSpec((blk, H), lambda i: (i, 0))],
      out_specs=pl.BlockSpec((blk,), lambda i: (i,)),
      out_shape=jax.ShapeDtypeStruct((EL,), _f32),
  )(EU, EI)


def kernel(user_node_id, item_node_id, edge_index, edge_label_index,
           user_emb_w, item_emb_w,
           W1_sel_l, b1_sel, W1_sel_r, W1_rev_l, b1_rev, W1_rev_r,
           W2_sel_l, b2_sel, W2_sel_r, W2_rev_l, b2_rev, W2_rev_r):
  src = edge_index[0].astype(jnp.int32)
  dst = edge_index[1].astype(jnp.int32)
  elu = edge_label_index[0].astype(jnp.int32)
  eli = edge_label_index[1].astype(jnp.int32)

  epad = jnp.full((EP - E,), PAD - 1, jnp.int32)
  src_p = jnp.concatenate([src, epad])
  dst_p = jnp.concatenate([dst, epad])
  xu_p = jnp.pad(user_emb_w, ((0, PAD - U), (0, 0)))
  xi_p = jnp.pad(item_emb_w, ((0, PAD - I), (0, 0)))

  cntI, cntU = _sc_counts(src_p, dst_p)
  cntI = cntI.reshape(NC, PAD, H)
  cntU = cntU.reshape(NC, PAD, H)
  sumI1, sumU1 = _sc_agg(xu_p, xi_p, src_p, dst_p)
  hi1, hu1 = _tc_layer(sumI1.reshape(NC, PAD, H), sumU1.reshape(NC, PAD, H),
                       cntI, cntU, xi_p, xu_p,
                       W1_sel_l, b1_sel, W1_sel_r, W1_rev_l, b1_rev, W1_rev_r,
                       relu=True)
  sumI2, sumU2 = _sc_agg(hu1, hi1, src_p, dst_p)
  hi2, hu2 = _tc_layer(sumI2.reshape(NC, PAD, H), sumU2.reshape(NC, PAD, H),
                       cntI, cntU, hi1, hu1,
                       W2_sel_l, b2_sel, W2_sel_r, W2_rev_l, b2_rev, W2_rev_r,
                       relu=False)
  EU, EI = _sc_gather_pairs(hu2, hi2, elu, eli)
  return _tc_dot(EU, EI)

# --- scband reference (transcript-rebuilt; emitter-appended) ---
"""Pipeline reference for scband-gnn-lp-5153960755960 (READ-ONLY COPY).

The authoritative reference and input builder live on the scoring server;
editing this copy changes nothing except your own understanding.
"""

import jax, jax.numpy as jnp
import numpy as np

U, I, H, E, EL = 5000, 5000, 128, 320000, 65536


def setup_inputs(seed: int = 0) -> dict:
    key = jax.random.key(seed)
    ks = jax.random.split(key, 20)
    s = 1.0 / np.sqrt(H)
    inp = {
        'user_node_id': jnp.arange(U, dtype=jnp.int64) if jax.config.jax_enable_x64 else jnp.arange(U, dtype=jnp.int32),
        'item_node_id': jnp.arange(I, dtype=jnp.int64) if jax.config.jax_enable_x64 else jnp.arange(I, dtype=jnp.int32),
        'edge_index': jnp.stack([
            jax.random.randint(ks[0], (E,), 0, U),
            jax.random.randint(ks[1], (E,), 0, I),
        ]),
        'edge_label_index': jnp.stack([
            jax.random.randint(ks[2], (EL,), 0, U),
            jax.random.randint(ks[3], (EL,), 0, I),
        ]),
        'user_emb_w': jax.random.normal(ks[4], (U, H), dtype=jnp.float32),
        'item_emb_w': jax.random.normal(ks[5], (I, H), dtype=jnp.float32),
        # layer1, edge type (user,select,item): SAGEConv lin_l (aggr msg, with bias), lin_r (root, no bias)
        'W1_sel_l': jax.random.normal(ks[6], (H, H), dtype=jnp.float32) * s,
        'b1_sel': jnp.zeros((H,), dtype=jnp.float32),
        'W1_sel_r': jax.random.normal(ks[7], (H, H), dtype=jnp.float32) * s,
        # layer1, edge type (item,rev_select,user)
        'W1_rev_l': jax.random.normal(ks[8], (H, H), dtype=jnp.float32) * s,
        'b1_rev': jnp.zeros((H,), dtype=jnp.float32),
        'W1_rev_r': jax.random.normal(ks[9], (H, H), dtype=jnp.float32) * s,
        # layer2
        'W2_sel_l': jax.random.normal(ks[10], (H, H), dtype=jnp.float32) * s,
        'b2_sel': jnp.zeros((H,), dtype=jnp.float32),
        'W2_sel_r': jax.random.normal(ks[11], (H, H), dtype=jnp.float32) * s,
        'W2_rev_l': jax.random.normal(ks[12], (H, H), dtype=jnp.float32) * s,
        'b2_rev': jnp.zeros((H,), dtype=jnp.float32),
        'W2_rev_r': jax.random.normal(ks[13], (H, H), dtype=jnp.float32) * s,
    }
    return inp


def _sage(x_src, x_dst, src_idx, dst_idx, n_dst, Wl, bl, Wr):
    # SAGEConv with mean aggregation: lin_l(mean_j x_src[j]) + lin_r(x_dst)
    msg = jnp.take(x_src, src_idx, axis=0)
    summed = jax.ops.segment_sum(msg, dst_idx, num_segments=n_dst)
    cnt = jax.ops.segment_sum(jnp.ones((src_idx.shape[0],), dtype=x_src.dtype), dst_idx, num_segments=n_dst)
    aggr = summed / jnp.clip(cnt, 1.0, None)[:, None]
    return aggr @ Wl + bl + x_dst @ Wr


def reference(user_node_id, item_node_id, edge_index, edge_label_index,
              user_emb_w, item_emb_w,
              W1_sel_l, b1_sel, W1_sel_r, W1_rev_l, b1_rev, W1_rev_r,
              W2_sel_l, b2_sel, W2_sel_r, W2_rev_l, b2_rev, W2_rev_r):
    x_user = jnp.take(user_emb_w, user_node_id, axis=0)
    x_item = jnp.take(item_emb_w, item_node_id, axis=0)
    src_u, dst_i = edge_index[0], edge_index[1]
    # hetero layer 1 (to_hetero: each node type aggregated from its incoming edge types)
    h_item = _sage(x_user, x_item, src_u, dst_i, I, W1_sel_l, b1_sel, W1_sel_r)
    h_user = _sage(x_item, x_user, dst_i, src_u, U, W1_rev_l, b1_rev, W1_rev_r)
    x_user = jax.nn.relu(h_user)
    x_item = jax.nn.relu(h_item)
    # hetero layer 2
    h_item2 = _sage(x_user, x_item, src_u, dst_i, I, W2_sel_l, b2_sel, W2_sel_r)
    h_user2 = _sage(x_item, x_user, dst_i, src_u, U, W2_rev_l, b2_rev, W2_rev_r)
    # link prediction dot product
    eu = jnp.take(h_user2, edge_label_index[0], axis=0)
    ei = jnp.take(h_item2, edge_label_index[1], axis=0)
    return (eu * ei).sum(axis=-1)

if __name__ == "__main__":
    import jax
    _d = setup_inputs()
    print(jax.jit(kernel)(*tuple(_d.values())))

</pallas_src>

<mosaic_0001>
#map = affine_map<(d0, d1) -> (0)>
#map1 = affine_map<(d0, d1) -> (0, 0)>
module attributes {stable_mosaic.version = 14 : i64} {
  func.func @_sc_counts(%arg0: i32, %arg1: i32, %arg2: memref<327680xi32, #tpu.memory_space<hbm>>, %arg3: memref<327680xi32, #tpu.memory_space<hbm>>, %arg4: memref<10240x128xf32, #tpu.memory_space<hbm>>, %arg5: memref<10240x128xf32, #tpu.memory_space<hbm>>, %arg6: memref<128xi32, #tpu.memory_space<vmem>>, %arg7: memref<128xi32, #tpu.memory_space<vmem>>, %arg8: memref<128x128xf32, #tpu.memory_space<vmem>>, %arg9: memref<16x128xf32, #tpu.memory_space<vmem>>, %arg10: memref<5120x128xf32, #tpu.memory_space<vmem_shared>>, %arg11: memref<5120x128xf32, #tpu.memory_space<vmem_shared>>) attributes {dimension_semantics = [#tpu.dimension_semantics<core_parallel>, #tpu.dimension_semantics<subcore_parallel>], iteration_bounds = array<i64: 2, 16>, scalar_prefetch = 0 : i64, scratch_operands = 6 : i64, tpu.core_type = #tpu.core_type<sc_vector_subcore>, window_params = [{transform_indices = #map}, {transform_indices = #map}, {transform_indices = #map1}, {transform_indices = #map1}]} {
    %mul3A = arith.constant 2 : i32
    %mul3A_0 = arith.muli %arg1, %mul3A : i32
    %add3A = arith.addi %mul3A_0, %arg0 : i32
    %broadcast_in_dim3A = arith.constant 0.000000e+00 : f32
    %broadcast_in_dim3A_1 = vector.broadcast %broadcast_in_dim3A : f32 to vector<16xf32>
    %broadcast_in_dim3A_2 = arith.constant 1.000000e+00 : f32
    %broadcast_in_dim3A_3 = vector.broadcast %broadcast_in_dim3A_2 : f32 to vector<16xf32>
    %scan3A = arith.constant 0 : i32
    %scan3A_4 = arith.constant 0 : i32
    %scan3A_5 = arith.constant 16 : i32
    %scan3A_6 = arith.addi %scan3A_4, %scan3A_5 : i32
    %scan3A_7 = arith.constant 1 : i32
    scf.for %scan3A_33 = %scan3A_4 to %scan3A_6 step %scan3A_7  : i32 {
      %swap3A = arith.index_cast %scan3A_33 : i32 to index
      %swap3A_34 = arith.constant 0 : index
      %swap3A_35 = tpu.vector_load %arg9[%swap3A, %swap3A_34] {strides = array<i32>} : memref<16x128xf32, #tpu.memory_space<vmem>>, vector<1x16xf32>,
      %swap3A_36 = vector.shape_cast %swap3A_35 : vector<1x16xf32> to vector<16xf32>
      %swap3A_37 = vector.shape_cast %broadcast_in_dim3A_1 : vector<16xf32> to vector<1x16xf32>
      tpu.vector_store %arg9[%swap3A, %swap3A_34], %swap3A_37 {strides = array<i32>} : memref<16x128xf32, #tpu.memory_space<vmem>>, vector<1x16xf32>,
      %swap3A_38 = arith.index_cast %scan3A_33 : i32 to index
      %swap3A_39 = arith.constant 16 : index
      %swap3A_40 = tpu.vector_load %arg9[%swap3A_38, %swap3A_39] {strides = array<i32>} : memref<16x128xf32, #tpu.memory_space<vmem>>, vector<1x16xf32>,
      %swap3A_41 = vector.shape_cast %swap3A_40 : vector<1x16xf32> to vector<16xf32>
      %swap3A_42 = vector.shape_cast %broadcast_in_dim3A_1 : vector<16xf32> to vector<1x16xf32>
      tpu.vector_store %arg9[%swap3A_38, %swap3A_39], %swap3A_42 {strides = array<i32>} : memref<16x128xf32, #tpu.memory_space<vmem>>, vector<1x16xf32>,
      %swap3A_43 = arith.index_cast %scan3A_33 : i32 to index
      %swap3A_44 = arith.constant 32 : index
      %swap3A_45 = tpu.vector_load %arg9[%swap3A_43, %swap3A_44] {strides = array<i32>} : memref<16x128xf32, #tpu.memory_space<vmem>>, vector<1x16xf32>,
      %swap3A_46 = vector.shape_cast %swap3A_45 : vector<1x16xf32> to vector<16xf32>
      %swap3A_47 = vector.shape_cast %broadcast_in_dim3A_1 : vector<16xf32> to vector<1x16xf32>
      tpu.vector_store %arg9[%swap3A_43, %swap3A_44], %swap3A_47 {strides = array<i32>} : memref<16x128xf32, #tpu.memory_space<vmem>>, vector<1x16xf32>,
      %swap3A_48 = arith.index_cast %scan3A_33 : i32 to index
      %swap3A_49 = arith.constant 48 : index
      %swap3A_50 = tpu.vector_load %arg9[%swap3A_48, %swap3A_49] {strides = array<i32>} : memref<16x128xf32, #tpu.memory_space<vmem>>, vector<1x16xf32>,
      %swap3A_51 = vector.shape_cast %swap3A_50 : vector<1x16xf32> to vector<16xf32>
      %swap3A_52 = vector.shape_cast %broadcast_in_dim3A_1 : vector<16xf32> to vector<1x16xf32>
      tpu.vector_store %arg9[%swap3A_48, %swap3A_49], %swap3A_52 {strides = array<i32>} : memref<16x128xf32, #tpu.memory_space<vmem>>, vector<1x16xf32>,
      %swap3A_53 = arith.index_cast %scan3A_33 : i32 to index
      %swap3A_54 = arith.constant 64 : index
      %swap3A_55 = tpu.vector_load %arg9[%swap3A_53, %swap3A_54] {strides = array<i32>} : memref<16x128xf32, #tpu.memory_space<vmem>>, vector<1x16xf32>,
      %swap3A_56 = vector.shape_cast %swap3A_55 : vector<1x16xf32> to vector<16xf32>
      %swap3A_57 = vector.shape_cast %broadcast_in_dim3A_1 : vector<16xf32> to vector<1x16xf32>
      tpu.vector_store %arg9[%swap3A_53, %swap3A_54], %swap3A_57 {strides = array<i32>} : memref<16x128xf32, #tpu.memory_space<vmem>>, vector<1x16xf32>,
      %swap3A_58 = arith.index_cast %scan3A_33 : i32 to index
      %swap3A_59 = arith.constant 80 : index
      %swap3A_60 = tpu.vector_load %arg9[%swap3A_58, %swap3A_59] {strides = array<i32>} : memref<16x128xf32, #tpu.memory_space<vmem>>, vector<1x16xf32>,
      %swap3A_61 = vector.shape_cast %swap3A_60 : vector<1x16xf32> to vector<16xf32>
      %swap3A_62 = vector.shape_cast %broadcast_in_dim3A_1 : vector<16xf32> to vector<1x16xf32>
      tpu.vector_store %arg9[%swap3A_58, %swap3A_59], %swap3A_62 {strides = array<i32>} : memref<16x128xf32, #tpu.memory_space<vmem>>, vector<1x16xf32>,
      %swap3A_63 = arith.index_cast %scan3A_33 : i32 to index
      %swap3A_64 = arith.constant 96 : index
      %swap3A_65 = tpu.vector_load %arg9[%swap3A_63, %swap3A_64] {strides = array<i32>} : memref<16x128xf32, #tpu.memory_space<vmem>>, vector<1x16xf32>,
      %swap3A_66 = vector.shape_cast %swap3A_65 : vector<1x16xf32> to vector<16xf32>
      %swap3A_67 = vector.shape_cast %broadcast_in_dim3A_1 : vector<16xf32> to vector<1x16xf32>
      tpu.vector_store %arg9[%swap3A_63, %swap3A_64], %swap3A_67 {strides = array<i32>} : memref<16x128xf32, #tpu.memory_space<vmem>>, vector<1x16xf32>,
      %swap3A_68 = arith.index_cast %scan3A_33 : i32 to index
      %swap3A_69 = arith.constant 112 : index
      %swap3A_70 = tpu.vector_load %arg9[%swap3A_68, %swap3A_69] {strides = array<i32>} : memref<16x128xf32, #tpu.memory_space<vmem>>, vector<1x16xf32>,
      %swap3A_71 = vector.shape_cast %swap3A_70 : vector<1x16xf32> to vector<16xf32>
      %swap3A_72 = vector.shape_cast %broadcast_in_dim3A_1 : vector<16xf32> to vector<1x16xf32>
      tpu.vector_store %arg9[%swap3A_68, %swap3A_69], %swap3A_72 {strides = array<i32>} : memref<16x128xf32, #tpu.memory_space<vmem>>, vector<1x16xf32>,
    }
    %scan3A_8 = arith.constant 16 : i32
    %scan3A_9 = arith.constant 0 : i32
    %scan3A_10 = arith.constant 0 : i32
    %scan3A_11 = arith.constant 128 : i32
    %scan3A_12 = arith.addi %scan3A_10, %scan3A_11 : i32
    %scan3A_13 = arith.constant 1 : i32
    scf.for %scan3A_33 = %scan3A_10 to %scan3A_12 step %scan3A_13  : i32 {
      %swap3A = arith.index_cast %scan3A_33 : i32 to index
      %swap3A_34 = arith.constant 0 : index
      %swap3A_35 = tpu.vector_load %arg8[%swap3A, %swap3A_34] {strides = array<i32>} : memref<128x128xf32, #tpu.memory_space<vmem>>, vector<1x16xf32>,
      %swap3A_36 = vector.shape_cast %swap3A_35 : vector<1x16xf32> to vector<16xf32>
      %swap3A_37 = vector.shape_cast %broadcast_in_dim3A_3 : vector<16xf32> to vector<1x16xf32>
      tpu.vector_store %arg8[%swap3A, %swap3A_34], %swap3A_37 {strides = array<i32>} : memref<128x128xf32, #tpu.memory_space<vmem>>, vector<1x16xf32>,
      %swap3A_38 = arith.index_cast %scan3A_33 : i32 to index
      %swap3A_39 = arith.constant 16 : index
      %swap3A_40 = tpu.vector_load %arg8[%swap3A_38, %swap3A_39] {strides = array<i32>} : memref<128x128xf32, #tpu.memory_space<vmem>>, vector<1x16xf32>,
      %swap3A_41 = vector.shape_cast %swap3A_40 : vector<1x16xf32> to vector<16xf32>
      %swap3A_42 = vector.shape_cast %broadcast_in_dim3A_3 : vector<16xf32> to vector<1x16xf32>
      tpu.vector_store %arg8[%swap3A_38, %swap3A_39], %swap3A_42 {strides = array<i32>} : memref<128x128xf32, #tpu.memory_space<vmem>>, vector<1x16xf32>,
      %swap3A_43 = arith.index_cast %scan3A_33 : i32 to index
      %swap3A_44 = arith.constant 32 : index
      %swap3A_45 = tpu.vector_load %arg8[%swap3A_43, %swap3A_44] {strides = array<i32>} : memref<128x128xf32, #tpu.memory_space<vmem>>, vector<1x16xf32>,
      %swap3A_46 = vector.shape_cast %swap3A_45 : vector<1x16xf32> to vector<16xf32>
      %swap3A_47 = vector.shape_cast %broadcast_in_dim3A_3 : vector<16xf32> to vector<1x16xf32>
      tpu.vector_store %arg8[%swap3A_43, %swap3A_44], %swap3A_47 {strides = array<i32>} : memref<128x128xf32, #tpu.memory_space<vmem>>, vector<1x16xf32>,
      %swap3A_48 = arith.index_cast %scan3A_33 : i32 to index
      %swap3A_49 = arith.constant 48 : index
      %swap3A_50 = tpu.vector_load %arg8[%swap3A_48, %swap3A_49] {strides = array<i32>} : memref<128x128xf32, #tpu.memory_space<vmem>>, vector<1x16xf32>,
      %swap3A_51 = vector.shape_cast %swap3A_50 : vector<1x16xf32> to vector<16xf32>
      %swap3A_52 = vector.shape_cast %broadcast_in_dim3A_3 : vector<16xf32> to vector<1x16xf32>
      tpu.vector_store %arg8[%swap3A_48, %swap3A_49], %swap3A_52 {strides = array<i32>} : memref<128x128xf32, #tpu.memory_space<vmem>>, vector<1x16xf32>,
      %swap3A_53 = arith.index_cast %scan3A_33 : i32 to index
      %swap3A_54 = arith.constant 64 : index
      %swap3A_55 = tpu.vector_load %arg8[%swap3A_53, %swap3A_54] {strides = array<i32>} : memref<128x128xf32, #tpu.memory_space<vmem>>, vector<1x16xf32>,
      %swap3A_56 = vector.shape_cast %swap3A_55 : vector<1x16xf32> to vector<16xf32>
      %swap3A_57 = vector.shape_cast %broadcast_in_dim3A_3 : vector<16xf32> to vector<1x16xf32>
      tpu.vector_store %arg8[%swap3A_53, %swap3A_54], %swap3A_57 {strides = array<i32>} : memref<128x128xf32, #tpu.memory_space<vmem>>, vector<1x16xf32>,
      %swap3A_58 = arith.index_cast %scan3A_33 : i32 to index
      %swap3A_59 = arith.constant 80 : index
      %swap3A_60 = tpu.vector_load %arg8[%swap3A_58, %swap3A_59] {strides = array<i32>} : memref<128x128xf32, #tpu.memory_space<vmem>>, vector<1x16xf32>,
      %swap3A_61 = vector.shape_cast %swap3A_60 : vector<1x16xf32> to vector<16xf32>
      %swap3A_62 = vector.shape_cast %broadcast_in_dim3A_3 : vector<16xf32> to vector<1x16xf32>
      tpu.vector_store %arg8[%swap3A_58, %swap3A_59], %swap3A_62 {strides = array<i32>} : memref<128x128xf32, #tpu.memory_space<vmem>>, vector<1x16xf32>,
      %swap3A_63 = arith.index_cast %scan3A_33 : i32 to index
      %swap3A_64 = arith.constant 96 : index
      %swap3A_65 = tpu.vector_load %arg8[%swap3A_63, %swap3A_64] {strides = array<i32>} : memref<128x128xf32, #tpu.memory_space<vmem>>, vector<1x16xf32>,
      %swap3A_66 = vector.shape_cast %swap3A_65 : vector<1x16xf32> to vector<16xf32>
      %swap3A_67 = vector.shape_cast %broadcast_in_dim3A_3 : vector<16xf32> to vector<1x16xf32>
      tpu.vector_store %arg8[%swap3A_63, %swap3A_64], %swap3A_67 {strides = array<i32>} : memref<128x128xf32, #tpu.memory_space<vmem>>, vector<1x16xf32>,
      %swap3A_68 = arith.index_cast %scan3A_33 : i32 to index
      %swap3A_69 = arith.constant 112 : index
      %swap3A_70 = tpu.vector_load %arg8[%swap3A_68, %swap3A_69] {strides = array<i32>} : memref<128x128xf32, #tpu.memory_space<vmem>>, vector<1x16xf32>,
      %swap3A_71 = vector.shape_cast %swap3A_70 : vector<1x16xf32> to vector<16xf32>
      %swap3A_72 = vector.shape_cast %broadcast_in_dim3A_3 : vector<16xf32> to vector<1x16xf32>
      tpu.vector_store %arg8[%swap3A_68, %swap3A_69], %swap3A_72 {strides = array<i32>} : memref<128x128xf32, #tpu.memory_space<vmem>>, vector<1x16xf32>,
    }
    %scan3A_14 = arith.constant 128 : i32
    %mul3A_15 = arith.constant 320 : i32
    %mul3A_16 = arith.muli %arg1, %mul3A_15 : i32
    %scan3A_17 = arith.constant 0 : i32
    %scan3A_18 = arith.constant 0 : i32
    %scan3A_19 = arith.constant 20 : i32
    %scan3A_20 = arith.addi %scan3A_18, %scan3A_19 : i32
    %scan3A_21 = arith.constant 1 : i32
    scf.for %scan3A_33 = %scan3A_18 to %scan3A_20 step %scan3A_21  : i32 {
      %mul3A_34 = arith.constant 16 : i32
      %mul3A_35 = arith.muli %scan3A_33, %mul3A_34 : i32
      %add3A_36 = arith.addi %mul3A_16, %mul3A_35 : i32
      "tpu.region"() ({
        %run_scoped3A = tpu.sem_alloc : memref<!tpu.dma_semaphore, #tpu.memory_space<semaphore_mem>>
        %dma_start3A = arith.constant 0 : i32
        %dma_start3A_37 = tpu.memref_slice %arg10[%add3A_36, %dma_start3A] : memref<5120x128xf32, #tpu.memory_space<vmem_shared>> -> memref<16x128xf32, #tpu.memory_space<vmem_shared>>
        %dma_start3A_38 = arith.constant 0 : i32
        %dma_start3A_39 = tpu.memref_slice %arg10[%add3A_36, %dma_start3A_38] : memref<5120x128xf32, #tpu.memory_space<vmem_shared>> -> memref<16x128xf32, #tpu.memory_space<vmem_shared>>
        tpu.enqueue_dma source(%arg9 : memref<16x128xf32, #tpu.memory_space<vmem>>) target(%dma_start3A_39 : memref<16x128xf32, #tpu.memory_space<vmem_shared>>) target_semaphore(%run_scoped3A : memref<!tpu.dma_semaphore, #tpu.memory_space<semaphore_mem>>)
        %dma_wait3A = arith.constant 0 : i32
        %dma_wait3A_40 = tpu.memref_slice %arg10[%add3A_36, %dma_wait3A] : memref<5120x128xf32, #tpu.memory_space<vmem_shared>> -> memref<16x128xf32, #tpu.memory_space<vmem_shared>>
        %dma_wait3A_41 = arith.constant 0 : i32
        %dma_wait3A_42 = tpu.memref_slice %arg10[%add3A_36, %dma_wait3A_41] : memref<5120x128xf32, #tpu.memory_space<vmem_shared>> -> memref<16x128xf32, #tpu.memory_space<vmem_shared>>
        tpu.wait_dma2 semaphore(%run_scoped3A : memref<!tpu.dma_semaphore, #tpu.memory_space<semaphore_mem>>) src(%arg9 : memref<16x128xf32, #tpu.memory_space<vmem>>) dst(%dma_wait3A_42 : memref<16x128xf32, #tpu.memory_space<vmem_shared>>)
        tpu.yield
      }) : () -> ()
      "tpu.region"() ({
        %run_scoped3A = tpu.sem_alloc : memref<!tpu.dma_semaphore, #tpu.memory_space<semaphore_mem>>
        %dma_start3A = arith.constant 0 : i32
        %dma_start3A_37 = tpu.memref_slice %arg11[%add3A_36, %dma_start3A] : memref<5120x128xf32, #tpu.memory_space<vmem_shared>> -> memref<16x128xf32, #tpu.memory_space<vmem_shared>>
        %dma_start3A_38 = arith.constant 0 : i32
        %dma_start3A_39 = tpu.memref_slice %arg11[%add3A_36, %dma_start3A_38] : memref<5120x128xf32, #tpu.memory_space<vmem_shared>> -> memref<16x128xf32, #tpu.memory_space<vmem_shared>>
        tpu.enqueue_dma source(%arg9 : memref<16x128xf32, #tpu.memory_space<vmem>>) target(%dma_start3A_39 : memref<16x128xf32, #tpu.memory_space<vmem_shared>>) target_semaphore(%run_scoped3A : memref<!tpu.dma_semaphore, #tpu.memory_space<semaphore_mem>>)
        %dma_wait3A = arith.constant 0 : i32
        %dma_wait3A_40 = tpu.memref_slice %arg11[%add3A_36, %dma_wait3A] : memref<5120x128xf32, #tpu.memory_space<vmem_shared>> -> memref<16x128xf32, #tpu.memory_space<vmem_shared>>
        %dma_wait3A_41 = arith.constant 0 : i32
        %dma_wait3A_42 = tpu.memref_slice %arg11[%add3A_36, %dma_wait3A_41] : memref<5120x128xf32, #tpu.memory_space<vmem_shared>> -> memref<16x128xf32, #tpu.memory_space<vmem_shared>>
        tpu.wait_dma2 semaphore(%run_scoped3A : memref<!tpu.dma_semaphore, #tpu.memory_space<semaphore_mem>>) src(%arg9 : memref<16x128xf32, #tpu.memory_space<vmem>>) dst(%dma_wait3A_42 : memref<16x128xf32, #tpu.memory_space<vmem_shared>>)
        tpu.yield
      }) : () -> ()
    }
    %scan3A_22 = arith.constant 20 : i32
    %barrier3A = arith.constant 0 : index
    tpu.barrier barrier_id(%barrier3A)
    %scan3A_23 = arith.constant 0 : i32
    %scan3A_24 = arith.constant 0 : i32
    %scan3A_25 = arith.constant 80 : i32
    %scan3A_26 = arith.addi %scan3A_24, %scan3A_25 : i32
    %scan3A_27 = arith.constant 1 : i32
    scf.for %scan3A_33 = %scan3A_24 to %scan3A_26 step %scan3A_27  : i32 {
      %mul3A_34 = arith.constant 32 : i32
      %mul3A_35 = arith.muli %scan3A_33, %mul3A_34 : i32
      %add3A_36 = arith.addi %add3A, %mul3A_35 : i32
      %mul3A_37 = arith.constant 128 : i32
      %mul3A_38 = arith.muli %add3A_36, %mul3A_37 : i32
      "tpu.region"() ({
        %run_scoped3A = tpu.sem_alloc : memref<!tpu.dma_semaphore, #tpu.memory_space<semaphore_mem>>
        %dma_start3A = tpu.memref_slice %arg2[%mul3A_38] : memref<327680xi32, #tpu.memory_space<hbm>> -> memref<128xi32, #tpu.memory_space<hbm>>
        %dma_start3A_39 = tpu.memref_slice %arg2[%mul3A_38] : memref<327680xi32, #tpu.memory_space<hbm>> -> memref<128xi32, #tpu.memory_space<hbm>>
        tpu.enqueue_dma source(%dma_start3A_39 : memref<128xi32, #tpu.memory_space<hbm>>) target(%arg6 : memref<128xi32, #tpu.memory_space<vmem>>) target_semaphore(%run_scoped3A : memref<!tpu.dma_semaphore, #tpu.memory_space<semaphore_mem>>)
        %dma_wait3A = tpu.memref_slice %arg2[%mul3A_38] : memref<327680xi32, #tpu.memory_space<hbm>> -> memref<128xi32, #tpu.memory_space<hbm>>
        %dma_wait3A_40 = tpu.memref_slice %arg2[%mul3A_38] : memref<327680xi32, #tpu.memory_space<hbm>> -> memref<128xi32, #tpu.memory_space<hbm>>
        tpu.wait_dma2 semaphore(%run_scoped3A : memref<!tpu.dma_semaphore, #tpu.memory_space<semaphore_mem>>) src(%dma_wait3A_40 : memref<128xi32, #tpu.memory_space<hbm>>) dst(%arg6 : memref<128xi32, #tpu.memory_space<vmem>>)
        tpu.yield
      }) : () -> ()
      "tpu.region"() ({
        %run_scoped3A = tpu.sem_alloc : memref<!tpu.dma_semaphore, #tpu.memory_space<semaphore_mem>>
        %dma_start3A = tpu.memref_slice %arg3[%mul3A_38] : memref<327680xi32, #tpu.memory_space<hbm>> -> memref<128xi32, #tpu.memory_space<hbm>>
        %dma_start3A_39 = tpu.memref_slice %arg3[%mul3A_38] : memref<327680xi32, #tpu.memory_space<hbm>> -> memref<128xi32, #tpu.memory_space<hbm>>
        tpu.enqueue_dma source(%dma_start3A_39 : memref<128xi32, #tpu.memory_space<hbm>>) target(%arg7 : memref<128xi32, #tpu.memory_space<vmem>>) target_semaphore(%run_scoped3A : memref<!tpu.dma_semaphore, #tpu.memory_space<semaphore_mem>>)
        %dma_wait3A = tpu.memref_slice %arg3[%mul3A_38] : memref<327680xi32, #tpu.memory_space<hbm>> -> memref<128xi32, #tpu.memory_space<hbm>>
        %dma_wait3A_40 = tpu.memref_slice %arg3[%mul3A_38] : memref<327680xi32, #tpu.memory_space<hbm>> -> memref<128xi32, #tpu.memory_space<hbm>>
        tpu.wait_dma2 semaphore(%run_scoped3A : memref<!tpu.dma_semaphore, #tpu.memory_space<semaphore_mem>>) src(%dma_wait3A_40 : memref<128xi32, #tpu.memory_space<hbm>>) dst(%arg7 : memref<128xi32, #tpu.memory_space<vmem>>)
        tpu.yield
      }) : () -> ()
      "tpu.region"() ({
        %run_scoped3A = tpu.sem_alloc : memref<!tpu.dma_semaphore, #tpu.memory_space<semaphore_mem>>
        %dma_start3A = arith.constant 0 : i32
        %dma_start3A_39 = arith.constant 0 : i32
        %dma_start3A_40 = tpu.memref_slice %arg10[%dma_start3A, %dma_start3A_39] : memref<5120x128xf32, #tpu.memory_space<vmem_shared>> -> memref<5120x128xf32, #tpu.memory_space<vmem_shared>>
        tpu.enqueue_indirect_dma source(%arg8 : memref<128x128xf32, #tpu.memory_space<vmem>>) target(%dma_start3A_40 : memref<5120x128xf32, #tpu.memory_space<vmem_shared>>) offsets(%arg7 : memref<128xi32, #tpu.memory_space<vmem>>) semaphore(%run_scoped3A : memref<!tpu.dma_semaphore, #tpu.memory_space<semaphore_mem>>) {add = true}
        %dma_wait3A = arith.constant 0 : i32
        %dma_wait3A_41 = arith.constant 0 : i32
        %dma_wait3A_42 = tpu.memref_slice %arg10[%dma_wait3A, %dma_wait3A_41] : memref<5120x128xf32, #tpu.memory_space<vmem_shared>> -> memref<5120x128xf32, #tpu.memory_space<vmem_shared>>
        tpu.wait_indirect_dma semaphore(%run_scoped3A : memref<!tpu.dma_semaphore, #tpu.memory_space<semaphore_mem>>) src(%arg8 : memref<128x128xf32, #tpu.memory_space<vmem>>) dst(%dma_wait3A_42 : memref<5120x128xf32, #tpu.memory_space<vmem_shared>>)
        tpu.yield
      }) : () -> ()
      "tpu.region"() ({
        %run_scoped3A = tpu.sem_alloc : memref<!tpu.dma_semaphore, #tpu.memory_space<semaphore_mem>>
        %dma_start3A = arith.constant 0 : i32
        %dma_start3A_39 = arith.constant 0 : i32
        %dma_start3A_40 = tpu.memref_slice %arg11[%dma_start3A, %dma_start3A_39] : memref<5120x128xf32, #tpu.memory_space<vmem_shared>> -> memref<5120x128xf32, #tpu.memory_space<vmem_shared>>
        tpu.enqueue_indirect_dma source(%arg8 : memref<128x128xf32, #tpu.memory_space<vmem>>) target(%dma_start3A_40 : memref<5120x128xf32, #tpu.memory_space<vmem_shared>>) offsets(%arg6 : memref<128xi32, #tpu.memory_space<vmem>>) semaphore(%run_scoped3A : memref<!tpu.dma_semaphore, #tpu.memory_space<semaphore_mem>>) {add = true}
        %dma_wait3A = arith.constant 0 : i32
        %dma_wait3A_41 = arith.constant 0 : i32
        %dma_wait3A_42 = tpu.memref_slice %arg11[%dma_wait3A, %dma_wait3A_41] : memref<5120x128xf32, #tpu.memory_space<vmem_shared>> -> memref<5120x128xf32, #tpu.memory_space<vmem_shared>>
        tpu.wait_indirect_dma semaphore(%run_scoped3A : memref<!tpu.dma_semaphore, #tpu.memory_space<semaphore_mem>>) src(%arg8 : memref<128x128xf32, #tpu.memory_space<vmem>>) dst(%dma_wait3A_42 : memref<5120x128xf32, #tpu.memory_space<vmem_shared>>)
        tpu.yield
      }) : () -> ()
    }
    %scan3A_28 = arith.constant 80 : i32
    %barrier3A_29 = arith.constant 0 : index
    tpu.barrier barrier_id(%barrier3A_29)
    %mul3A_30 = arith.constant 5120 : i32
    %mul3A_31 = arith.muli %arg0, %mul3A_30 : i32
    %add3A_32 = arith.addi %mul3A_31, %mul3A_16 : i32
    "tpu.region"() ({
      %run_scoped3A = tpu.sem_alloc : memref<!tpu.dma_semaphore, #tpu.memory_space<semaphore_mem>>
      %dma_start3A = arith.constant 0 : i32
      %dma_start3A_33 = tpu.memref_slice %arg4[%add3A_32, %dma_start3A] : memref<10240x128xf32, #tpu.memory_space<hbm>> -> memref<320x128xf32, #tpu.memory_space<hbm>>
      %dma_start3A_34 = arith.constant 0 : i32
      %dma_start3A_35 = tpu.memref_slice %arg10[%mul3A_16, %dma_start3A_34] : memref<5120x128xf32, #tpu.memory_space<vmem_shared>> -> memref<320x128xf32, #tpu.memory_space<vmem_shared>>
      tpu.enqueue_dma source(%dma_start3A_35 : memref<320x128xf32, #tpu.memory_space<vmem_shared>>) target(%dma_start3A_33 : memref<320x128xf32, #tpu.memory_space<hbm>>) target_semaphore(%run_scoped3A : memref<!tpu.dma_semaphore, #tpu.memory_space<semaphore_mem>>)
      %dma_wait3A = arith.constant 0 : i32
      %dma_wait3A_36 = tpu.memref_slice %arg4[%add3A_32, %dma_wait3A] : memref<10240x128xf32, #tpu.memory_space<hbm>> -> memref<320x128xf32, #tpu.memory_space<hbm>>
      %dma_wait3A_37 = arith.constant 0 : i32
      %dma_wait3A_38 = tpu.memref_slice %arg10[%mul3A_16, %dma_wait3A_37] : memref<5120x128xf32, #tpu.memory_space<vmem_shared>> -> memref<320x128xf32, #tpu.memory_space<vmem_shared>>
      tpu.wait_dma2 semaphore(%run_scoped3A : memref<!tpu.dma_semaphore, #tpu.memory_space<semaphore_mem>>) src(%dma_wait3A_38 : memref<320x128xf32, #tpu.memory_space<vmem_shared>>) dst(%dma_wait3A_36 : memref<320x128xf32, #tpu.memory_space<hbm>>)
      tpu.yield
    }) : () -> ()
    "tpu.region"() ({
      %run_scoped3A = tpu.sem_alloc : memref<!tpu.dma_semaphore, #tpu.memory_space<semaphore_mem>>
      %dma_start3A = arith.constant 0 : i32
      %dma_start3A_33 = tpu.memref_slice %arg5[%add3A_32, %dma_start3A] : memref<10240x128xf32, #tpu.memory_space<hbm>> -> memref<320x128xf32, #tpu.memory_space<hbm>>
      %dma_start3A_34 = arith.constant 0 : i32
      %dma_start3A_35 = tpu.memref_slice %arg11[%mul3A_16, %dma_start3A_34] : memref<5120x128xf32, #tpu.memory_space<vmem_shared>> -> memref<320x128xf32, #tpu.memory_space<vmem_shared>>
      tpu.enqueue_dma source(%dma_start3A_35 : memref<320x128xf32, #tpu.memory_space<vmem_shared>>) target(%dma_start3A_33 : memref<320x128xf32, #tpu.memory_space<hbm>>) target_semaphore(%run_scoped3A : memref<!tpu.dma_semaphore, #tpu.memory_space<semaphore_mem>>)
      %dma_wait3A = arith.constant 0 : i32
      %dma_wait3A_36 = tpu.memref_slice %arg5[%add3A_32, %dma_wait3A] : memref<10240x128xf32, #tpu.memory_space<hbm>> -> memref<320x128xf32, #tpu.memory_space<hbm>>
      %dma_wait3A_37 = arith.constant 0 : i32
      %dma_wait3A_38 = tpu.memref_slice %arg11[%mul3A_16, %dma_wait3A_37] : memref<5120x128xf32, #tpu.memory_space<vmem_shared>> -> memref<320x128xf32, #tpu.memory_space<vmem_shared>>
      tpu.wait_dma2 semaphore(%run_scoped3A : memref<!tpu.dma_semaphore, #tpu.memory_space<semaphore_mem>>) src(%dma_wait3A_38 : memref<320x128xf32, #tpu.memory_space<vmem_shared>>) dst(%dma_wait3A_36 : memref<320x128xf32, #tpu.memory_space<hbm>>)
      tpu.yield
    }) : () -> ()
    return
  }
}

#map = affine_map<(d0, d1) -> (0, 0)>
#map1 = affine_map<(d0, d1) -> (0)>
module attributes {stable_mosaic.version = 14 : i64} {
  func.func @agg(%arg0: i32, %arg1: i32, %arg2: memref<5120x128xf32, #tpu.memory_space<hbm>>, %arg3: memref<5120x128xf32, #tpu.memory_space<hbm>>, %arg4: memref<327680xi32, #tpu.memory_space<hbm>>, %arg5: memref<327680xi32, #tpu.memory_space<hbm>>, %arg6: memref<10240x128xf32, #tpu.memory_space<hbm>>, %arg7: memref<10240x128xf32, #tpu.memory_space<hbm>>, %arg8: memref<64xi32, #tpu.memory_space<vmem>>, %arg9: memref<64xi32, #tpu.memory_space<vmem>>, %arg10: memref<64xi32, #tpu.memory_space<vmem>>, %arg11: memref<64xi32, #tpu.memory_space<vmem>>, %arg12: memref<64x128xf32, #tpu.memory_space<vmem>>, %arg13: memref<64x128xf32, #tpu.memory_space<vmem>>, %arg14: memref<64x128xf32, #tpu.memory_space<vmem>>, %arg15: memref<64x128xf32, #tpu.memory_space<vmem>>, %arg16: memref<16x128xf32, #tpu.memory_space<vmem>>, %arg17: memref<5120x128xf32, #tpu.memory_space<vmem_shared>>, %arg18: memref<5120x128xf32, #tpu.memory_space<vmem_shared>>, %arg19: memref<!tpu.dma_semaphore, #tpu.memory_space<semaphore_mem>>, %arg20: memref<!tpu.dma_semaphore, #tpu.memory_space<semaphore_mem>>, %arg21: memref<!tpu.dma_semaphore, #tpu.memory_space<semaphore_mem>>, %arg22: memref<!tpu.dma_semaphore, #tpu.memory_space<semaphore_mem>>) attributes {dimension_semantics = [#tpu.dimension_semantics<core_parallel>, #tpu.dimension_semantics<subcore_parallel>], iteration_bounds = array<i64: 2, 16>, scalar_prefetch = 0 : i64, scratch_operands = 15 : i64, tpu.core_type = #tpu.core_type<sc_vector_subcore>, window_params = [{transform_indices = #map}, {transform_indices = #map}, {transform_indices = #map1}, {transform_indices = #map1}, {transform_indices = #map}, {transform_indices = #map}]} {
    %mul3A = arith.constant 2 : i32
    %mul3A_0 = arith.muli %arg1, %mul3A : i32
    %add3A = arith.addi %mul3A_0, %arg0 : i32
    %broadcast_in_dim3A = arith.constant 0.000000e+00 : f32
    %broadcast_in_dim3A_1 = vector.broadcast %broadcast_in_dim3A : f32 to vector<16xf32>
    %scan3A = arith.constant 0 : i32
    %scan3A_2 = arith.constant 0 : i32
    %scan3A_3 = arith.constant 16 : i32
    %scan3A_4 = arith.addi %scan3A_2, %scan3A_3 : i32
    %scan3A_5 = arith.constant 1 : i32
    scf.for %scan3A_55 = %scan3A_2 to %scan3A_4 step %scan3A_5  : i32 {
      %swap3A = arith.index_cast %scan3A_55 : i32 to index
      %swap3A_56 = arith.constant 0 : index
      %swap3A_57 = tpu.vector_load %arg16[%swap3A, %swap3A_56] {strides = array<i32>} : memref<16x128xf32, #tpu.memory_space<vmem>>, vector<1x16xf32>,
      %swap3A_58 = vector.shape_cast %swap3A_57 : vector<1x16xf32> to vector<16xf32>
      %swap3A_59 = vector.shape_cast %broadcast_in_dim3A_1 : vector<16xf32> to vector<1x16xf32>
      tpu.vector_store %arg16[%swap3A, %swap3A_56], %swap3A_59 {strides = array<i32>} : memref<16x128xf32, #tpu.memory_space<vmem>>, vector<1x16xf32>,
      %swap3A_60 = arith.index_cast %scan3A_55 : i32 to index
      %swap3A_61 = arith.constant 16 : index
      %swap3A_62 = tpu.vector_load %arg16[%swap3A_60, %swap3A_61] {strides = array<i32>} : memref<16x128xf32, #tpu.memory_space<vmem>>, vector<1x16xf32>,
      %swap3A_63 = vector.shape_cast %swap3A_62 : vector<1x16xf32> to vector<16xf32>
      %swap3A_64 = vector.shape_cast %broadcast_in_dim3A_1 : vector<16xf32> to vector<1x16xf32>
      tpu.vector_store %arg16[%swap3A_60, %swap3A_61], %swap3A_64 {strides = array<i32>} : memref<16x128xf32, #tpu.memory_space<vmem>>, vector<1x16xf32>,
      %swap3A_65 = arith.index_cast %scan3A_55 : i32 to index
      %swap3A_66 = arith.constant 32 : index
      %swap3A_67 = tpu.vector_load %arg16[%swap3A_65, %swap3A_66] {strides = array<i32>} : memref<16x128xf32, #tpu.memory_space<vmem>>, vector<1x16xf32>,
      %swap3A_68 = vector.shape_cast %swap3A_67 : vector<1x16xf32> to vector<16xf32>
      %swap3A_69 = vector.shape_cast %broadcast_in_dim3A_1 : vector<16xf32> to vector<1x16xf32>
      tpu.vector_store %arg16[%swap3A_65, %swap3A_66], %swap3A_69 {strides = array<i32>} : memref<16x128xf32, #tpu.memory_space<vmem>>, vector<1x16xf32>,
      %swap3A_70 = arith.index_cast %scan3A_55 : i32 to index
      %swap3A_71 = arith.constant 48 : index
      %swap3A_72 = tpu.vector_load %arg16[%swap3A_70, %swap3A_71] {strides = array<i32>} : memref<16x128xf32, #tpu.memory_space<vmem>>, vector<1x16xf32>,
      %swap3A_73 = vector.shape_cast %swap3A_72 : vector<1x16xf32> to vector<16xf32>
      %swap3A_74 = vector.shape_cast %broadcast_in_dim3A_1 : vector<16xf32> to vector<1x16xf32>
      tpu.vector_store %arg16[%swap3A_70, %swap3A_71], %swap3A_74 {strides = array<i32>} : memref<16x128xf32, #tpu.memory_space<vmem>>, vector<1x16xf32>,
      %swap3A_75 = arith.index_cast %scan3A_55 : i32 to index
      %swap3A_76 = arith.constant 64 : index
      %swap3A_77 = tpu.vector_load %arg16[%swap3A_75, %swap3A_76] {strides = array<i32>} : memref<16x128xf32, #tpu.memory_space<vmem>>, vector<1x16xf32>,
      %swap3A_78 = vector.shape_cast %swap3A_77 : vector<1x16xf32> to vector<16xf32>
      %swap3A_79 = vector.shape_cast %broadcast_in_dim3A_1 : vector<16xf32> to vector<1x16xf32>
      tpu.vector_store %arg16[%swap3A_75, %swap3A_76], %swap3A_79 {strides = array<i32>} : memref<16x128xf32, #tpu.memory_space<vmem>>, vector<1x16xf32>,
      %swap3A_80 = arith.index_cast %scan3A_55 : i32 to index
      %swap3A_81 = arith.constant 80 : index
      %swap3A_82 = tpu.vector_load %arg16[%swap3A_80, %swap3A_81] {strides = array<i32>} : memref<16x128xf32, #tpu.memory_space<vmem>>, vector<1x16xf32>,
      %swap3A_83 = vector.shape_cast %swap3A_82 : vector<1x16xf32> to vector<16xf32>
      %swap3A_84 = vector.shape_cast %broadcast_in_dim3A_1 : vector<16xf32> to vector<1x16xf32>
      tpu.vector_store %arg16[%swap3A_80, %swap3A_81], %swap3A_84 {strides = array<i32>} : memref<16x128xf32, #tpu.memory_space<vmem>>, vector<1x16xf32>,
      %swap3A_85 = arith.index_cast %scan3A_55 : i32 to index
      %swap3A_86 = arith.constant 96 : index
      %swap3A_87 = tpu.vector_load %arg16[%swap3A_85, %swap3A_86] {strides = array<i32>} : memref<16x128xf32, #tpu.memory_space<vmem>>, vector<1x16xf32>,
      %swap3A_88 = vector.shape_cast %swap3A_87 : vector<1x16xf32> to vector<16xf32>
      %swap3A_89 = vector.shape_cast %broadcast_in_dim3A_1 : vector<16xf32> to vector<1x16xf32>
      tpu.vector_store %arg16[%swap3A_85, %swap3A_86], %swap3A_89 {strides = array<i32>} : memref<16x128xf32, #tpu.memory_space<vmem>>, vector<1x16xf32>,
      %swap3A_90 = arith.index_cast %scan3A_55 : i32 to index
      %swap3A_91 = arith.constant 112 : index
      %swap3A_92 = tpu.vector_load %arg16[%swap3A_90, %swap3A_91] {strides = array<i32>} : memref<16x128xf32, #tpu.memory_space<vmem>>, vector<1x16xf32>,
      %swap3A_93 = vector.shape_cast %swap3A_92 : vector<1x16xf32> to vector<16xf32>
      %swap3A_94 = vector.shape_cast %broadcast_in_dim3A_1 : vector<16xf32> to vector<1x16xf32>
      tpu.vector_store %arg16[%swap3A_90, %swap3A_91], %swap3A_94 {strides = array<i32>} : memref<16x128xf32, #tpu.memory_space<vmem>>, vector<1x16xf32>,
    }
    %scan3A_6 = arith.constant 16 : i32
    %mul3A_7 = arith.constant 320 : i32
    %mul3A_8 = arith.muli %arg1, %mul3A_7 : i32
    %scan3A_9 = arith.constant 0 : i32
    %scan3A_10 = arith.constant 0 : i32
    %scan3A_11 = arith.constant 20 : i32
    %scan3A_12 = arith.addi %scan3A_10, %scan3A_11 : i32
    %scan3A_13 = arith.constant 1 : i32
    scf.for %scan3A_55 = %scan3A_10 to %scan3A_12 step %scan3A_13  : i32 {
      %mul3A_56 = arith.constant 16 : i32
      %mul3A_57 = arith.muli %scan3A_55, %mul3A_56 : i32
      %add3A_58 = arith.addi %mul3A_8, %mul3A_57 : i32
      "tpu.region"() ({
        %run_scoped3A = tpu.sem_alloc : memref<!tpu.dma_semaphore, #tpu.memory_space<semaphore_mem>>
        %dma_start3A_59 = arith.constant 0 : i32
        %dma_start3A_60 = tpu.memref_slice %arg17[%add3A_58, %dma_start3A_59] : memref<5120x128xf32, #tpu.memory_space<vmem_shared>> -> memref<16x128xf32, #tpu.memory_space<vmem_shared>>
        %dma_start3A_61 = arith.constant 0 : i32
        %dma_start3A_62 = tpu.memref_slice %arg17[%add3A_58, %dma_start3A_61] : memref<5120x128xf32, #tpu.memory_space<vmem_shared>> -> memref<16x128xf32, #tpu.memory_space<vmem_shared>>
        tpu.enqueue_dma source(%arg16 : memref<16x128xf32, #tpu.memory_space<vmem>>) target(%dma_start3A_62 : memref<16x128xf32, #tpu.memory_space<vmem_shared>>) target_semaphore(%run_scoped3A : memref<!tpu.dma_semaphore, #tpu.memory_space<semaphore_mem>>)
        %dma_wait3A_63 = arith.constant 0 : i32
        %dma_wait3A_64 = tpu.memref_slice %arg17[%add3A_58, %dma_wait3A_63] : memref<5120x128xf32, #tpu.memory_space<vmem_shared>> -> memref<16x128xf32, #tpu.memory_space<vmem_shared>>
        %dma_wait3A_65 = arith.constant 0 : i32
        %dma_wait3A_66 = tpu.memref_slice %arg17[%add3A_58, %dma_wait3A_65] : memref<5120x128xf32, #tpu.memory_space<vmem_shared>> -> memref<16x128xf32, #tpu.memory_space<vmem_shared>>
        tpu.wait_dma2 semaphore(%run_scoped3A : memref<!tpu.dma_semaphore, #tpu.memory_space<semaphore_mem>>) src(%arg16 : memref<16x128xf32, #tpu.memory_space<vmem>>) dst(%dma_wait3A_66 : memref<16x128xf32, #tpu.memory_space<vmem_shared>>)
        tpu.yield
      }) : () -> ()
      "tpu.region"() ({
        %run_scoped3A = tpu.sem_alloc : memref<!tpu.dma_semaphore, #tpu.memory_space<semaphore_mem>>
        %dma_start3A_59 = arith.constant 0 : i32
        %dma_start3A_60 = tpu.memref_slice %arg18[%add3A_58, %dma_start3A_59] : memref<5120x128xf32, #tpu.memory_space<vmem_shared>> -> memref<16x128xf32, #tpu.memory_space<vmem_shared>>
        %dma_start3A_61 = arith.constant 0 : i32
        %dma_start3A_62 = tpu.memref_slice %arg18[%add3A_58, %dma_start3A_61] : memref<5120x128xf32, #tpu.memory_space<vmem_shared>> -> memref<16x128xf32, #tpu.memory_space<vmem_shared>>
        tpu.enqueue_dma source(%arg16 : memref<16x128xf32, #tpu.memory_space<vmem>>) target(%dma_start3A_62 : memref<16x128xf32, #tpu.memory_space<vmem_shared>>) target_semaphore(%run_scoped3A : memref<!tpu.dma_semaphore, #tpu.memory_space<semaphore_mem>>)
        %dma_wait3A_63 = arith.constant 0 : i32
        %dma_wait3A_64 = tpu.memref_slice %arg18[%add3A_58, %dma_wait3A_63] : memref<5120x128xf32, #tpu.memory_space<vmem_shared>> -> memref<16x128xf32, #tpu.memory_space<vmem_shared>>
        %dma_wait3A_65 = arith.constant 0 : i32
        %dma_wait3A_66 = tpu.memref_slice %arg18[%add3A_58, %dma_wait3A_65] : memref<5120x128xf32, #tpu.memory_space<vmem_shared>> -> memref<16x128xf32, #tpu.memory_space<vmem_shared>>
        tpu.wait_dma2 semaphore(%run_scoped3A : memref<!tpu.dma_semaphore, #tpu.memory_space<semaphore_mem>>) src(%arg16 : memref<16x128xf32, #tpu.memory_space<vmem>>) dst(%dma_wait3A_66 : memref<16x128xf32, #tpu.memory_space<vmem_shared>>)
        tpu.yield
      }) : () -> ()
    }
    %scan3A_14 = arith.constant 20 : i32
    %barrier3A = arith.constant 0 : index
    tpu.barrier barrier_id(%barrier3A)
    %add3A_15 = arith.constant 0 : i32
    %add3A_16 = arith.addi %add3A, %add3A_15 : i32
    %mul3A_17 = arith.constant 64 : i32
    %mul3A_18 = arith.muli %add3A_16, %mul3A_17 : i32
    "tpu.region"() ({
      %run_scoped3A = tpu.sem_alloc : memref<!tpu.dma_semaphore, #tpu.memory_space<semaphore_mem>>
      %dma_start3A_55 = tpu.memref_slice %arg4[%mul3A_18] : memref<327680xi32, #tpu.memory_space<hbm>> -> memref<64xi32, #tpu.memory_space<hbm>>
      %dma_start3A_56 = tpu.memref_slice %arg4[%mul3A_18] : memref<327680xi32, #tpu.memory_space<hbm>> -> memref<64xi32, #tpu.memory_space<hbm>>
      tpu.enqueue_dma source(%dma_start3A_56 : memref<64xi32, #tpu.memory_space<hbm>>) target(%arg8 : memref<64xi32, #tpu.memory_space<vmem>>) target_semaphore(%run_scoped3A : memref<!tpu.dma_semaphore, #tpu.memory_space<semaphore_mem>>)
      %dma_wait3A_57 = tpu.memref_slice %arg4[%mul3A_18] : memref<327680xi32, #tpu.memory_space<hbm>> -> memref<64xi32, #tpu.memory_space<hbm>>
      %dma_wait3A_58 = tpu.memref_slice %arg4[%mul3A_18] : memref<327680xi32, #tpu.memory_space<hbm>> -> memref<64xi32, #tpu.memory_space<hbm>>
      tpu.wait_dma2 semaphore(%run_scoped3A : memref<!tpu.dma_semaphore, #tpu.memory_space<semaphore_mem>>) src(%dma_wait3A_58 : memref<64xi32, #tpu.memory_space<hbm>>) dst(%arg8 : memref<64xi32, #tpu.memory_space<vmem>>)
      tpu.yield
    }) : () -> ()
    "tpu.region"() ({
      %run_scoped3A = tpu.sem_alloc : memref<!tpu.dma_semaphore, #tpu.memory_space<semaphore_mem>>
      %dma_start3A_55 = tpu.memref_slice %arg5[%mul3A_18] : memref<327680xi32, #tpu.memory_space<hbm>> -> memref<64xi32, #tpu.memory_space<hbm>>
      %dma_start3A_56 = tpu.memref_slice %arg5[%mul3A_18] : memref<327680xi32, #tpu.memory_space<hbm>> -> memref<64xi32, #tpu.memory_space<hbm>>
      tpu.enqueue_dma source(%dma_start3A_56 : memref<64xi32, #tpu.memory_space<hbm>>) target(%arg9 : memref<64xi32, #tpu.memory_space<vmem>>) target_semaphore(%run_scoped3A : memref<!tpu.dma_semaphore, #tpu.memory_space<semaphore_mem>>)
      %dma_wait3A_57 = tpu.memref_slice %arg5[%mul3A_18] : memref<327680xi32, #tpu.memory_space<hbm>> -> memref<64xi32, #tpu.memory_space<hbm>>
      %dma_wait3A_58 = tpu.memref_slice %arg5[%mul3A_18] : memref<327680xi32, #tpu.memory_space<hbm>> -> memref<64xi32, #tpu.memory_space<hbm>>
      tpu.wait_dma2 semaphore(%run_scoped3A : memref<!tpu.dma_semaphore, #tpu.memory_space<semaphore_mem>>) src(%dma_wait3A_58 : memref<64xi32, #tpu.memory_space<hbm>>) dst(%arg9 : memref<64xi32, #tpu.memory_space<vmem>>)
      tpu.yield
    }) : () -> ()
    %dma_start3A = arith.constant 0 : i32
    %dma_start3A_19 = arith.constant 0 : i32
    %dma_start3A_20 = tpu.memref_slice %arg2[%dma_start3A, %dma_start3A_19] : memref<5120x128xf32, #tpu.memory_space<hbm>> -> memref<5120x128xf32, #tpu.memory_space<hbm>>
    tpu.enqueue_indirect_dma source(%dma_start3A_20 : memref<5120x128xf32, #tpu.memory_space<hbm>>) target(%arg12 : memref<64x128xf32, #tpu.memory_space<vmem>>) offsets(%arg8 : memref<64xi32, #tpu.memory_space<vmem>>) semaphore(%arg19 : memref<!tpu.dma_semaphore, #tpu.memory_space<semaphore_mem>>)
    %dma_start3A_21 = arith.constant 0 : i32
    %dma_start3A_22 = arith.constant 0 : i32
    %dma_start3A_23 = tpu.memref_slice %arg3[%dma_start3A_21, %dma_start3A_22] : memref<5120x128xf32, #tpu.memory_space<hbm>> -> memref<5120x128xf32, #tpu.memory_space<hbm>>
    tpu.enqueue_indirect_dma source(%dma_start3A_23 : memref<5120x128xf32, #tpu.memory_space<hbm>>) target(%arg13 : memref<64x128xf32, #tpu.memory_space<vmem>>) offsets(%arg9 : memref<64xi32, #tpu.memory_space<vmem>>) semaphore(%arg20 : memref<!tpu.dma_semaphore, #tpu.memory_space<semaphore_mem>>)
    %scan3A_24 = arith.constant 0 : i32
    %scan3A_25 = arith.constant 0 : i32
    %scan3A_26 = arith.constant 79 : i32
    %scan3A_27 = arith.addi %scan3A_25, %scan3A_26 : i32
    %scan3A_28 = arith.constant 1 : i32
    scf.for %scan3A_55 = %scan3A_25 to %scan3A_27 step %scan3A_28  : i32 {
      %mul3A_56 = arith.constant 2 : i32
      %mul3A_57 = arith.muli %mul3A_56, %scan3A_55 : i32
      %add3A_58 = arith.constant 1 : i32
      %add3A_59 = arith.addi %mul3A_57, %add3A_58 : i32
      %mul3A_60 = arith.constant 32 : i32
      %mul3A_61 = arith.muli %add3A_59, %mul3A_60 : i32
      %add3A_62 = arith.addi %add3A, %mul3A_61 : i32
      %mul3A_63 = arith.constant 64 : i32
      %mul3A_64 = arith.muli %add3A_62, %mul3A_63 : i32
      "tpu.region"() ({
        %run_scoped3A = tpu.sem_alloc : memref<!tpu.dma_semaphore, #tpu.memory_space<semaphore_mem>>
        %dma_start3A_98 = tpu.memref_slice %arg4[%mul3A_64] : memref<327680xi32, #tpu.memory_space<hbm>> -> memref<64xi32, #tpu.memory_space<hbm>>
        %dma_start3A_99 = tpu.memref_slice %arg4[%mul3A_64] : memref<327680xi32, #tpu.memory_space<hbm>> -> memref<64xi32, #tpu.memory_space<hbm>>
        tpu.enqueue_dma source(%dma_start3A_99 : memref<64xi32, #tpu.memory_space<hbm>>) target(%arg10 : memref<64xi32, #tpu.memory_space<vmem>>) target_semaphore(%run_scoped3A : memref<!tpu.dma_semaphore, #tpu.memory_space<semaphore_mem>>)
        %dma_wait3A_100 = tpu.memref_slice %arg4[%mul3A_64] : memref<327680xi32, #tpu.memory_space<hbm>> -> memref<64xi32, #tpu.memory_space<hbm>>
        %dma_wait3A_101 = tpu.memref_slice %arg4[%mul3A_64] : memref<327680xi32, #tpu.memory_space<hbm>> -> memref<64xi32, #tpu.memory_space<hbm>>
        tpu.wait_dma2 semaphore(%run_scoped3A : memref<!tpu.dma_semaphore, #tpu.memory_space<semaphore_mem>>) src(%dma_wait3A_101 : memref<64xi32, #tpu.memory_space<hbm>>) dst(%arg10 : memref<64xi32, #tpu.memory_space<vmem>>)
        tpu.yield
      }) : () -> ()
      "tpu.region"() ({
        %run_scoped3A = tpu.sem_alloc : memref<!tpu.dma_semaphore, #tpu.memory_space<semaphore_mem>>
        %dma_start3A_98 = tpu.memref_slice %arg5[%mul3A_64] : memref<327680xi32, #tpu.memory_space<hbm>> -> memref<64xi32, #tpu.memory_space<hbm>>
        %dma_start3A_99 = tpu.memref_slice %arg5[%mul3A_64] : memref<327680xi32, #tpu.memory_space<hbm>> -> memref<64xi32, #tpu.memory_space<hbm>>
        tpu.enqueue_dma source(%dma_start3A_99 : memref<64xi32, #tpu.memory_space<hbm>>) target(%arg11 : memref<64xi32, #tpu.memory_space<vmem>>) target_semaphore(%run_scoped3A : memref<!tpu.dma_semaphore, #tpu.memory_space<semaphore_mem>>)
        %dma_wait3A_100 = tpu.memref_slice %arg5[%mul3A_64] : memref<327680xi32, #tpu.memory_space<hbm>> -> memref<64xi32, #tpu.memory_space<hbm>>
        %dma_wait3A_101 = tpu.memref_slice %arg5[%mul3A_64] : memref<327680xi32, #tpu.memory_space<hbm>> -> memref<64xi32, #tpu.memory_space<hbm>>
        tpu.wait_dma2 semaphore(%run_scoped3A : memref<!tpu.dma_semaphore, #tpu.memory_space<semaphore_mem>>) src(%dma_wait3A_101 : memref<64xi32, #tpu.memory_space<hbm>>) dst(%arg11 : memref<64xi32, #tpu.memory_space<vmem>>)
        tpu.yield
      }) : () -> ()
      %dma_start3A_65 = arith.constant 0 : i32
      %dma_start3A_66 = arith.constant 0 : i32
      %dma_start3A_67 = tpu.memref_slice %arg2[%dma_start3A_65, %dma_start3A_66] : memref<5120x128xf32, #tpu.memory_space<hbm>> -> memref<5120x128xf32, #tpu.memory_space<hbm>>
      tpu.enqueue_indirect_dma source(%dma_start3A_67 : memref<5120x128xf32, #tpu.memory_space<hbm>>) target(%arg14 : memref<64x128xf32, #tpu.memory_space<vmem>>) offsets(%arg10 : memref<64xi32, #tpu.memory_space<vmem>>) semaphore(%arg21 : memref<!tpu.dma_semaphore, #tpu.memory_space<semaphore_mem>>)
      %dma_start3A_68 = arith.constant 0 : i32
      %dma_start3A_69 = arith.constant 0 : i32
      %dma_start3A_70 = tpu.memref_slice %arg3[%dma_start3A_68, %dma_start3A_69] : memref<5120x128xf32, #tpu.memory_space<hbm>> -> memref<5120x128xf32, #tpu.memory_space<hbm>>
      tpu.enqueue_indirect_dma source(%dma_start3A_70 : memref<5120x128xf32, #tpu.memory_space<hbm>>) target(%arg15 : memref<64x128xf32, #tpu.memory_space<vmem>>) offsets(%arg11 : memref<64xi32, #tpu.memory_space<vmem>>) semaphore(%arg22 : memref<!tpu.dma_semaphore, #tpu.memory_space<semaphore_mem>>)
      %dma_wait3A_71 = arith.constant 0 : i32
      %dma_wait3A_72 = arith.constant 0 : i32
      %dma_wait3A_73 = tpu.memref_slice %arg2[%dma_wait3A_71, %dma_wait3A_72] : memref<5120x128xf32, #tpu.memory_space<hbm>> -> memref<5120x128xf32, #tpu.memory_space<hbm>>
      tpu.wait_indirect_dma semaphore(%arg19 : memref<!tpu.dma_semaphore, #tpu.memory_space<semaphore_mem>>) src(%dma_wait3A_73 : memref<5120x128xf32, #tpu.memory_space<hbm>>) dst(%arg12 : memref<64x128xf32, #tpu.memory_space<vmem>>)
      %dma_wait3A_74 = arith.constant 0 : i32
      %dma_wait3A_75 = arith.constant 0 : i32
      %dma_wait3A_76 = tpu.memref_slice %arg3[%dma_wait3A_74, %dma_wait3A_75] : memref<5120x128xf32, #tpu.memory_space<hbm>> -> memref<5120x128xf32, #tpu.memory_space<hbm>>
      tpu.wait_indirect_dma semaphore(%arg20 : memref<!tpu.dma_semaphore, #tpu.memory_space<semaphore_mem>>) src(%dma_wait3A_76 : memref<5120x128xf32, #tpu.memory_space<hbm>>) dst(%arg13 : memref<64x128xf32, #tpu.memory_space<vmem>>)
      "tpu.region"() ({
        %run_scoped3A = tpu.sem_alloc : memref<!tpu.dma_semaphore, #tpu.memory_space<semaphore_mem>>
        %dma_start3A_98 = arith.constant 0 : i32
        %dma_start3A_99 = arith.constant 0 : i32
        %dma_start3A_100 = tpu.memref_slice %arg17[%dma_start3A_98, %dma_start3A_99] : memref<5120x128xf32, #tpu.memory_space<vmem_shared>> -> memref<5120x128xf32, #tpu.memory_space<vmem_shared>>
        tpu.enqueue_indirect_dma source(%arg12 : memref<64x128xf32, #tpu.memory_space<vmem>>) target(%dma_start3A_100 : memref<5120x128xf32, #tpu.memory_space<vmem_shared>>) offsets(%arg9 : memref<64xi32, #tpu.memory_space<vmem>>) semaphore(%run_scoped3A : memref<!tpu.dma_semaphore, #tpu.memory_space<semaphore_mem>>) {add = true}
        %dma_wait3A_101 = arith.constant 0 : i32
        %dma_wait3A_102 = arith.constant 0 : i32
        %dma_wait3A_103 = tpu.memref_slice %arg17[%dma_wait3A_101, %dma_wait3A_102] : memref<5120x128xf32, #tpu.memory_space<vmem_shared>> -> memref<5120x128xf32, #tpu.memory_space<vmem_shared>>
        tpu.wait_indirect_dma semaphore(%run_scoped3A : memref<!tpu.dma_semaphore, #tpu.memory_space<semaphore_mem>>) src(%arg12 : memref<64x128xf32, #tpu.memory_space<vmem>>) dst(%dma_wait3A_103 : memref<5120x128xf32, #tpu.memory_space<vmem_shared>>)
        tpu.yield
      }) : () -> ()
      "tpu.region"() ({
        %run_scoped3A = tpu.sem_alloc : memref<!tpu.dma_semaphore, #tpu.memory_space<semaphore_mem>>
        %dma_start3A_98 = arith.constant 0 : i32
        %dma_start3A_99 = arith.constant 0 : i32
        %dma_start3A_100 = tpu.memref_slice %arg18[%dma_start3A_98, %dma_start3A_99] : memref<5120x128xf32, #tpu.memory_space<vmem_shared>> -> memref<5120x128xf32, #tpu.memory_space<vmem_shared>>
        tpu.enqueue_indirect_dma source(%arg13 : memref<64x128xf32, #tpu.memory_space<vmem>>) target(%dma_start3A_100 : memref<5120x128xf32, #tpu.memory_space<vmem_shared>>) offsets(%arg8 : memref<64xi32, #tpu.memory_space<vmem>>) semaphore(%run_scoped3A : memref<!tpu.dma_semaphore, #tpu.memory_space<semaphore_mem>>) {add = true}
        %dma_wait3A_101 = arith.constant 0 : i32
        %dma_wait3A_102 = arith.constant 0 : i32
        %dma_wait3A_103 = tpu.memref_slice %arg18[%dma_wait3A_101, %dma_wait3A_102] : memref<5120x128xf32, #tpu.memory_space<vmem_shared>> -> memref<5120x128xf32, #tpu.memory_space<vmem_shared>>
        tpu.wait_indirect_dma semaphore(%run_scoped3A : memref<!tpu.dma_semaphore, #tpu.memory_space<semaphore_mem>>) src(%arg13 : memref<64x128xf32, #tpu.memory_space<vmem>>) dst(%dma_wait3A_103 : memref<5120x128xf32, #tpu.memory_space<vmem_shared>>)
        tpu.yield
      }) : () -> ()
      %mul3A_77 = arith.constant 2 : i32
      %mul3A_78 = arith.muli %mul3A_77, %scan3A_55 : i32
      %add3A_79 = arith.constant 2 : i32
      %add3A_80 = arith.addi %mul3A_78, %add3A_79 : i32
      %mul3A_81 = arith.constant 32 : i32
      %mul3A_82 = arith.muli %add3A_80, %mul3A_81 : i32
      %add3A_83 = arith.addi %add3A, %mul3A_82 : i32
      %mul3A_84 = arith.constant 64 : i32
      %mul3A_85 = arith.muli %add3A_83, %mul3A_84 : i32
      "tpu.region"() ({
        %run_scoped3A = tpu.sem_alloc : memref<!tpu.dma_semaphore, #tpu.memory_space<semaphore_mem>>
        %dma_start3A_98 = tpu.memref_slice %arg4[%mul3A_85] : memref<327680xi32, #tpu.memory_space<hbm>> -> memref<64xi32, #tpu.memory_space<hbm>>
        %dma_start3A_99 = tpu.memref_slice %arg4[%mul3A_85] : memref<327680xi32, #tpu.memory_space<hbm>> -> memref<64xi32, #tpu.memory_space<hbm>>
        tpu.enqueue_dma source(%dma_start3A_99 : memref<64xi32, #tpu.memory_space<hbm>>) target(%arg8 : memref<64xi32, #tpu.memory_space<vmem>>) target_semaphore(%run_scoped3A : memref<!tpu.dma_semaphore, #tpu.memory_space<semaphore_mem>>)
        %dma_wait3A_100 = tpu.memref_slice %arg4[%mul3A_85] : memref<327680xi32, #tpu.memory_space<hbm>> -> memref<64xi32, #tpu.memory_space<hbm>>
        %dma_wait3A_101 = tpu.memref_slice %arg4[%mul3A_85] : memref<327680xi32, #tpu.memory_space<hbm>> -> memref<64xi32, #tpu.memory_space<hbm>>
        tpu.wait_dma2 semaphore(%run_scoped3A : memref<!tpu.dma_semaphore, #tpu.memory_space<semaphore_mem>>) src(%dma_wait3A_101 : memref<64xi32, #tpu.memory_space<hbm>>) dst(%arg8 : memref<64xi32, #tpu.memory_space<vmem>>)
        tpu.yield
      }) : () -> ()
      "tpu.region"() ({
        %run_scoped3A = tpu.sem_alloc : memref<!tpu.dma_semaphore, #tpu.memory_space<semaphore_mem>>
        %dma_start3A_98 = tpu.memref_slice %arg5[%mul3A_85] : memref<327680xi32, #tpu.memory_space<hbm>> -> memref<64xi32, #tpu.memory_space<hbm>>
        %dma_start3A_99 = tpu.memref_slice %arg5[%mul3A_85] : memref<327680xi32, #tpu.memory_space<hbm>> -> memref<64xi32, #tpu.memory_space<hbm>>
        tpu.enqueue_dma source(%dma_start3A_99 : memref<64xi32, #tpu.memory_space<hbm>>) target(%arg9 : memref<64xi32, #tpu.memory_space<vmem>>) target_semaphore(%run_scoped3A : memref<!tpu.dma_semaphore, #tpu.memory_space<semaphore_mem>>)
        %dma_wait3A_100 = tpu.memref_slice %arg5[%mul3A_85] : memref<327680xi32, #tpu.memory_space<hbm>> -> memref<64xi32, #tpu.memory_space<hbm>>
        %dma_wait3A_101 = tpu.memref_slice %arg5[%mul3A_85] : memref<327680xi32, #tpu.memory_space<hbm>> -> memref<64xi32, #tpu.memory_space<hbm>>
        tpu.wait_dma2 semaphore(%run_scoped3A : memref<!tpu.dma_semaphore, #tpu.memory_space<semaphore_mem>>) src(%dma_wait3A_101 : memref<64xi32, #tpu.memory_space<hbm>>) dst(%arg9 : memref<64xi32, #tpu.memory_space<vmem>>)
        tpu.yield
      }) : () -> ()
      %dma_start3A_86 = arith.constant 0 : i32
      %dma_start3A_87 = arith.constant 0 : i32
      %dma_start3A_88 = tpu.memref_slice %arg2[%dma_start3A_86, %dma_start3A_87] : memref<5120x128xf32, #tpu.memory_space<hbm>> -> memref<5120x128xf32, #tpu.memory_space<hbm>>
      tpu.enqueue_indirect_dma source(%dma_start3A_88 : memref<5120x128xf32, #tpu.memory_space<hbm>>) target(%arg12 : memref<64x128xf32, #tpu.memory_space<vmem>>) offsets(%arg8 : memref<64xi32, #tpu.memory_space<vmem>>) semaphore(%arg19 : memref<!tpu.dma_semaphore, #tpu.memory_space<semaphore_mem>>)
      %dma_start3A_89 = arith.constant 0 : i32
      %dma_start3A_90 = arith.constant 0 : i32
      %dma_start3A_91 = tpu.memref_slice %arg3[%dma_start3A_89, %dma_start3A_90] : memref<5120x128xf32, #tpu.memory_space<hbm>> -> memref<5120x128xf32, #tpu.memory_space<hbm>>
      tpu.enqueue_indirect_dma source(%dma_start3A_91 : memref<5120x128xf32, #tpu.memory_space<hbm>>) target(%arg13 : memref<64x128xf32, #tpu.memory_space<vmem>>) offsets(%arg9 : memref<64xi32, #tpu.memory_space<vmem>>) semaphore(%arg20 : memref<!tpu.dma_semaphore, #tpu.memory_space<semaphore_mem>>)
      %dma_wait3A_92 = arith.constant 0 : i32
      %dma_wait3A_93 = arith.constant 0 : i32
      %dma_wait3A_94 = tpu.memref_slice %arg2[%dma_wait3A_92, %dma_wait3A_93] : memref<5120x128xf32, #tpu.memory_space<hbm>> -> memref<5120x128xf32, #tpu.memory_space<hbm>>
      tpu.wait_indirect_dma semaphore(%arg21 : memref<!tpu.dma_semaphore, #tpu.memory_space<semaphore_mem>>) src(%dma_wait3A_94 : memref<5120x128xf32, #tpu.memory_space<hbm>>) dst(%arg14 : memref<64x128xf32, #tpu.memory_space<vmem>>)
      %dma_wait3A_95 = arith.constant 0 : i32
      %dma_wait3A_96 = arith.constant 0 : i32
      %dma_wait3A_97 = tpu.memref_slice %arg3[%dma_wait3A_95, %dma_wait3A_96] : memref<5120x128xf32, #tpu.memory_space<hbm>> -> memref<5120x128xf32, #tpu.memory_space<hbm>>
      tpu.wait_indirect_dma semaphore(%arg22 : memref<!tpu.dma_semaphore, #tpu.memory_space<semaphore_mem>>) src(%dma_wait3A_97 : memref<5120x128xf32, #tpu.memory_space<hbm>>) dst(%arg15 : memref<64x128xf32, #tpu.memory_space<vmem>>)
      "tpu.region"() ({
        %run_scoped3A = tpu.sem_alloc : memref<!tpu.dma_semaphore, #tpu.memory_space<semaphore_mem>>
        %dma_start3A_98 = arith.constant 0 : i32
        %dma_start3A_99 = arith.constant 0 : i32
        %dma_start3A_100 = tpu.memref_slice %arg17[%dma_start3A_98, %dma_start3A_99] : memref<5120x128xf32, #tpu.memory_space<vmem_shared>> -> memref<5120x128xf32, #tpu.memory_space<vmem_shared>>
        tpu.enqueue_indirect_dma source(%arg14 : memref<64x128xf32, #tpu.memory_space<vmem>>) target(%dma_start3A_100 : memref<5120x128xf32, #tpu.memory_space<vmem_shared>>) offsets(%arg11 : memref<64xi32, #tpu.memory_space<vmem>>) semaphore(%run_scoped3A : memref<!tpu.dma_semaphore, #tpu.memory_space<semaphore_mem>>) {add = true}
        %dma_wait3A_101 = arith.constant 0 : i32
        %dma_wait3A_102 = arith.constant 0 : i32
        %dma_wait3A_103 = tpu.memref_slice %arg17[%dma_wait3A_101, %dma_wait3A_102] : memref<5120x128xf32, #tpu.memory_space<vmem_shared>> -> memref<5120x128xf32, #tpu.memory_space<vmem_shared>>
        tpu.wait_indirect_dma semaphore(%run_scoped3A : memref<!tpu.dma_semaphore, #tpu.memory_space<semaphore_mem>>) src(%arg14 : memref<64x128xf32, #tpu.memory_space<vmem>>) dst(%dma_wait3A_103 : memref<5120x128xf32, #tpu.memory_space<vmem_shared>>)
        tpu.yield
      }) : () -> ()
      "tpu.region"() ({
        %run_scoped3A = tpu.sem_alloc : memref<!tpu.dma_semaphore, #tpu.memory_space<semaphore_mem>>
        %dma_start3A_98 = arith.constant 0 : i32
        %dma_start3A_99 = arith.constant 0 : i32
        %dma_start3A_100 = tpu.memref_slice %arg18[%dma_start3A_98, %dma_start3A_99] : memref<5120x128xf32, #tpu.memory_space<vmem_shared>> -> memref<5120x128xf32, #tpu.memory_space<vmem_shared>>
        tpu.enqueue_indirect_dma source(%arg15 : memref<64x128xf32, #tpu.memory_space<vmem>>) target(%dma_start3A_100 : memref<5120x128xf32, #tpu.memory_space<vmem_shared>>) offsets(%arg10 : memref<64xi32, #tpu.memory_space<vmem>>) semaphore(%run_scoped3A : memref<!tpu.dma_semaphore, #tpu.memory_space<semaphore_mem>>) {add = true}
        %dma_wait3A_101 = arith.constant 0 : i32
        %dma_wait3A_102 = arith.constant 0 : i32
        %dma_wait3A_103 = tpu.memref_slice %arg18[%dma_wait3A_101, %dma_wait3A_102] : memref<5120x128xf32, #tpu.memory_space<vmem_shared>> -> memref<5120x128xf32, #tpu.memory_space<vmem_shared>>
        tpu.wait_indirect_dma semaphore(%run_scoped3A : memref<!tpu.dma_semaphore, #tpu.memory_space<semaphore_mem>>) src(%arg15 : memref<64x128xf32, #tpu.memory_space<vmem>>) dst(%dma_wait3A_103 : memref<5120x128xf32, #tpu.memory_space<vmem_shared>>)
        tpu.yield
      }) : () -> ()
    }
    %scan3A_29 = arith.constant 79 : i32
    %add3A_30 = arith.constant 5088 : i32
    %add3A_31 = arith.addi %add3A, %add3A_30 : i32
    %mul3A_32 = arith.constant 64 : i32
    %mul3A_33 = arith.muli %add3A_31, %mul3A_32 : i32
    "tpu.region"() ({
      %run_scoped3A = tpu.sem_alloc : memref<!tpu.dma_semaphore, #tpu.memory_space<semaphore_mem>>
      %dma_start3A_55 = tpu.memref_slice %arg4[%mul3A_33] : memref<327680xi32, #tpu.memory_space<hbm>> -> memref<64xi32, #tpu.memory_space<hbm>>
      %dma_start3A_56 = tpu.memref_slice %arg4[%mul3A_33] : memref<327680xi32, #tpu.memory_space<hbm>> -> memref<64xi32, #tpu.memory_space<hbm>>
      tpu.enqueue_dma source(%dma_start3A_56 : memref<64xi32, #tpu.memory_space<hbm>>) target(%arg10 : memref<64xi32, #tpu.memory_space<vmem>>) target_semaphore(%run_scoped3A : memref<!tpu.dma_semaphore, #tpu.memory_space<semaphore_mem>>)
      %dma_wait3A_57 = tpu.memref_slice %arg4[%mul3A_33] : memref<327680xi32, #tpu.memory_space<hbm>> -> memref<64xi32, #tpu.memory_space<hbm>>
      %dma_wait3A_58 = tpu.memref_slice %arg4[%mul3A_33] : memref<327680xi32, #tpu.memory_space<hbm>> -> memref<64xi32, #tpu.memory_space<hbm>>
      tpu.wait_dma2 semaphore(%run_scoped3A : memref<!tpu.dma_semaphore, #tpu.memory_space<semaphore_mem>>) src(%dma_wait3A_58 : memref<64xi32, #tpu.memory_space<hbm>>) dst(%arg10 : memref<64xi32, #tpu.memory_space<vmem>>)
      tpu.yield
    }) : () -> ()
    "tpu.region"() ({
      %run_scoped3A = tpu.sem_alloc : memref<!tpu.dma_semaphore, #tpu.memory_space<semaphore_mem>>
      %dma_start3A_55 = tpu.memref_slice %arg5[%mul3A_33] : memref<327680xi32, #tpu.memory_space<hbm>> -> memref<64xi32, #tpu.memory_space<hbm>>
      %dma_start3A_56 = tpu.memref_slice %arg5[%mul3A_33] : memref<327680xi32, #tpu.memory_space<hbm>> -> memref<64xi32, #tpu.memory_space<hbm>>
      tpu.enqueue_dma source(%dma_start3A_56 : memref<64xi32, #tpu.memory_space<hbm>>) target(%arg11 : memref<64xi32, #tpu.memory_space<vmem>>) target_semaphore(%run_scoped3A : memref<!tpu.dma_semaphore, #tpu.memory_space<semaphore_mem>>)
      %dma_wait3A_57 = tpu.memref_slice %arg5[%mul3A_33] : memref<327680xi32, #tpu.memory_space<hbm>> -> memref<64xi32, #tpu.memory_space<hbm>>
      %dma_wait3A_58 = tpu.memref_slice %arg5[%mul3A_33] : memref<327680xi32, #tpu.memory_space<hbm>> -> memref<64xi32, #tpu.memory_space<hbm>>
      tpu.wait_dma2 semaphore(%run_scoped3A : memref<!tpu.dma_semaphore, #tpu.memory_space<semaphore_mem>>) src(%dma_wait3A_58 : memref<64xi32, #tpu.memory_space<hbm>>) dst(%arg11 : memref<64xi32, #tpu.memory_space<vmem>>)
      tpu.yield
    }) : () -> ()
    %dma_start3A_34 = arith.constant 0 : i32
    %dma_start3A_35 = arith.constant 0 : i32
    %dma_start3A_36 = tpu.memref_slice %arg2[%dma_start3A_34, %dma_start3A_35] : memref<5120x128xf32, #tpu.memory_space<hbm>> -> memref<5120x128xf32, #tpu.memory_space<hbm>>
    tpu.enqueue_indirect_dma source(%dma_start3A_36 : memref<5120x128xf32, #tpu.memory_space<hbm>>) target(%arg14 : memref<64x128xf32, #tpu.memory_space<vmem>>) offsets(%arg10 : memref<64xi32, #tpu.memory_space<vmem>>) semaphore(%arg21 : memref<!tpu.dma_semaphore, #tpu.memory_space<semaphore_mem>>)
    %dma_start3A_37 = arith.constant 0 : i32
    %dma_start3A_38 = arith.constant 0 : i32
    %dma_start3A_39 = tpu.memref_slice %arg3[%dma_start3A_37, %dma_start3A_38] : memref<5120x128xf32, #tpu.memory_space<hbm>> -> memref<5120x128xf32, #tpu.memory_space<hbm>>
    tpu.enqueue_indirect_dma source(%dma_start3A_39 : memref<5120x128xf32, #tpu.memory_space<hbm>>) target(%arg15 : memref<64x128xf32, #tpu.memory_space<vmem>>) offsets(%arg11 : memref<64xi32, #tpu.memory_space<vmem>>) semaphore(%arg22 : memref<!tpu.dma_semaphore, #tpu.memory_space<semaphore_mem>>)
    %dma_wait3A = arith.constant 0 : i32
    %dma_wait3A_40 = arith.constant 0 : i32
    %dma_wait3A_41 = tpu.memref_slice %arg2[%dma_wait3A, %dma_wait3A_40] : memref<5120x128xf32, #tpu.memory_space<hbm>> -> memref<5120x128xf32, #tpu.memory_space<hbm>>
    tpu.wait_indirect_dma semaphore(%arg19 : memref<!tpu.dma_semaphore, #tpu.memory_space<semaphore_mem>>) src(%dma_wait3A_41 : memref<5120x128xf32, #tpu.memory_space<hbm>>) dst(%arg12 : memref<64x128xf32, #tpu.memory_space<vmem>>)
    %dma_wait3A_42 = arith.constant 0 : i32
    %dma_wait3A_43 = arith.constant 0 : i32
    %dma_wait3A_44 = tpu.memref_slice %arg3[%dma_wait3A_42, %dma_wait3A_43] : memref<5120x128xf32, #tpu.memory_space<hbm>> -> memref<5120x128xf32, #tpu.memory_space<hbm>>
    tpu.wait_indirect_dma semaphore(%arg20 : memref<!tpu.dma_semaphore, #tpu.memory_space<semaphore_mem>>) src(%dma_wait3A_44 : memref<5120x128xf32, #tpu.memory_space<hbm>>) dst(%arg13 : memref<64x128xf32, #tpu.memory_space<vmem>>)
    "tpu.region"() ({
      %run_scoped3A = tpu.sem_alloc : memref<!tpu.dma_semaphore, #tpu.memory_space<semaphore_mem>>
      %dma_start3A_55 = arith.constant 0 : i32
      %dma_start3A_56 = arith.constant 0 : i32
      %dma_start3A_57 = tpu.memref_slice %arg17[%dma_start3A_55, %dma_start3A_56] : memref<5120x128xf32, #tpu.memory_space<vmem_shared>> -> memref<5120x128xf32, #tpu.memory_space<vmem_shared>>
      tpu.enqueue_indirect_dma source(%arg12 : memref<64x128xf32, #tpu.memory_space<vmem>>) target(%dma_start3A_57 : memref<5120x128xf32, #tpu.memory_space<vmem_shared>>) offsets(%arg9 : memref<64xi32, #tpu.memory_space<vmem>>) semaphore(%run_scoped3A : memref<!tpu.dma_semaphore, #tpu.memory_space<semaphore_mem>>) {add = true}
      %dma_wait3A_58 = arith.constant 0 : i32
      %dma_wait3A_59 = arith.constant 0 : i32
      %dma_wait3A_60 = tpu.memref_slice %arg17[%dma_wait3A_58, %dma_wait3A_59] : memref<5120x128xf32, #tpu.memory_space<vmem_shared>> -> memref<5120x128xf32, #tpu.memory_space<vmem_shared>>
      tpu.wait_indirect_dma semaphore(%run_scoped3A : memref<!tpu.dma_semaphore, #tpu.memory_space<semaphore_mem>>) src(%arg12 : memref<64x128xf32, #tpu.memory_space<vmem>>) dst(%dma_wait3A_60 : memref<5120x128xf32, #tpu.memory_space<vmem_shared>>)
      tpu.yield
    }) : () -> ()
    "tpu.region"() ({
      %run_scoped3A = tpu.sem_alloc : memref<!tpu.dma_semaphore, #tpu.memory_space<semaphore_mem>>
      %dma_start3A_55 = arith.constant 0 : i32
      %dma_start3A_56 = arith.constant 0 : i32
      %dma_start3A_57 = tpu.memref_slice %arg18[%dma_start3A_55, %dma_start3A_56] : memref<5120x128xf32, #tpu.memory_space<vmem_shared>> -> memref<5120x128xf32, #tpu.memory_space<vmem_shared>>
      tpu.enqueue_indirect_dma source(%arg13 : memref<64x128xf32, #tpu.memory_space<vmem>>) target(%dma_start3A_57 : memref<5120x128xf32, #tpu.memory_space<vmem_shared>>) offsets(%arg8 : memref<64xi32, #tpu.memory_space<vmem>>) semaphore(%run_scoped3A : memref<!tpu.dma_semaphore, #tpu.memory_space<semaphore_mem>>) {add = true}
      %dma_wait3A_58 = arith.constant 0 : i32
      %dma_wait3A_59 = arith.constant 0 : i32
      %dma_wait3A_60 = tpu.memref_slice %arg18[%dma_wait3A_58, %dma_wait3A_59] : memref<5120x128xf32, #tpu.memory_space<vmem_shared>> -> memref<5120x128xf32, #tpu.memory_space<vmem_shared>>
      tpu.wait_indirect_dma semaphore(%run_scoped3A : memref<!tpu.dma_semaphore, #tpu.memory_space<semaphore_mem>>) src(%arg13 : memref<64x128xf32, #tpu.memory_space<vmem>>) dst(%dma_wait3A_60 : memref<5120x128xf32, #tpu.memory_space<vmem_shared>>)
      tpu.yield
    }) : () -> ()
    %dma_wait3A_45 = arith.constant 0 : i32
    %dma_wait3A_46 = arith.constant 0 : i32
    %dma_wait3A_47 = tpu.memref_slice %arg2[%dma_wait3A_45, %dma_wait3A_46] : memref<5120x128xf32, #tpu.memory_space<hbm>> -> memref<5120x128xf32, #tpu.memory_space<hbm>>
    tpu.wait_indirect_dma semaphore(%arg21 : memref<!tpu.dma_semaphore, #tpu.memory_space<semaphore_mem>>) src(%dma_wait3A_47 : memref<5120x128xf32, #tpu.memory_space<hbm>>) dst(%arg14 : memref<64x128xf32, #tpu.memory_space<vmem>>)
    %dma_wait3A_48 = arith.constant 0 : i32
    %dma_wait3A_49 = arith.constant 0 : i32
    %dma_wait3A_50 = tpu.memref_slice %arg3[%dma_wait3A_48, %dma_wait3A_49] : memref<5120x128xf32, #tpu.memory_space<hbm>> -> memref<5120x128xf32, #tpu.memory_space<hbm>>
    tpu.wait_indirect_dma semaphore(%arg22 : memref<!tpu.dma_semaphore, #tpu.memory_space<semaphore_mem>>) src(%dma_wait3A_50 : memref<5120x128xf32, #tpu.memory_space<hbm>>) dst(%arg15 : memref<64x128xf32, #tpu.memory_space<vmem>>)
    "tpu.region"() ({
      %run_scoped3A = tpu.sem_alloc : memref<!tpu.dma_semaphore, #tpu.memory_space<semaphore_mem>>
      %dma_start3A_55 = arith.constant 0 : i32
      %dma_start3A_56 = arith.constant 0 : i32
      %dma_start3A_57 = tpu.memref_slice %arg17[%dma_start3A_55, %dma_start3A_56] : memref<5120x128xf32, #tpu.memory_space<vmem_shared>> -> memref<5120x128xf32, #tpu.memory_space<vmem_shared>>
      tpu.enqueue_indirect_dma source(%arg14 : memref<64x128xf32, #tpu.memory_space<vmem>>) target(%dma_start3A_57 : memref<5120x128xf32, #tpu.memory_space<vmem_shared>>) offsets(%arg11 : memref<64xi32, #tpu.memory_space<vmem>>) semaphore(%run_scoped3A : memref<!tpu.dma_semaphore, #tpu.memory_space<semaphore_mem>>) {add = true}
      %dma_wait3A_58 = arith.constant 0 : i32
      %dma_wait3A_59 = arith.constant 0 : i32
      %dma_wait3A_60 = tpu.memref_slice %arg17[%dma_wait3A_58, %dma_wait3A_59] : memref<5120x128xf32, #tpu.memory_space<vmem_shared>> -> memref<5120x128xf32, #tpu.memory_space<vmem_shared>>
      tpu.wait_indirect_dma semaphore(%run_scoped3A : memref<!tpu.dma_semaphore, #tpu.memory_space<semaphore_mem>>) src(%arg14 : memref<64x128xf32, #tpu.memory_space<vmem>>) dst(%dma_wait3A_60 : memref<5120x128xf32, #tpu.memory_space<vmem_shared>>)
      tpu.yield
    }) : () -> ()
    "tpu.region"() ({
      %run_scoped3A = tpu.sem_alloc : memref<!tpu.dma_semaphore, #tpu.memory_space<semaphore_mem>>
      %dma_start3A_55 = arith.constant 0 : i32
      %dma_start3A_56 = arith.constant 0 : i32
      %dma_start3A_57 = tpu.memref_slice %arg18[%dma_start3A_55, %dma_start3A_56] : memref<5120x128xf32, #tpu.memory_space<vmem_shared>> -> memref<5120x128xf32, #tpu.memory_space<vmem_shared>>
      tpu.enqueue_indirect_dma source(%arg15 : memref<64x128xf32, #tpu.memory_space<vmem>>) target(%dma_start3A_57 : memref<5120x128xf32, #tpu.memory_space<vmem_shared>>) offsets(%arg10 : memref<64xi32, #tpu.memory_space<vmem>>) semaphore(%run_scoped3A : memref<!tpu.dma_semaphore, #tpu.memory_space<semaphore_mem>>) {add = true}
      %dma_wait3A_58 = arith.constant 0 : i32
      %dma_wait3A_59 = arith.constant 0 : i32
      %dma_wait3A_60 = tpu.memref_slice %arg18[%dma_wait3A_58, %dma_wait3A_59] : memref<5120x128xf32, #tpu.memory_space<vmem_shared>> -> memref<5120x128xf32, #tpu.memory_space<vmem_shared>>
      tpu.wait_indirect_dma semaphore(%run_scoped3A : memref<!tpu.dma_semaphore, #tpu.memory_space<semaphore_mem>>) src(%arg15 : memref<64x128xf32, #tpu.memory_space<vmem>>) dst(%dma_wait3A_60 : memref<5120x128xf32, #tpu.memory_space<vmem_shared>>)
      tpu.yield
    }) : () -> ()
    %barrier3A_51 = arith.constant 0 : index
    tpu.barrier barrier_id(%barrier3A_51)
    %mul3A_52 = arith.constant 5120 : i32
    %mul3A_53 = arith.muli %arg0, %mul3A_52 : i32
    %add3A_54 = arith.addi %mul3A_53, %mul3A_8 : i32
    "tpu.region"() ({
      %run_scoped3A = tpu.sem_alloc : memref<!tpu.dma_semaphore, #tpu.memory_space<semaphore_mem>>
      %dma_start3A_55 = arith.constant 0 : i32
      %dma_start3A_56 = tpu.memref_slice %arg6[%add3A_54, %dma_start3A_55] : memref<10240x128xf32, #tpu.memory_space<hbm>> -> memref<320x128xf32, #tpu.memory_space<hbm>>
      %dma_start3A_57 = arith.constant 0 : i32
      %dma_start3A_58 = tpu.memref_slice %arg17[%mul3A_8, %dma_start3A_57] : memref<5120x128xf32, #tpu.memory_space<vmem_shared>> -> memref<320x128xf32, #tpu.memory_space<vmem_shared>>
      tpu.enqueue_dma source(%dma_start3A_58 : memref<320x128xf32, #tpu.memory_space<vmem_shared>>) target(%dma_start3A_56 : memref<320x128xf32, #tpu.memory_space<hbm>>) target_semaphore(%run_scoped3A : memref<!tpu.dma_semaphore, #tpu.memory_space<semaphore_mem>>)
      %dma_wait3A_59 = arith.constant 0 : i32
      %dma_wait3A_60 = tpu.memref_slice %arg6[%add3A_54, %dma_wait3A_59] : memref<10240x128xf32, #tpu.memory_space<hbm>> -> memref<320x128xf32, #tpu.memory_space<hbm>>
      %dma_wait3A_61 = arith.constant 0 : i32
      %dma_wait3A_62 = tpu.memref_slice %arg17[%mul3A_8, %dma_wait3A_61] : memref<5120x128xf32, #tpu.memory_space<vmem_shared>> -> memref<320x128xf32, #tpu.memory_space<vmem_shared>>
      tpu.wait_dma2 semaphore(%run_scoped3A : memref<!tpu.dma_semaphore, #tpu.memory_space<semaphore_mem>>) src(%dma_wait3A_62 : memref<320x128xf32, #tpu.memory_space<vmem_shared>>) dst(%dma_wait3A_60 : memref<320x128xf32, #tpu.memory_space<hbm>>)
      tpu.yield
    }) : () -> ()
    "tpu.region"() ({
      %run_scoped3A = tpu.sem_alloc : memref<!tpu.dma_semaphore, #tpu.memory_space<semaphore_mem>>
      %dma_start3A_55 = arith.constant 0 : i32
      %dma_start3A_56 = tpu.memref_slice %arg7[%add3A_54, %dma_start3A_55] : memref<10240x128xf32, #tpu.memory_space<hbm>> -> memref<320x128xf32, #tpu.memory_space<hbm>>
      %dma_start3A_57 = arith.constant 0 : i32
      %dma_start3A_58 = tpu.memref_slice %arg18[%mul3A_8, %dma_start3A_57] : memref<5120x128xf32, #tpu.memory_space<vmem_shared>> -> memref<320x128xf32, #tpu.memory_space<vmem_shared>>
      tpu.enqueue_dma source(%dma_start3A_58 : memref<320x128xf32, #tpu.memory_space<vmem_shared>>) target(%dma_start3A_56 : memref<320x128xf32, #tpu.memory_space<hbm>>) target_semaphore(%run_scoped3A : memref<!tpu.dma_semaphore, #tpu.memory_space<semaphore_mem>>)
      %dma_wait3A_59 = arith.constant 0 : i32
      %dma_wait3A_60 = tpu.memref_slice %arg7[%add3A_54, %dma_wait3A_59] : memref<10240x128xf32, #tpu.memory_space<hbm>> -> memref<320x128xf32, #tpu.memory_space<hbm>>
      %dma_wait3A_61 = arith.constant 0 : i32
      %dma_wait3A_62 = tpu.memref_slice %arg18[%mul3A_8, %dma_wait3A_61] : memref<5120x128xf32, #tpu.memory_space<vmem_shared>> -> memref<320x128xf32, #tpu.memory_space<vmem_shared>>
      tpu.wait_dma2 semaphore(%run_scoped3A : memref<!tpu.dma_semaphore, #tpu.memory_space<semaphore_mem>>) src(%dma_wait3A_62 : memref<320x128xf32, #tpu.memory_space<vmem_shared>>) dst(%dma_wait3A_60 : memref<320x128xf32, #tpu.memory_space<hbm>>)
      tpu.yield
    }) : () -> ()
    return
  }
}

#map = affine_map<(d0, d1) -> (0, 0)>
#map1 = affine_map<(d0, d1) -> (0)>
module attributes {stable_mosaic.version = 14 : i64} {
  func.func @agg(%arg0: i32, %arg1: i32, %arg2: memref<5120x128xf32, #tpu.memory_space<hbm>>, %arg3: memref<5120x128xf32, #tpu.memory_space<hbm>>, %arg4: memref<327680xi32, #tpu.memory_space<hbm>>, %arg5: memref<327680xi32, #tpu.memory_space<hbm>>, %arg6: memref<10240x128xf32, #tpu.memory_space<hbm>>, %arg7: memref<10240x128xf32, #tpu.memory_space<hbm>>, %arg8: memref<64xi32, #tpu.memory_space<vmem>>, %arg9: memref<64xi32, #tpu.memory_space<vmem>>, %arg10: memref<64xi32, #tpu.memory_space<vmem>>, %arg11: memref<64xi32, #tpu.memory_space<vmem>>, %arg12: memref<64x128xf32, #tpu.memory_space<vmem>>, %arg13: memref<64x128xf32, #tpu.memory_space<vmem>>, %arg14: memref<64x128xf32, #tpu.memory_space<vmem>>, %arg15: memref<64x128xf32, #tpu.memory_space<vmem>>, %arg16: memref<16x128xf32, #tpu.memory_space<vmem>>, %arg17: memref<5120x128xf32, #tpu.memory_space<vmem_shared>>, %arg18: memref<5120x128xf32, #tpu.memory_space<vmem_shared>>, %arg19: memref<!tpu.dma_semaphore, #tpu.memory_space<semaphore_mem>>, %arg20: memref<!tpu.dma_semaphore, #tpu.memory_space<semaphore_mem>>, %arg21: memref<!tpu.dma_semaphore, #tpu.memory_space<semaphore_mem>>, %arg22: memref<!tpu.dma_semaphore, #tpu.memory_space<semaphore_mem>>) attributes {dimension_semantics = [#tpu.dimension_semantics<core_parallel>, #tpu.dimension_semantics<subcore_parallel>], iteration_bounds = array<i64: 2, 16>, scalar_prefetch = 0 : i64, scratch_operands = 15 : i64, tpu.core_type = #tpu.core_type<sc_vector_subcore>, window_params = [{transform_indices = #map}, {transform_indices = #map}, {transform_indices = #map1}, {transform_indices = #map1}, {transform_indices = #map}, {transform_indices = #map}]} {
    %mul3A = arith.constant 2 : i32
    %mul3A_0 = arith.muli %arg1, %mul3A : i32
    %add3A = arith.addi %mul3A_0, %arg0 : i32
    %broadcast_in_dim3A = arith.constant 0.000000e+00 : f32
    %broadcast_in_dim3A_1 = vector.broadcast %broadcast_in_dim3A : f32 to vector<16xf32>
    %scan3A = arith.constant 0 : i32
    %scan3A_2 = arith.constant 0 : i32
    %scan3A_3 = arith.constant 16 : i32
    %scan3A_4 = arith.addi %scan3A_2, %scan3A_3 : i32
    %scan3A_5 = arith.constant 1 : i32
    scf.for %scan3A_55 = %scan3A_2 to %scan3A_4 step %scan3A_5  : i32 {
      %swap3A = arith.index_cast %scan3A_55 : i32 to index
      %swap3A_56 = arith.constant 0 : index
      %swap3A_57 = tpu.vector_load %arg16[%swap3A, %swap3A_56] {strides = array<i32>} : memref<16x128xf32, #tpu.memory_space<vmem>>, vector<1x16xf32>,
      %swap3A_58 = vector.shape_cast %swap3A_57 : vector<1x16xf32> to vector<16xf32>
      %swap3A_59 = vector.shape_cast %broadcast_in_dim3A_1 : vector<16xf32> to vector<1x16xf32>
      tpu.vector_store %arg16[%swap3A, %swap3A_56], %swap3A_59 {strides = array<i32>} : memref<16x128xf32, #tpu.memory_space<vmem>>, vector<1x16xf32>,
      %swap3A_60 = arith.index_cast %scan3A_55 : i32 to index
      %swap3A_61 = arith.constant 16 : index
      %swap3A_62 = tpu.vector_load %arg16[%swap3A_60, %swap3A_61] {strides = array<i32>} : memref<16x128xf32, #tpu.memory_space<vmem>>, vector<1x16xf32>,
      %swap3A_63 = vector.shape_cast %swap3A_62 : vector<1x16xf32> to vector<16xf32>
      %swap3A_64 = vector.shape_cast %broadcast_in_dim3A_1 : vector<16xf32> to vector<1x16xf32>
      tpu.vector_store %arg16[%swap3A_60, %swap3A_61], %swap3A_64 {strides = array<i32>} : memref<16x128xf32, #tpu.memory_space<vmem>>, vector<1x16xf32>,
      %swap3A_65 = arith.index_cast %scan3A_55 : i32 to index
      %swap3A_66 = arith.constant 32 : index
      %swap3A_67 = tpu.vector_load %arg16[%swap3A_65, %swap3A_66] {strides = array<i32>} : memref<16x128xf32, #tpu.memory_space<vmem>>, vector<1x16xf32>,
      %swap3A_68 = vector.shape_cast %swap3A_67 : vector<1x16xf32> to vector<16xf32>
      %swap3A_69 = vector.shape_cast %broadcast_in_dim3A_1 : vector<16xf32> to vector<1x16xf32>
      tpu.vector_store %arg16[%swap3A_65, %swap3A_66], %swap3A_69 {strides = array<i32>} : memref<16x128xf32, #tpu.memory_space<vmem>>, vector<1x16xf32>,
      %swap3A_70 = arith.index_cast %scan3A_55 : i32 to index
      %swap3A_71 = arith.constant 48 : index
      %swap3A_72 = tpu.vector_load %arg16[%swap3A_70, %swap3A_71] {strides = array<i32>} : memref<16x128xf32, #tpu.memory_space<vmem>>, vector<1x16xf32>,
      %swap3A_73 = vector.shape_cast %swap3A_72 : vector<1x16xf32> to vector<16xf32>
      %swap3A_74 = vector.shape_cast %broadcast_in_dim3A_1 : vector<16xf32> to vector<1x16xf32>
      tpu.vector_store %arg16[%swap3A_70, %swap3A_71], %swap3A_74 {strides = array<i32>} : memref<16x128xf32, #tpu.memory_space<vmem>>, vector<1x16xf32>,
      %swap3A_75 = arith.index_cast %scan3A_55 : i32 to index
      %swap3A_76 = arith.constant 64 : index
      %swap3A_77 = tpu.vector_load %arg16[%swap3A_75, %swap3A_76] {strides = array<i32>} : memref<16x128xf32, #tpu.memory_space<vmem>>, vector<1x16xf32>,
      %swap3A_78 = vector.shape_cast %swap3A_77 : vector<1x16xf32> to vector<16xf32>
      %swap3A_79 = vector.shape_cast %broadcast_in_dim3A_1 : vector<16xf32> to vector<1x16xf32>
      tpu.vector_store %arg16[%swap3A_75, %swap3A_76], %swap3A_79 {strides = array<i32>} : memref<16x128xf32, #tpu.memory_space<vmem>>, vector<1x16xf32>,
      %swap3A_80 = arith.index_cast %scan3A_55 : i32 to index
      %swap3A_81 = arith.constant 80 : index
      %swap3A_82 = tpu.vector_load %arg16[%swap3A_80, %swap3A_81] {strides = array<i32>} : memref<16x128xf32, #tpu.memory_space<vmem>>, vector<1x16xf32>,
      %swap3A_83 = vector.shape_cast %swap3A_82 : vector<1x16xf32> to vector<16xf32>
      %swap3A_84 = vector.shape_cast %broadcast_in_dim3A_1 : vector<16xf32> to vector<1x16xf32>
      tpu.vector_store %arg16[%swap3A_80, %swap3A_81], %swap3A_84 {strides = array<i32>} : memref<16x128xf32, #tpu.memory_space<vmem>>, vector<1x16xf32>,
      %swap3A_85 = arith.index_cast %scan3A_55 : i32 to index
      %swap3A_86 = arith.constant 96 : index
      %swap3A_87 = tpu.vector_load %arg16[%swap3A_85, %swap3A_86] {strides = array<i32>} : memref<16x128xf32, #tpu.memory_space<vmem>>, vector<1x16xf32>,
      %swap3A_88 = vector.shape_cast %swap3A_87 : vector<1x16xf32> to vector<16xf32>
      %swap3A_89 = vector.shape_cast %broadcast_in_dim3A_1 : vector<16xf32> to vector<1x16xf32>
      tpu.vector_store %arg16[%swap3A_85, %swap3A_86], %swap3A_89 {strides = array<i32>} : memref<16x128xf32, #tpu.memory_space<vmem>>, vector<1x16xf32>,
      %swap3A_90 = arith.index_cast %scan3A_55 : i32 to index
      %swap3A_91 = arith.constant 112 : index
      %swap3A_92 = tpu.vector_load %arg16[%swap3A_90, %swap3A_91] {strides = array<i32>} : memref<16x128xf32, #tpu.memory_space<vmem>>, vector<1x16xf32>,
      %swap3A_93 = vector.shape_cast %swap3A_92 : vector<1x16xf32> to vector<16xf32>
      %swap3A_94 = vector.shape_cast %broadcast_in_dim3A_1 : vector<16xf32> to vector<1x16xf32>
      tpu.vector_store %arg16[%swap3A_90, %swap3A_91], %swap3A_94 {strides = array<i32>} : memref<16x128xf32, #tpu.memory_space<vmem>>, vector<1x16xf32>,
    }
    %scan3A_6 = arith.constant 16 : i32
    %mul3A_7 = arith.constant 320 : i32
    %mul3A_8 = arith.muli %arg1, %mul3A_7 : i32
    %scan3A_9 = arith.constant 0 : i32
    %scan3A_10 = arith.constant 0 : i32
    %scan3A_11 = arith.constant 20 : i32
    %scan3A_12 = arith.addi %scan3A_10, %scan3A_11 : i32
    %scan3A_13 = arith.constant 1 : i32
    scf.for %scan3A_55 = %scan3A_10 to %scan3A_12 step %scan3A_13  : i32 {
      %mul3A_56 = arith.constant 16 : i32
      %mul3A_57 = arith.muli %scan3A_55, %mul3A_56 : i32
      %add3A_58 = arith.addi %mul3A_8, %mul3A_57 : i32
      "tpu.region"() ({
        %run_scoped3A = tpu.sem_alloc : memref<!tpu.dma_semaphore, #tpu.memory_space<semaphore_mem>>
        %dma_start3A_59 = arith.constant 0 : i32
        %dma_start3A_60 = tpu.memref_slice %arg17[%add3A_58, %dma_start3A_59] : memref<5120x128xf32, #tpu.memory_space<vmem_shared>> -> memref<16x128xf32, #tpu.memory_space<vmem_shared>>
        %dma_start3A_61 = arith.constant 0 : i32
        %dma_start3A_62 = tpu.memref_slice %arg17[%add3A_58, %dma_start3A_61] : memref<5120x128xf32, #tpu.memory_space<vmem_shared>> -> memref<16x128xf32, #tpu.memory_space<vmem_shared>>
        tpu.enqueue_dma source(%arg16 : memref<16x128xf32, #tpu.memory_space<vmem>>) target(%dma_start3A_62 : memref<16x128xf32, #tpu.memory_space<vmem_shared>>) target_semaphore(%run_scoped3A : memref<!tpu.dma_semaphore, #tpu.memory_space<semaphore_mem>>)
        %dma_wait3A_63 = arith.constant 0 : i32
        %dma_wait3A_64 = tpu.memref_slice %arg17[%add3A_58, %dma_wait3A_63] : memref<5120x128xf32, #tpu.memory_space<vmem_shared>> -> memref<16x128xf32, #tpu.memory_space<vmem_shared>>
        %dma_wait3A_65 = arith.constant 0 : i32
        %dma_wait3A_66 = tpu.memref_slice %arg17[%add3A_58, %dma_wait3A_65] : memref<5120x128xf32, #tpu.memory_space<vmem_shared>> -> memref<16x128xf32, #tpu.memory_space<vmem_shared>>
        tpu.wait_dma2 semaphore(%run_scoped3A : memref<!tpu.dma_semaphore, #tpu.memory_space<semaphore_mem>>) src(%arg16 : memref<16x128xf32, #tpu.memory_space<vmem>>) dst(%dma_wait3A_66 : memref<16x128xf32, #tpu.memory_space<vmem_shared>>)
        tpu.yield
      }) : () -> ()
      "tpu.region"() ({
        %run_scoped3A = tpu.sem_alloc : memref<!tpu.dma_semaphore, #tpu.memory_space<semaphore_mem>>
        %dma_start3A_59 = arith.constant 0 : i32
        %dma_start3A_60 = tpu.memref_slice %arg18[%add3A_58, %dma_start3A_59] : memref<5120x128xf32, #tpu.memory_space<vmem_shared>> -> memref<16x128xf32, #tpu.memory_space<vmem_shared>>
        %dma_start3A_61 = arith.constant 0 : i32
        %dma_start3A_62 = tpu.memref_slice %arg18[%add3A_58, %dma_start3A_61] : memref<5120x128xf32, #tpu.memory_space<vmem_shared>> -> memref<16x128xf32, #tpu.memory_space<vmem_shared>>
        tpu.enqueue_dma source(%arg16 : memref<16x128xf32, #tpu.memory_space<vmem>>) target(%dma_start3A_62 : memref<16x128xf32, #tpu.memory_space<vmem_shared>>) target_semaphore(%run_scoped3A : memref<!tpu.dma_semaphore, #tpu.memory_space<semaphore_mem>>)
        %dma_wait3A_63 = arith.constant 0 : i32
        %dma_wait3A_64 = tpu.memref_slice %arg18[%add3A_58, %dma_wait3A_63] : memref<5120x128xf32, #tpu.memory_space<vmem_shared>> -> memref<16x128xf32, #tpu.memory_space<vmem_shared>>
        %dma_wait3A_65 = arith.constant 0 : i32
        %dma_wait3A_66 = tpu.memref_slice %arg18[%add3A_58, %dma_wait3A_65] : memref<5120x128xf32, #tpu.memory_space<vmem_shared>> -> memref<16x128xf32, #tpu.memory_space<vmem_shared>>
        tpu.wait_dma2 semaphore(%run_scoped3A : memref<!tpu.dma_semaphore, #tpu.memory_space<semaphore_mem>>) src(%arg16 : memref<16x128xf32, #tpu.memory_space<vmem>>) dst(%dma_wait3A_66 : memref<16x128xf32, #tpu.memory_space<vmem_shared>>)
        tpu.yield
      }) : () -> ()
    }
    %scan3A_14 = arith.constant 20 : i32
    %barrier3A = arith.constant 0 : index
    tpu.barrier barrier_id(%barrier3A)
    %add3A_15 = arith.constant 0 : i32
    %add3A_16 = arith.addi %add3A, %add3A_15 : i32
    %mul3A_17 = arith.constant 64 : i32
    %mul3A_18 = arith.muli %add3A_16, %mul3A_17 : i32
    "tpu.region"() ({
      %run_scoped3A = tpu.sem_alloc : memref<!tpu.dma_semaphore, #tpu.memory_space<semaphore_mem>>
      %dma_start3A_55 = tpu.memref_slice %arg4[%mul3A_18] : memref<327680xi32, #tpu.memory_space<hbm>> -> memref<64xi32, #tpu.memory_space<hbm>>
      %dma_start3A_56 = tpu.memref_slice %arg4[%mul3A_18] : memref<327680xi32, #tpu.memory_space<hbm>> -> memref<64xi32, #tpu.memory_space<hbm>>
      tpu.enqueue_dma source(%dma_start3A_56 : memref<64xi32, #tpu.memory_space<hbm>>) target(%arg8 : memref<64xi32, #tpu.memory_space<vmem>>) target_semaphore(%run_scoped3A : memref<!tpu.dma_semaphore, #tpu.memory_space<semaphore_mem>>)
      %dma_wait3A_57 = tpu.memref_slice %arg4[%mul3A_18] : memref<327680xi32, #tpu.memory_space<hbm>> -> memref<64xi32, #tpu.memory_space<hbm>>
      %dma_wait3A_58 = tpu.memref_slice %arg4[%mul3A_18] : memref<327680xi32, #tpu.memory_space<hbm>> -> memref<64xi32, #tpu.memory_space<hbm>>
      tpu.wait_dma2 semaphore(%run_scoped3A : memref<!tpu.dma_semaphore, #tpu.memory_space<semaphore_mem>>) src(%dma_wait3A_58 : memref<64xi32, #tpu.memory_space<hbm>>) dst(%arg8 : memref<64xi32, #tpu.memory_space<vmem>>)
      tpu.yield
    }) : () -> ()
    "tpu.region"() ({
      %run_scoped3A = tpu.sem_alloc : memref<!tpu.dma_semaphore, #tpu.memory_space<semaphore_mem>>
      %dma_start3A_55 = tpu.memref_slice %arg5[%mul3A_18] : memref<327680xi32, #tpu.memory_space<hbm>> -> memref<64xi32, #tpu.memory_space<hbm>>
      %dma_start3A_56 = tpu.memref_slice %arg5[%mul3A_18] : memref<327680xi32, #tpu.memory_space<hbm>> -> memref<64xi32, #tpu.memory_space<hbm>>
      tpu.enqueue_dma source(%dma_start3A_56 : memref<64xi32, #tpu.memory_space<hbm>>) target(%arg9 : memref<64xi32, #tpu.memory_space<vmem>>) target_semaphore(%run_scoped3A : memref<!tpu.dma_semaphore, #tpu.memory_space<semaphore_mem>>)
      %dma_wait3A_57 = tpu.memref_slice %arg5[%mul3A_18] : memref<327680xi32, #tpu.memory_space<hbm>> -> memref<64xi32, #tpu.memory_space<hbm>>
      %dma_wait3A_58 = tpu.memref_slice %arg5[%mul3A_18] : memref<327680xi32, #tpu.memory_space<hbm>> -> memref<64xi32, #tpu.memory_space<hbm>>
      tpu.wait_dma2 semaphore(%run_scoped3A : memref<!tpu.dma_semaphore, #tpu.memory_space<semaphore_mem>>) src(%dma_wait3A_58 : memref<64xi32, #tpu.memory_space<hbm>>) dst(%arg9 : memref<64xi32, #tpu.memory_space<vmem>>)
      tpu.yield
    }) : () -> ()
    %dma_start3A = arith.constant 0 : i32
    %dma_start3A_19 = arith.constant 0 : i32
    %dma_start3A_20 = tpu.memref_slice %arg2[%dma_start3A, %dma_start3A_19] : memref<5120x128xf32, #tpu.memory_space<hbm>> -> memref<5120x128xf32, #tpu.memory_space<hbm>>
    tpu.enqueue_indirect_dma source(%dma_start3A_20 : memref<5120x128xf32, #tpu.memory_space<hbm>>) target(%arg12 : memref<64x128xf32, #tpu.memory_space<vmem>>) offsets(%arg8 : memref<64xi32, #tpu.memory_space<vmem>>) semaphore(%arg19 : memref<!tpu.dma_semaphore, #tpu.memory_space<semaphore_mem>>)
    %dma_start3A_21 = arith.constant 0 : i32
    %dma_start3A_22 = arith.constant 0 : i32
    %dma_start3A_23 = tpu.memref_slice %arg3[%dma_start3A_21, %dma_start3A_22] : memref<5120x128xf32, #tpu.memory_space<hbm>> -> memref<5120x128xf32, #tpu.memory_space<hbm>>
    tpu.enqueue_indirect_dma source(%dma_start3A_23 : memref<5120x128xf32, #tpu.memory_space<hbm>>) target(%arg13 : memref<64x128xf32, #tpu.memory_space<vmem>>) offsets(%arg9 : memref<64xi32, #tpu.memory_space<vmem>>) semaphore(%arg20 : memref<!tpu.dma_semaphore, #tpu.memory_space<semaphore_mem>>)
    %scan3A_24 = arith.constant 0 : i32
    %scan3A_25 = arith.constant 0 : i32
    %scan3A_26 = arith.constant 79 : i32
    %scan3A_27 = arith.addi %scan3A_25, %scan3A_26 : i32
    %scan3A_28 = arith.constant 1 : i32
    scf.for %scan3A_55 = %scan3A_25 to %scan3A_27 step %scan3A_28  : i32 {
      %mul3A_56 = arith.constant 2 : i32
      %mul3A_57 = arith.muli %mul3A_56, %scan3A_55 : i32
      %add3A_58 = arith.constant 1 : i32
      %add3A_59 = arith.addi %mul3A_57, %add3A_58 : i32
      %mul3A_60 = arith.constant 32 : i32
      %mul3A_61 = arith.muli %add3A_59, %mul3A_60 : i32
      %add3A_62 = arith.addi %add3A, %mul3A_61 : i32
      %mul3A_63 = arith.constant 64 : i32
      %mul3A_64 = arith.muli %add3A_62, %mul3A_63 : i32
      "tpu.region"() ({
        %run_scoped3A = tpu.sem_alloc : memref<!tpu.dma_semaphore, #tpu.memory_space<semaphore_mem>>
        %dma_start3A_98 = tpu.memref_slice %arg4[%mul3A_64] : memref<327680xi32, #tpu.memory_space<hbm>> -> memref<64xi32, #tpu.memory_space<hbm>>
        %dma_start3A_99 = tpu.memref_slice %arg4[%mul3A_64] : memref<327680xi32, #tpu.memory_space<hbm>> -> memref<64xi32, #tpu.memory_space<hbm>>
        tpu.enqueue_dma source(%dma_start3A_99 : memref<64xi32, #tpu.memory_space<hbm>>) target(%arg10 : memref<64xi32, #tpu.memory_space<vmem>>) target_semaphore(%run_scoped3A : memref<!tpu.dma_semaphore, #tpu.memory_space<semaphore_mem>>)
        %dma_wait3A_100 = tpu.memref_slice %arg4[%mul3A_64] : memref<327680xi32, #tpu.memory_space<hbm>> -> memref<64xi32, #tpu.memory_space<hbm>>
        %dma_wait3A_101 = tpu.memref_slice %arg4[%mul3A_64] : memref<327680xi32, #tpu.memory_space<hbm>> -> memref<64xi32, #tpu.memory_space<hbm>>
        tpu.wait_dma2 semaphore(%run_scoped3A : memref<!tpu.dma_semaphore, #tpu.memory_space<semaphore_mem>>) src(%dma_wait3A_101 : memref<64xi32, #tpu.memory_space<hbm>>) dst(%arg10 : memref<64xi32, #tpu.memory_space<vmem>>)
        tpu.yield
      }) : () -> ()
      "tpu.region"() ({
        %run_scoped3A = tpu.sem_alloc : memref<!tpu.dma_semaphore, #tpu.memory_space<semaphore_mem>>
        %dma_start3A_98 = tpu.memref_slice %arg5[%mul3A_64] : memref<327680xi32, #tpu.memory_space<hbm>> -> memref<64xi32, #tpu.memory_space<hbm>>
        %dma_start3A_99 = tpu.memref_slice %arg5[%mul3A_64] : memref<327680xi32, #tpu.memory_space<hbm>> -> memref<64xi32, #tpu.memory_space<hbm>>
        tpu.enqueue_dma source(%dma_start3A_99 : memref<64xi32, #tpu.memory_space<hbm>>) target(%arg11 : memref<64xi32, #tpu.memory_space<vmem>>) target_semaphore(%run_scoped3A : memref<!tpu.dma_semaphore, #tpu.memory_space<semaphore_mem>>)
        %dma_wait3A_100 = tpu.memref_slice %arg5[%mul3A_64] : memref<327680xi32, #tpu.memory_space<hbm>> -> memref<64xi32, #tpu.memory_space<hbm>>
        %dma_wait3A_101 = tpu.memref_slice %arg5[%mul3A_64] : memref<327680xi32, #tpu.memory_space<hbm>> -> memref<64xi32, #tpu.memory_space<hbm>>
        tpu.wait_dma2 semaphore(%run_scoped3A : memref<!tpu.dma_semaphore, #tpu.memory_space<semaphore_mem>>) src(%dma_wait3A_101 : memref<64xi32, #tpu.memory_space<hbm>>) dst(%arg11 : memref<64xi32, #tpu.memory_space<vmem>>)
        tpu.yield
      }) : () -> ()
      %dma_start3A_65 = arith.constant 0 : i32
      %dma_start3A_66 = arith.constant 0 : i32
      %dma_start3A_67 = tpu.memref_slice %arg2[%dma_start3A_65, %dma_start3A_66] : memref<5120x128xf32, #tpu.memory_space<hbm>> -> memref<5120x128xf32, #tpu.memory_space<hbm>>
      tpu.enqueue_indirect_dma source(%dma_start3A_67 : memref<5120x128xf32, #tpu.memory_space<hbm>>) target(%arg14 : memref<64x128xf32, #tpu.memory_space<vmem>>) offsets(%arg10 : memref<64xi32, #tpu.memory_space<vmem>>) semaphore(%arg21 : memref<!tpu.dma_semaphore, #tpu.memory_space<semaphore_mem>>)
      %dma_start3A_68 = arith.constant 0 : i32
      %dma_start3A_69 = arith.constant 0 : i32
      %dma_start3A_70 = tpu.memref_slice %arg3[%dma_start3A_68, %dma_start3A_69] : memref<5120x128xf32, #tpu.memory_space<hbm>> -> memref<5120x128xf32, #tpu.memory_space<hbm>>
      tpu.enqueue_indirect_dma source(%dma_start3A_70 : memref<5120x128xf32, #tpu.memory_space<hbm>>) target(%arg15 : memref<64x128xf32, #tpu.memory_space<vmem>>) offsets(%arg11 : memref<64xi32, #tpu.memory_space<vmem>>) semaphore(%arg22 : memref<!tpu.dma_semaphore, #tpu.memory_space<semaphore_mem>>)
      %dma_wait3A_71 = arith.constant 0 : i32
      %dma_wait3A_72 = arith.constant 0 : i32
      %dma_wait3A_73 = tpu.memref_slice %arg2[%dma_wait3A_71, %dma_wait3A_72] : memref<5120x128xf32, #tpu.memory_space<hbm>> -> memref<5120x128xf32, #tpu.memory_space<hbm>>
      tpu.wait_indirect_dma semaphore(%arg19 : memref<!tpu.dma_semaphore, #tpu.memory_space<semaphore_mem>>) src(%dma_wait3A_73 : memref<5120x128xf32, #tpu.memory_space<hbm>>) dst(%arg12 : memref<64x128xf32, #tpu.memory_space<vmem>>)
      %dma_wait3A_74 = arith.constant 0 : i32
      %dma_wait3A_75 = arith.constant 0 : i32
      %dma_wait3A_76 = tpu.memref_slice %arg3[%dma_wait3A_74, %dma_wait3A_75] : memref<5120x128xf32, #tpu.memory_space<hbm>> -> memref<5120x128xf32, #tpu.memory_space<hbm>>
      tpu.wait_indirect_dma semaphore(%arg20 : memref<!tpu.dma_semaphore, #tpu.memory_space<semaphore_mem>>) src(%dma_wait3A_76 : memref<5120x128xf32, #tpu.memory_space<hbm>>) dst(%arg13 : memref<64x128xf32, #tpu.memory_space<vmem>>)
      "tpu.region"() ({
        %run_scoped3A = tpu.sem_alloc : memref<!tpu.dma_semaphore, #tpu.memory_space<semaphore_mem>>
        %dma_start3A_98 = arith.constant 0 : i32
        %dma_start3A_99 = arith.constant 0 : i32
        %dma_start3A_100 = tpu.memref_slice %arg17[%dma_start3A_98, %dma_start3A_99] : memref<5120x128xf32, #tpu.memory_space<vmem_shared>> -> memref<5120x128xf32, #tpu.memory_space<vmem_shared>>
        tpu.enqueue_indirect_dma source(%arg12 : memref<64x128xf32, #tpu.memory_space<vmem>>) target(%dma_start3A_100 : memref<5120x128xf32, #tpu.memory_space<vmem_shared>>) offsets(%arg9 : memref<64xi32, #tpu.memory_space<vmem>>) semaphore(%run_scoped3A : memref<!tpu.dma_semaphore, #tpu.memory_space<semaphore_mem>>) {add = true}
        %dma_wait3A_101 = arith.constant 0 : i32
        %dma_wait3A_102 = arith.constant 0 : i32
        %dma_wait3A_103 = tpu.memref_slice %arg17[%dma_wait3A_101, %dma_wait3A_102] : memref<5120x128xf32, #tpu.memory_space<vmem_shared>> -> memref<5120x128xf32, #tpu.memory_space<vmem_shared>>
        tpu.wait_indirect_dma semaphore(%run_scoped3A : memref<!tpu.dma_semaphore, #tpu.memory_space<semaphore_mem>>) src(%arg12 : memref<64x128xf32, #tpu.memory_space<vmem>>) dst(%dma_wait3A_103 : memref<5120x128xf32, #tpu.memory_space<vmem_shared>>)
        tpu.yield
      }) : () -> ()
      "tpu.region"() ({
        %run_scoped3A = tpu.sem_alloc : memref<!tpu.dma_semaphore, #tpu.memory_space<semaphore_mem>>
        %dma_start3A_98 = arith.constant 0 : i32
        %dma_start3A_99 = arith.constant 0 : i32
        %dma_start3A_100 = tpu.memref_slice %arg18[%dma_start3A_98, %dma_start3A_99] : memref<5120x128xf32, #tpu.memory_space<vmem_shared>> -> memref<5120x128xf32, #tpu.memory_space<vmem_shared>>
        tpu.enqueue_indirect_dma source(%arg13 : memref<64x128xf32, #tpu.memory_space<vmem>>) target(%dma_start3A_100 : memref<5120x128xf32, #tpu.memory_space<vmem_shared>>) offsets(%arg8 : memref<64xi32, #tpu.memory_space<vmem>>) semaphore(%run_scoped3A : memref<!tpu.dma_semaphore, #tpu.memory_space<semaphore_mem>>) {add = true}
        %dma_wait3A_101 = arith.constant 0 : i32
        %dma_wait3A_102 = arith.constant 0 : i32
        %dma_wait3A_103 = tpu.memref_slice %arg18[%dma_wait3A_101, %dma_wait3A_102] : memref<5120x128xf32, #tpu.memory_space<vmem_shared>> -> memref<5120x128xf32, #tpu.memory_space<vmem_shared>>
        tpu.wait_indirect_dma semaphore(%run_scoped3A : memref<!tpu.dma_semaphore, #tpu.memory_space<semaphore_mem>>) src(%arg13 : memref<64x128xf32, #tpu.memory_space<vmem>>) dst(%dma_wait3A_103 : memref<5120x128xf32, #tpu.memory_space<vmem_shared>>)
        tpu.yield
      }) : () -> ()
      %mul3A_77 = arith.constant 2 : i32
      %mul3A_78 = arith.muli %mul3A_77, %scan3A_55 : i32
      %add3A_79 = arith.constant 2 : i32
      %add3A_80 = arith.addi %mul3A_78, %add3A_79 : i32
      %mul3A_81 = arith.constant 32 : i32
      %mul3A_82 = arith.muli %add3A_80, %mul3A_81 : i32
      %add3A_83 = arith.addi %add3A, %mul3A_82 : i32
      %mul3A_84 = arith.constant 64 : i32
      %mul3A_85 = arith.muli %add3A_83, %mul3A_84 : i32
      "tpu.region"() ({
        %run_scoped3A = tpu.sem_alloc : memref<!tpu.dma_semaphore, #tpu.memory_space<semaphore_mem>>
        %dma_start3A_98 = tpu.memref_slice %arg4[%mul3A_85] : memref<327680xi32, #tpu.memory_space<hbm>> -> memref<64xi32, #tpu.memory_space<hbm>>
        %dma_start3A_99 = tpu.memref_slice %arg4[%mul3A_85] : memref<327680xi32, #tpu.memory_space<hbm>> -> memref<64xi32, #tpu.memory_space<hbm>>
        tpu.enqueue_dma source(%dma_start3A_99 : memref<64xi32, #tpu.memory_space<hbm>>) target(%arg8 : memref<64xi32, #tpu.memory_space<vmem>>) target_semaphore(%run_scoped3A : memref<!tpu.dma_semaphore, #tpu.memory_space<semaphore_mem>>)
        %dma_wait3A_100 = tpu.memref_slice %arg4[%mul3A_85] : memref<327680xi32, #tpu.memory_space<hbm>> -> memref<64xi32, #tpu.memory_space<hbm>>
        %dma_wait3A_101 = tpu.memref_slice %arg4[%mul3A_85] : memref<327680xi32, #tpu.memory_space<hbm>> -> memref<64xi32, #tpu.memory_space<hbm>>
        tpu.wait_dma2 semaphore(%run_scoped3A : memref<!tpu.dma_semaphore, #tpu.memory_space<semaphore_mem>>) src(%dma_wait3A_101 : memref<64xi32, #tpu.memory_space<hbm>>) dst(%arg8 : memref<64xi32, #tpu.memory_space<vmem>>)
        tpu.yield
      }) : () -> ()
      "tpu.region"() ({
        %run_scoped3A = tpu.sem_alloc : memref<!tpu.dma_semaphore, #tpu.memory_space<semaphore_mem>>
        %dma_start3A_98 = tpu.memref_slice %arg5[%mul3A_85] : memref<327680xi32, #tpu.memory_space<hbm>> -> memref<64xi32, #tpu.memory_space<hbm>>
        %dma_start3A_99 = tpu.memref_slice %arg5[%mul3A_85] : memref<327680xi32, #tpu.memory_space<hbm>> -> memref<64xi32, #tpu.memory_space<hbm>>
        tpu.enqueue_dma source(%dma_start3A_99 : memref<64xi32, #tpu.memory_space<hbm>>) target(%arg9 : memref<64xi32, #tpu.memory_space<vmem>>) target_semaphore(%run_scoped3A : memref<!tpu.dma_semaphore, #tpu.memory_space<semaphore_mem>>)
        %dma_wait3A_100 = tpu.memref_slice %arg5[%mul3A_85] : memref<327680xi32, #tpu.memory_space<hbm>> -> memref<64xi32, #tpu.memory_space<hbm>>
        %dma_wait3A_101 = tpu.memref_slice %arg5[%mul3A_85] : memref<327680xi32, #tpu.memory_space<hbm>> -> memref<64xi32, #tpu.memory_space<hbm>>
        tpu.wait_dma2 semaphore(%run_scoped3A : memref<!tpu.dma_semaphore, #tpu.memory_space<semaphore_mem>>) src(%dma_wait3A_101 : memref<64xi32, #tpu.memory_space<hbm>>) dst(%arg9 : memref<64xi32, #tpu.memory_space<vmem>>)
        tpu.yield
      }) : () -> ()
      %dma_start3A_86 = arith.constant 0 : i32
      %dma_start3A_87 = arith.constant 0 : i32
      %dma_start3A_88 = tpu.memref_slice %arg2[%dma_start3A_86, %dma_start3A_87] : memref<5120x128xf32, #tpu.memory_space<hbm>> -> memref<5120x128xf32, #tpu.memory_space<hbm>>
      tpu.enqueue_indirect_dma source(%dma_start3A_88 : memref<5120x128xf32, #tpu.memory_space<hbm>>) target(%arg12 : memref<64x128xf32, #tpu.memory_space<vmem>>) offsets(%arg8 : memref<64xi32, #tpu.memory_space<vmem>>) semaphore(%arg19 : memref<!tpu.dma_semaphore, #tpu.memory_space<semaphore_mem>>)
      %dma_start3A_89 = arith.constant 0 : i32
      %dma_start3A_90 = arith.constant 0 : i32
      %dma_start3A_91 = tpu.memref_slice %arg3[%dma_start3A_89, %dma_start3A_90] : memref<5120x128xf32, #tpu.memory_space<hbm>> -> memref<5120x128xf32, #tpu.memory_space<hbm>>
      tpu.enqueue_indirect_dma source(%dma_start3A_91 : memref<5120x128xf32, #tpu.memory_space<hbm>>) target(%arg13 : memref<64x128xf32, #tpu.memory_space<vmem>>) offsets(%arg9 : memref<64xi32, #tpu.memory_space<vmem>>) semaphore(%arg20 : memref<!tpu.dma_semaphore, #tpu.memory_space<semaphore_mem>>)
      %dma_wait3A_92 = arith.constant 0 : i32
      %dma_wait3A_93 = arith.constant 0 : i32
      %dma_wait3A_94 = tpu.memref_slice %arg2[%dma_wait3A_92, %dma_wait3A_93] : memref<5120x128xf32, #tpu.memory_space<hbm>> -> memref<5120x128xf32, #tpu.memory_space<hbm>>
      tpu.wait_indirect_dma semaphore(%arg21 : memref<!tpu.dma_semaphore, #tpu.memory_space<semaphore_mem>>) src(%dma_wait3A_94 : memref<5120x128xf32, #tpu.memory_space<hbm>>) dst(%arg14 : memref<64x128xf32, #tpu.memory_space<vmem>>)
      %dma_wait3A_95 = arith.constant 0 : i32
      %dma_wait3A_96 = arith.constant 0 : i32
      %dma_wait3A_97 = tpu.memref_slice %arg3[%dma_wait3A_95, %dma_wait3A_96] : memref<5120x128xf32, #tpu.memory_space<hbm>> -> memref<5120x128xf32, #tpu.memory_space<hbm>>
      tpu.wait_indirect_dma semaphore(%arg22 : memref<!tpu.dma_semaphore, #tpu.memory_space<semaphore_mem>>) src(%dma_wait3A_97 : memref<5120x128xf32, #tpu.memory_space<hbm>>) dst(%arg15 : memref<64x128xf32, #tpu.memory_space<vmem>>)
      "tpu.region"() ({
        %run_scoped3A = tpu.sem_alloc : memref<!tpu.dma_semaphore, #tpu.memory_space<semaphore_mem>>
        %dma_start3A_98 = arith.constant 0 : i32
        %dma_start3A_99 = arith.constant 0 : i32
        %dma_start3A_100 = tpu.memref_slice %arg17[%dma_start3A_98, %dma_start3A_99] : memref<5120x128xf32, #tpu.memory_space<vmem_shared>> -> memref<5120x128xf32, #tpu.memory_space<vmem_shared>>
        tpu.enqueue_indirect_dma source(%arg14 : memref<64x128xf32, #tpu.memory_space<vmem>>) target(%dma_start3A_100 : memref<5120x128xf32, #tpu.memory_space<vmem_shared>>) offsets(%arg11 : memref<64xi32, #tpu.memory_space<vmem>>) semaphore(%run_scoped3A : memref<!tpu.dma_semaphore, #tpu.memory_space<semaphore_mem>>) {add = true}
        %dma_wait3A_101 = arith.constant 0 : i32
        %dma_wait3A_102 = arith.constant 0 : i32
        %dma_wait3A_103 = tpu.memref_slice %arg17[%dma_wait3A_101, %dma_wait3A_102] : memref<5120x128xf32, #tpu.memory_space<vmem_shared>> -> memref<5120x128xf32, #tpu.memory_space<vmem_shared>>
        tpu.wait_indirect_dma semaphore(%run_scoped3A : memref<!tpu.dma_semaphore, #tpu.memory_space<semaphore_mem>>) src(%arg14 : memref<64x128xf32, #tpu.memory_space<vmem>>) dst(%dma_wait3A_103 : memref<5120x128xf32, #tpu.memory_space<vmem_shared>>)
        tpu.yield
      }) : () -> ()
      "tpu.region"() ({
        %run_scoped3A = tpu.sem_alloc : memref<!tpu.dma_semaphore, #tpu.memory_space<semaphore_mem>>
        %dma_start3A_98 = arith.constant 0 : i32
        %dma_start3A_99 = arith.constant 0 : i32
        %dma_start3A_100 = tpu.memref_slice %arg18[%dma_start3A_98, %dma_start3A_99] : memref<5120x128xf32, #tpu.memory_space<vmem_shared>> -> memref<5120x128xf32, #tpu.memory_space<vmem_shared>>
        tpu.enqueue_indirect_dma source(%arg15 : memref<64x128xf32, #tpu.memory_space<vmem>>) target(%dma_start3A_100 : memref<5120x128xf32, #tpu.memory_space<vmem_shared>>) offsets(%arg10 : memref<64xi32, #tpu.memory_space<vmem>>) semaphore(%run_scoped3A : memref<!tpu.dma_semaphore, #tpu.memory_space<semaphore_mem>>) {add = true}
        %dma_wait3A_101 = arith.constant 0 : i32
        %dma_wait3A_102 = arith.constant 0 : i32
        %dma_wait3A_103 = tpu.memref_slice %arg18[%dma_wait3A_101, %dma_wait3A_102] : memref<5120x128xf32, #tpu.memory_space<vmem_shared>> -> memref<5120x128xf32, #tpu.memory_space<vmem_shared>>
        tpu.wait_indirect_dma semaphore(%run_scoped3A : memref<!tpu.dma_semaphore, #tpu.memory_space<semaphore_mem>>) src(%arg15 : memref<64x128xf32, #tpu.memory_space<vmem>>) dst(%dma_wait3A_103 : memref<5120x128xf32, #tpu.memory_space<vmem_shared>>)
        tpu.yield
      }) : () -> ()
    }
    %scan3A_29 = arith.constant 79 : i32
    %add3A_30 = arith.constant 5088 : i32
    %add3A_31 = arith.addi %add3A, %add3A_30 : i32
    %mul3A_32 = arith.constant 64 : i32
    %mul3A_33 = arith.muli %add3A_31, %mul3A_32 : i32
    "tpu.region"() ({
      %run_scoped3A = tpu.sem_alloc : memref<!tpu.dma_semaphore, #tpu.memory_space<semaphore_mem>>
      %dma_start3A_55 = tpu.memref_slice %arg4[%mul3A_33] : memref<327680xi32, #tpu.memory_space<hbm>> -> memref<64xi32, #tpu.memory_space<hbm>>
      %dma_start3A_56 = tpu.memref_slice %arg4[%mul3A_33] : memref<327680xi32, #tpu.memory_space<hbm>> -> memref<64xi32, #tpu.memory_space<hbm>>
      tpu.enqueue_dma source(%dma_start3A_56 : memref<64xi32, #tpu.memory_space<hbm>>) target(%arg10 : memref<64xi32, #tpu.memory_space<vmem>>) target_semaphore(%run_scoped3A : memref<!tpu.dma_semaphore, #tpu.memory_space<semaphore_mem>>)
      %dma_wait3A_57 = tpu.memref_slice %arg4[%mul3A_33] : memref<327680xi32, #tpu.memory_space<hbm>> -> memref<64xi32, #tpu.memory_space<hbm>>
      %dma_wait3A_58 = tpu.memref_slice %arg4[%mul3A_33] : memref<327680xi32, #tpu.memory_space<hbm>> -> memref<64xi32, #tpu.memory_space<hbm>>
      tpu.wait_dma2 semaphore(%run_scoped3A : memref<!tpu.dma_semaphore, #tpu.memory_space<semaphore_mem>>) src(%dma_wait3A_58 : memref<64xi32, #tpu.memory_space<hbm>>) dst(%arg10 : memref<64xi32, #tpu.memory_space<vmem>>)
      tpu.yield
    }) : () -> ()
    "tpu.region"() ({
      %run_scoped3A = tpu.sem_alloc : memref<!tpu.dma_semaphore, #tpu.memory_space<semaphore_mem>>
      %dma_start3A_55 = tpu.memref_slice %arg5[%mul3A_33] : memref<327680xi32, #tpu.memory_space<hbm>> -> memref<64xi32, #tpu.memory_space<hbm>>
      %dma_start3A_56 = tpu.memref_slice %arg5[%mul3A_33] : memref<327680xi32, #tpu.memory_space<hbm>> -> memref<64xi32, #tpu.memory_space<hbm>>
      tpu.enqueue_dma source(%dma_start3A_56 : memref<64xi32, #tpu.memory_space<hbm>>) target(%arg11 : memref<64xi32, #tpu.memory_space<vmem>>) target_semaphore(%run_scoped3A : memref<!tpu.dma_semaphore, #tpu.memory_space<semaphore_mem>>)
      %dma_wait3A_57 = tpu.memref_slice %arg5[%mul3A_33] : memref<327680xi32, #tpu.memory_space<hbm>> -> memref<64xi32, #tpu.memory_space<hbm>>
      %dma_wait3A_58 = tpu.memref_slice %arg5[%mul3A_33] : memref<327680xi32, #tpu.memory_space<hbm>> -> memref<64xi32, #tpu.memory_space<hbm>>
      tpu.wait_dma2 semaphore(%run_scoped3A : memref<!tpu.dma_semaphore, #tpu.memory_space<semaphore_mem>>) src(%dma_wait3A_58 : memref<64xi32, #tpu.memory_space<hbm>>) dst(%arg11 : memref<64xi32, #tpu.memory_space<vmem>>)
      tpu.yield
    }) : () -> ()
    %dma_start3A_34 = arith.constant 0 : i32
    %dma_start3A_35 = arith.constant 0 : i32
    %dma_start3A_36 = tpu.memref_slice %arg2[%dma_start3A_34, %dma_start3A_35] : memref<5120x128xf32, #tpu.memory_space<hbm>> -> memref<5120x128xf32, #tpu.memory_space<hbm>>
    tpu.enqueue_indirect_dma source(%dma_start3A_36 : memref<5120x128xf32, #tpu.memory_space<hbm>>) target(%arg14 : memref<64x128xf32, #tpu.memory_space<vmem>>) offsets(%arg10 : memref<64xi32, #tpu.memory_space<vmem>>) semaphore(%arg21 : memref<!tpu.dma_semaphore, #tpu.memory_space<semaphore_mem>>)
    %dma_start3A_37 = arith.constant 0 : i32
    %dma_start3A_38 = arith.constant 0 : i32
    %dma_start3A_39 = tpu.memref_slice %arg3[%dma_start3A_37, %dma_start3A_38] : memref<5120x128xf32, #tpu.memory_space<hbm>> -> memref<5120x128xf32, #tpu.memory_space<hbm>>
    tpu.enqueue_indirect_dma source(%dma_start3A_39 : memref<5120x128xf32, #tpu.memory_space<hbm>>) target(%arg15 : memref<64x128xf32, #tpu.memory_space<vmem>>) offsets(%arg11 : memref<64xi32, #tpu.memory_space<vmem>>) semaphore(%arg22 : memref<!tpu.dma_semaphore, #tpu.memory_space<semaphore_mem>>)
    %dma_wait3A = arith.constant 0 : i32
    %dma_wait3A_40 = arith.constant 0 : i32
    %dma_wait3A_41 = tpu.memref_slice %arg2[%dma_wait3A, %dma_wait3A_40] : memref<5120x128xf32, #tpu.memory_space<hbm>> -> memref<5120x128xf32, #tpu.memory_space<hbm>>
    tpu.wait_indirect_dma semaphore(%arg19 : memref<!tpu.dma_semaphore, #tpu.memory_space<semaphore_mem>>) src(%dma_wait3A_41 : memref<5120x128xf32, #tpu.memory_space<hbm>>) dst(%arg12 : memref<64x128xf32, #tpu.memory_space<vmem>>)
    %dma_wait3A_42 = arith.constant 0 : i32
    %dma_wait3A_43 = arith.constant 0 : i32
    %dma_wait3A_44 = tpu.memref_slice %arg3[%dma_wait3A_42, %dma_wait3A_43] : memref<5120x128xf32, #tpu.memory_space<hbm>> -> memref<5120x128xf32, #tpu.memory_space<hbm>>
    tpu.wait_indirect_dma semaphore(%arg20 : memref<!tpu.dma_semaphore, #tpu.memory_space<semaphore_mem>>) src(%dma_wait3A_44 : memref<5120x128xf32, #tpu.memory_space<hbm>>) dst(%arg13 : memref<64x128xf32, #tpu.memory_space<vmem>>)
    "tpu.region"() ({
      %run_scoped3A = tpu.sem_alloc : memref<!tpu.dma_semaphore, #tpu.memory_space<semaphore_mem>>
      %dma_start3A_55 = arith.constant 0 : i32
      %dma_start3A_56 = arith.constant 0 : i32
      %dma_start3A_57 = tpu.memref_slice %arg17[%dma_start3A_55, %dma_start3A_56] : memref<5120x128xf32, #tpu.memory_space<vmem_shared>> -> memref<5120x128xf32, #tpu.memory_space<vmem_shared>>
      tpu.enqueue_indirect_dma source(%arg12 : memref<64x128xf32, #tpu.memory_space<vmem>>) target(%dma_start3A_57 : memref<5120x128xf32, #tpu.memory_space<vmem_shared>>) offsets(%arg9 : memref<64xi32, #tpu.memory_space<vmem>>) semaphore(%run_scoped3A : memref<!tpu.dma_semaphore, #tpu.memory_space<semaphore_mem>>) {add = true}
      %dma_wait3A_58 = arith.constant 0 : i32
      %dma_wait3A_59 = arith.constant 0 : i32
      %dma_wait3A_60 = tpu.memref_slice %arg17[%dma_wait3A_58, %dma_wait3A_59] : memref<5120x128xf32, #tpu.memory_space<vmem_shared>> -> memref<5120x128xf32, #tpu.memory_space<vmem_shared>>
      tpu.wait_indirect_dma semaphore(%run_scoped3A : memref<!tpu.dma_semaphore, #tpu.memory_space<semaphore_mem>>) src(%arg12 : memref<64x128xf32, #tpu.memory_space<vmem>>) dst(%dma_wait3A_60 : memref<5120x128xf32, #tpu.memory_space<vmem_shared>>)
      tpu.yield
    }) : () -> ()
    "tpu.region"() ({
      %run_scoped3A = tpu.sem_alloc : memref<!tpu.dma_semaphore, #tpu.memory_space<semaphore_mem>>
      %dma_start3A_55 = arith.constant 0 : i32
      %dma_start3A_56 = arith.constant 0 : i32
      %dma_start3A_57 = tpu.memref_slice %arg18[%dma_start3A_55, %dma_start3A_56] : memref<5120x128xf32, #tpu.memory_space<vmem_shared>> -> memref<5120x128xf32, #tpu.memory_space<vmem_shared>>
      tpu.enqueue_indirect_dma source(%arg13 : memref<64x128xf32, #tpu.memory_space<vmem>>) target(%dma_start3A_57 : memref<5120x128xf32, #tpu.memory_space<vmem_shared>>) offsets(%arg8 : memref<64xi32, #tpu.memory_space<vmem>>) semaphore(%run_scoped3A : memref<!tpu.dma_semaphore, #tpu.memory_space<semaphore_mem>>) {add = true}
      %dma_wait3A_58 = arith.constant 0 : i32
      %dma_wait3A_59 = arith.constant 0 : i32
      %dma_wait3A_60 = tpu.memref_slice %arg18[%dma_wait3A_58, %dma_wait3A_59] : memref<5120x128xf32, #tpu.memory_space<vmem_shared>> -> memref<5120x128xf32, #tpu.memory_space<vmem_shared>>
      tpu.wait_indirect_dma semaphore(%run_scoped3A : memref<!tpu.dma_semaphore, #tpu.memory_space<semaphore_mem>>) src(%arg13 : memref<64x128xf32, #tpu.memory_space<vmem>>) dst(%dma_wait3A_60 : memref<5120x128xf32, #tpu.memory_space<vmem_shared>>)
      tpu.yield
    }) : () -> ()
    %dma_wait3A_45 = arith.constant 0 : i32
    %dma_wait3A_46 = arith.constant 0 : i32
    %dma_wait3A_47 = tpu.memref_slice %arg2[%dma_wait3A_45, %dma_wait3A_46] : memref<5120x128xf32, #tpu.memory_space<hbm>> -> memref<5120x128xf32, #tpu.memory_space<hbm>>
    tpu.wait_indirect_dma semaphore(%arg21 : memref<!tpu.dma_semaphore, #tpu.memory_space<semaphore_mem>>) src(%dma_wait3A_47 : memref<5120x128xf32, #tpu.memory_space<hbm>>) dst(%arg14 : memref<64x128xf32, #tpu.memory_space<vmem>>)
    %dma_wait3A_48 = arith.constant 0 : i32
    %dma_wait3A_49 = arith.constant 0 : i32
    %dma_wait3A_50 = tpu.memref_slice %arg3[%dma_wait3A_48, %dma_wait3A_49] : memref<5120x128xf32, #tpu.memory_space<hbm>> -> memref<5120x128xf32, #tpu.memory_space<hbm>>
    tpu.wait_indirect_dma semaphore(%arg22 : memref<!tpu.dma_semaphore, #tpu.memory_space<semaphore_mem>>) src(%dma_wait3A_50 : memref<5120x128xf32, #tpu.memory_space<hbm>>) dst(%arg15 : memref<64x128xf32, #tpu.memory_space<vmem>>)
    "tpu.region"() ({
      %run_scoped3A = tpu.sem_alloc : memref<!tpu.dma_semaphore, #tpu.memory_space<semaphore_mem>>
      %dma_start3A_55 = arith.constant 0 : i32
      %dma_start3A_56 = arith.constant 0 : i32
      %dma_start3A_57 = tpu.memref_slice %arg17[%dma_start3A_55, %dma_start3A_56] : memref<5120x128xf32, #tpu.memory_space<vmem_shared>> -> memref<5120x128xf32, #tpu.memory_space<vmem_shared>>
      tpu.enqueue_indirect_dma source(%arg14 : memref<64x128xf32, #tpu.memory_space<vmem>>) target(%dma_start3A_57 : memref<5120x128xf32, #tpu.memory_space<vmem_shared>>) offsets(%arg11 : memref<64xi32, #tpu.memory_space<vmem>>) semaphore(%run_scoped3A : memref<!tpu.dma_semaphore, #tpu.memory_space<semaphore_mem>>) {add = true}
      %dma_wait3A_58 = arith.constant 0 : i32
      %dma_wait3A_59 = arith.constant 0 : i32
      %dma_wait3A_60 = tpu.memref_slice %arg17[%dma_wait3A_58, %dma_wait3A_59] : memref<5120x128xf32, #tpu.memory_space<vmem_shared>> -> memref<5120x128xf32, #tpu.memory_space<vmem_shared>>
      tpu.wait_indirect_dma semaphore(%run_scoped3A : memref<!tpu.dma_semaphore, #tpu.memory_space<semaphore_mem>>) src(%arg14 : memref<64x128xf32, #tpu.memory_space<vmem>>) dst(%dma_wait3A_60 : memref<5120x128xf32, #tpu.memory_space<vmem_shared>>)
      tpu.yield
    }) : () -> ()
    "tpu.region"() ({
      %run_scoped3A = tpu.sem_alloc : memref<!tpu.dma_semaphore, #tpu.memory_space<semaphore_mem>>
      %dma_start3A_55 = arith.constant 0 : i32
      %dma_start3A_56 = arith.constant 0 : i32
      %dma_start3A_57 = tpu.memref_slice %arg18[%dma_start3A_55, %dma_start3A_56] : memref<5120x128xf32, #tpu.memory_space<vmem_shared>> -> memref<5120x128xf32, #tpu.memory_space<vmem_shared>>
      tpu.enqueue_indirect_dma source(%arg15 : memref<64x128xf32, #tpu.memory_space<vmem>>) target(%dma_start3A_57 : memref<5120x128xf32, #tpu.memory_space<vmem_shared>>) offsets(%arg10 : memref<64xi32, #tpu.memory_space<vmem>>) semaphore(%run_scoped3A : memref<!tpu.dma_semaphore, #tpu.memory_space<semaphore_mem>>) {add = true}
      %dma_wait3A_58 = arith.constant 0 : i32
      %dma_wait3A_59 = arith.constant 0 : i32
      %dma_wait3A_60 = tpu.memref_slice %arg18[%dma_wait3A_58, %dma_wait3A_59] : memref<5120x128xf32, #tpu.memory_space<vmem_shared>> -> memref<5120x128xf32, #tpu.memory_space<vmem_shared>>
      tpu.wait_indirect_dma semaphore(%run_scoped3A : memref<!tpu.dma_semaphore, #tpu.memory_space<semaphore_mem>>) src(%arg15 : memref<64x128xf32, #tpu.memory_space<vmem>>) dst(%dma_wait3A_60 : memref<5120x128xf32, #tpu.memory_space<vmem_shared>>)
      tpu.yield
    }) : () -> ()
    %barrier3A_51 = arith.constant 0 : index
    tpu.barrier barrier_id(%barrier3A_51)
    %mul3A_52 = arith.constant 5120 : i32
    %mul3A_53 = arith.muli %arg0, %mul3A_52 : i32
    %add3A_54 = arith.addi %mul3A_53, %mul3A_8 : i32
    "tpu.region"() ({
      %run_scoped3A = tpu.sem_alloc : memref<!tpu.dma_semaphore, #tpu.memory_space<semaphore_mem>>
      %dma_start3A_55 = arith.constant 0 : i32
      %dma_start3A_56 = tpu.memref_slice %arg6[%add3A_54, %dma_start3A_55] : memref<10240x128xf32, #tpu.memory_space<hbm>> -> memref<320x128xf32, #tpu.memory_space<hbm>>
      %dma_start3A_57 = arith.constant 0 : i32
      %dma_start3A_58 = tpu.memref_slice %arg17[%mul3A_8, %dma_start3A_57] : memref<5120x128xf32, #tpu.memory_space<vmem_shared>> -> memref<320x128xf32, #tpu.memory_space<vmem_shared>>
      tpu.enqueue_dma source(%dma_start3A_58 : memref<320x128xf32, #tpu.memory_space<vmem_shared>>) target(%dma_start3A_56 : memref<320x128xf32, #tpu.memory_space<hbm>>) target_semaphore(%run_scoped3A : memref<!tpu.dma_semaphore, #tpu.memory_space<semaphore_mem>>)
      %dma_wait3A_59 = arith.constant 0 : i32
      %dma_wait3A_60 = tpu.memref_slice %arg6[%add3A_54, %dma_wait3A_59] : memref<10240x128xf32, #tpu.memory_space<hbm>> -> memref<320x128xf32, #tpu.memory_space<hbm>>
      %dma_wait3A_61 = arith.constant 0 : i32
      %dma_wait3A_62 = tpu.memref_slice %arg17[%mul3A_8, %dma_wait3A_61] : memref<5120x128xf32, #tpu.memory_space<vmem_shared>> -> memref<320x128xf32, #tpu.memory_space<vmem_shared>>
      tpu.wait_dma2 semaphore(%run_scoped3A : memref<!tpu.dma_semaphore, #tpu.memory_space<semaphore_mem>>) src(%dma_wait3A_62 : memref<320x128xf32, #tpu.memory_space<vmem_shared>>) dst(%dma_wait3A_60 : memref<320x128xf32, #tpu.memory_space<hbm>>)
      tpu.yield
    }) : () -> ()
    "tpu.region"() ({
      %run_scoped3A = tpu.sem_alloc : memref<!tpu.dma_semaphore, #tpu.memory_space<semaphore_mem>>
      %dma_start3A_55 = arith.constant 0 : i32
      %dma_start3A_56 = tpu.memref_slice %arg7[%add3A_54, %dma_start3A_55] : memref<10240x128xf32, #tpu.memory_space<hbm>> -> memref<320x128xf32, #tpu.memory_space<hbm>>
      %dma_start3A_57 = arith.constant 0 : i32
      %dma_start3A_58 = tpu.memref_slice %arg18[%mul3A_8, %dma_start3A_57] : memref<5120x128xf32, #tpu.memory_space<vmem_shared>> -> memref<320x128xf32, #tpu.memory_space<vmem_shared>>
      tpu.enqueue_dma source(%dma_start3A_58 : memref<320x128xf32, #tpu.memory_space<vmem_shared>>) target(%dma_start3A_56 : memref<320x128xf32, #tpu.memory_space<hbm>>) target_semaphore(%run_scoped3A : memref<!tpu.dma_semaphore, #tpu.memory_space<semaphore_mem>>)
      %dma_wait3A_59 = arith.constant 0 : i32
      %dma_wait3A_60 = tpu.memref_slice %arg7[%add3A_54, %dma_wait3A_59] : memref<10240x128xf32, #tpu.memory_space<hbm>> -> memref<320x128xf32, #tpu.memory_space<hbm>>
      %dma_wait3A_61 = arith.constant 0 : i32
      %dma_wait3A_62 = tpu.memref_slice %arg18[%mul3A_8, %dma_wait3A_61] : memref<5120x128xf32, #tpu.memory_space<vmem_shared>> -> memref<320x128xf32, #tpu.memory_space<vmem_shared>>
      tpu.wait_dma2 semaphore(%run_scoped3A : memref<!tpu.dma_semaphore, #tpu.memory_space<semaphore_mem>>) src(%dma_wait3A_62 : memref<320x128xf32, #tpu.memory_space<vmem_shared>>) dst(%dma_wait3A_60 : memref<320x128xf32, #tpu.memory_space<hbm>>)
      tpu.yield
    }) : () -> ()
    return
  }
}

#map = affine_map<(d0, d1) -> (0, 0)>
#map1 = affine_map<(d0, d1) -> (0)>
module attributes {stable_mosaic.version = 14 : i64} {
  func.func @_sc_gather_pairs(%arg0: i32, %arg1: i32, %arg2: memref<5120x128xf32, #tpu.memory_space<hbm>>, %arg3: memref<5120x128xf32, #tpu.memory_space<hbm>>, %arg4: memref<65536xi32, #tpu.memory_space<hbm>>, %arg5: memref<65536xi32, #tpu.memory_space<hbm>>, %arg6: memref<65536x128xf32, #tpu.memory_space<hbm>>, %arg7: memref<65536x128xf32, #tpu.memory_space<hbm>>, %arg8: memref<128xi32, #tpu.memory_space<vmem>>, %arg9: memref<128xi32, #tpu.memory_space<vmem>>, %arg10: memref<128x128xf32, #tpu.memory_space<vmem>>, %arg11: memref<128x128xf32, #tpu.memory_space<vmem>>, %arg12: memref<!tpu.dma_semaphore, #tpu.memory_space<semaphore_mem>>, %arg13: memref<!tpu.dma_semaphore, #tpu.memory_space<semaphore_mem>>) attributes {dimension_semantics = [#tpu.dimension_semantics<core_parallel>, #tpu.dimension_semantics<subcore_parallel>], iteration_bounds = array<i64: 2, 16>, scalar_prefetch = 0 : i64, scratch_operands = 6 : i64, tpu.core_type = #tpu.core_type<sc_vector_subcore>, window_params = [{transform_indices = #map}, {transform_indices = #map}, {transform_indices = #map1}, {transform_indices = #map1}, {transform_indices = #map}, {transform_indices = #map}]} {
    %mul3A = arith.constant 2 : i32
    %mul3A_0 = arith.muli %arg1, %mul3A : i32
    %add3A = arith.addi %mul3A_0, %arg0 : i32
    %scan3A = arith.constant 0 : i32
    %scan3A_1 = arith.constant 0 : i32
    %scan3A_2 = arith.constant 16 : i32
    %scan3A_3 = arith.addi %scan3A_1, %scan3A_2 : i32
    %scan3A_4 = arith.constant 1 : i32
    scf.for %scan3A_6 = %scan3A_1 to %scan3A_3 step %scan3A_4  : i32 {
      %mul3A_7 = arith.constant 16 : i32
      %mul3A_8 = arith.muli %add3A, %mul3A_7 : i32
      %add3A_9 = arith.addi %mul3A_8, %scan3A_6 : i32
      %mul3A_10 = arith.constant 128 : i32
      %mul3A_11 = arith.muli %add3A_9, %mul3A_10 : i32
      "tpu.region"() ({
        %run_scoped3A = tpu.sem_alloc : memref<!tpu.dma_semaphore, #tpu.memory_space<semaphore_mem>>
        %dma_start3A_22 = tpu.memref_slice %arg4[%mul3A_11] : memref<65536xi32, #tpu.memory_space<hbm>> -> memref<128xi32, #tpu.memory_space<hbm>>
        %dma_start3A_23 = tpu.memref_slice %arg4[%mul3A_11] : memref<65536xi32, #tpu.memory_space<hbm>> -> memref<128xi32, #tpu.memory_space<hbm>>
        tpu.enqueue_dma source(%dma_start3A_23 : memref<128xi32, #tpu.memory_space<hbm>>) target(%arg8 : memref<128xi32, #tpu.memory_space<vmem>>) target_semaphore(%run_scoped3A : memref<!tpu.dma_semaphore, #tpu.memory_space<semaphore_mem>>)
        %dma_wait3A_24 = tpu.memref_slice %arg4[%mul3A_11] : memref<65536xi32, #tpu.memory_space<hbm>> -> memref<128xi32, #tpu.memory_space<hbm>>
        %dma_wait3A_25 = tpu.memref_slice %arg4[%mul3A_11] : memref<65536xi32, #tpu.memory_space<hbm>> -> memref<128xi32, #tpu.memory_space<hbm>>
        tpu.wait_dma2 semaphore(%run_scoped3A : memref<!tpu.dma_semaphore, #tpu.memory_space<semaphore_mem>>) src(%dma_wait3A_25 : memref<128xi32, #tpu.memory_space<hbm>>) dst(%arg8 : memref<128xi32, #tpu.memory_space<vmem>>)
        tpu.yield
      }) : () -> ()
      "tpu.region"() ({
        %run_scoped3A = tpu.sem_alloc : memref<!tpu.dma_semaphore, #tpu.memory_space<semaphore_mem>>
        %dma_start3A_22 = tpu.memref_slice %arg5[%mul3A_11] : memref<65536xi32, #tpu.memory_space<hbm>> -> memref<128xi32, #tpu.memory_space<hbm>>
        %dma_start3A_23 = tpu.memref_slice %arg5[%mul3A_11] : memref<65536xi32, #tpu.memory_space<hbm>> -> memref<128xi32, #tpu.memory_space<hbm>>
        tpu.enqueue_dma source(%dma_start3A_23 : memref<128xi32, #tpu.memory_space<hbm>>) target(%arg9 : memref<128xi32, #tpu.memory_space<vmem>>) target_semaphore(%run_scoped3A : memref<!tpu.dma_semaphore, #tpu.memory_space<semaphore_mem>>)
        %dma_wait3A_24 = tpu.memref_slice %arg5[%mul3A_11] : memref<65536xi32, #tpu.memory_space<hbm>> -> memref<128xi32, #tpu.memory_space<hbm>>
        %dma_wait3A_25 = tpu.memref_slice %arg5[%mul3A_11] : memref<65536xi32, #tpu.memory_space<hbm>> -> memref<128xi32, #tpu.memory_space<hbm>>
        tpu.wait_dma2 semaphore(%run_scoped3A : memref<!tpu.dma_semaphore, #tpu.memory_space<semaphore_mem>>) src(%dma_wait3A_25 : memref<128xi32, #tpu.memory_space<hbm>>) dst(%arg9 : memref<128xi32, #tpu.memory_space<vmem>>)
        tpu.yield
      }) : () -> ()
      %dma_start3A = arith.constant 0 : i32
      %dma_start3A_12 = arith.constant 0 : i32
      %dma_start3A_13 = tpu.memref_slice %arg2[%dma_start3A, %dma_start3A_12] : memref<5120x128xf32, #tpu.memory_space<hbm>> -> memref<5120x128xf32, #tpu.memory_space<hbm>>
      tpu.enqueue_indirect_dma source(%dma_start3A_13 : memref<5120x128xf32, #tpu.memory_space<hbm>>) target(%arg10 : memref<128x128xf32, #tpu.memory_space<vmem>>) offsets(%arg8 : memref<128xi32, #tpu.memory_space<vmem>>) semaphore(%arg12 : memref<!tpu.dma_semaphore, #tpu.memory_space<semaphore_mem>>)
      %dma_start3A_14 = arith.constant 0 : i32
      %dma_start3A_15 = arith.constant 0 : i32
      %dma_start3A_16 = tpu.memref_slice %arg3[%dma_start3A_14, %dma_start3A_15] : memref<5120x128xf32, #tpu.memory_space<hbm>> -> memref<5120x128xf32, #tpu.memory_space<hbm>>
      tpu.enqueue_indirect_dma source(%dma_start3A_16 : memref<5120x128xf32, #tpu.memory_space<hbm>>) target(%arg11 : memref<128x128xf32, #tpu.memory_space<vmem>>) offsets(%arg9 : memref<128xi32, #tpu.memory_space<vmem>>) semaphore(%arg13 : memref<!tpu.dma_semaphore, #tpu.memory_space<semaphore_mem>>)
      %dma_wait3A = arith.constant 0 : i32
      %dma_wait3A_17 = arith.constant 0 : i32
      %dma_wait3A_18 = tpu.memref_slice %arg2[%dma_wait3A, %dma_wait3A_17] : memref<5120x128xf32, #tpu.memory_space<hbm>> -> memref<5120x128xf32, #tpu.memory_space<hbm>>
      tpu.wait_indirect_dma semaphore(%arg12 : memref<!tpu.dma_semaphore, #tpu.memory_space<semaphore_mem>>) src(%dma_wait3A_18 : memref<5120x128xf32, #tpu.memory_space<hbm>>) dst(%arg10 : memref<128x128xf32, #tpu.memory_space<vmem>>)
      %dma_wait3A_19 = arith.constant 0 : i32
      %dma_wait3A_20 = arith.constant 0 : i32
      %dma_wait3A_21 = tpu.memref_slice %arg3[%dma_wait3A_19, %dma_wait3A_20] : memref<5120x128xf32, #tpu.memory_space<hbm>> -> memref<5120x128xf32, #tpu.memory_space<hbm>>
      tpu.wait_indirect_dma semaphore(%arg13 : memref<!tpu.dma_semaphore, #tpu.memory_space<semaphore_mem>>) src(%dma_wait3A_21 : memref<5120x128xf32, #tpu.memory_space<hbm>>) dst(%arg11 : memref<128x128xf32, #tpu.memory_space<vmem>>)
      "tpu.region"() ({
        %run_scoped3A = tpu.sem_alloc : memref<!tpu.dma_semaphore, #tpu.memory_space<semaphore_mem>>
        %dma_start3A_22 = arith.constant 0 : i32
        %dma_start3A_23 = tpu.memref_slice %arg6[%mul3A_11, %dma_start3A_22] : memref<65536x128xf32, #tpu.memory_space<hbm>> -> memref<128x128xf32, #tpu.memory_space<hbm>>
        %dma_start3A_24 = arith.constant 0 : i32
        %dma_start3A_25 = tpu.memref_slice %arg6[%mul3A_11, %dma_start3A_24] : memref<65536x128xf32, #tpu.memory_space<hbm>> -> memref<128x128xf32, #tpu.memory_space<hbm>>
        tpu.enqueue_dma source(%arg10 : memref<128x128xf32, #tpu.memory_space<vmem>>) target(%dma_start3A_25 : memref<128x128xf32, #tpu.memory_space<hbm>>) target_semaphore(%run_scoped3A : memref<!tpu.dma_semaphore, #tpu.memory_space<semaphore_mem>>)
        %dma_wait3A_26 = arith.constant 0 : i32
        %dma_wait3A_27 = tpu.memref_slice %arg6[%mul3A_11, %dma_wait3A_26] : memref<65536x128xf32, #tpu.memory_space<hbm>> -> memref<128x128xf32, #tpu.memory_space<hbm>>
        %dma_wait3A_28 = arith.constant 0 : i32
        %dma_wait3A_29 = tpu.memref_slice %arg6[%mul3A_11, %dma_wait3A_28] : memref<65536x128xf32, #tpu.memory_space<hbm>> -> memref<128x128xf32, #tpu.memory_space<hbm>>
        tpu.wait_dma2 semaphore(%run_scoped3A : memref<!tpu.dma_semaphore, #tpu.memory_space<semaphore_mem>>) src(%arg10 : memref<128x128xf32, #tpu.memory_space<vmem>>) dst(%dma_wait3A_29 : memref<128x128xf32, #tpu.memory_space<hbm>>)
        tpu.yield
      }) : () -> ()
      "tpu.region"() ({
        %run_scoped3A = tpu.sem_alloc : memref<!tpu.dma_semaphore, #tpu.memory_space<semaphore_mem>>
        %dma_start3A_22 = arith.constant 0 : i32
        %dma_start3A_23 = tpu.memref_slice %arg7[%mul3A_11, %dma_start3A_22] : memref<65536x128xf32, #tpu.memory_space<hbm>> -> memref<128x128xf32, #tpu.memory_space<hbm>>
        %dma_start3A_24 = arith.constant 0 : i32
        %dma_start3A_25 = tpu.memref_slice %arg7[%mul3A_11, %dma_start3A_24] : memref<65536x128xf32, #tpu.memory_space<hbm>> -> memref<128x128xf32, #tpu.memory_space<hbm>>
        tpu.enqueue_dma source(%arg11 : memref<128x128xf32, #tpu.memory_space<vmem>>) target(%dma_start3A_25 : memref<128x128xf32, #tpu.memory_space<hbm>>) target_semaphore(%run_scoped3A : memref<!tpu.dma_semaphore, #tpu.memory_space<semaphore_mem>>)
        %dma_wait3A_26 = arith.constant 0 : i32
        %dma_wait3A_27 = tpu.memref_slice %arg7[%mul3A_11, %dma_wait3A_26] : memref<65536x128xf32, #tpu.memory_space<hbm>> -> memref<128x128xf32, #tpu.memory_space<hbm>>
        %dma_wait3A_28 = arith.constant 0 : i32
        %dma_wait3A_29 = tpu.memref_slice %arg7[%mul3A_11, %dma_wait3A_28] : memref<65536x128xf32, #tpu.memory_space<hbm>> -> memref<128x128xf32, #tpu.memory_space<hbm>>
        tpu.wait_dma2 semaphore(%run_scoped3A : memref<!tpu.dma_semaphore, #tpu.memory_space<semaphore_mem>>) src(%arg11 : memref<128x128xf32, #tpu.memory_space<vmem>>) dst(%dma_wait3A_29 : memref<128x128xf32, #tpu.memory_space<hbm>>)
        tpu.yield
      }) : () -> ()
    }
    %scan3A_5 = arith.constant 16 : i32
    return
  }
}

module attributes {stable_mosaic.version = 14 : i64} {
  func.func @_tc_layer_body(%arg0: memref<2x5120x128xf32, #tpu.memory_space<vmem>>, %arg1: memref<2x5120x128xf32, #tpu.memory_space<vmem>>, %arg2: memref<2x5120x128xf32, #tpu.memory_space<vmem>>, %arg3: memref<2x5120x128xf32, #tpu.memory_space<vmem>>, %arg4: memref<5120x128xf32, #tpu.memory_space<vmem>>, %arg5: memref<5120x128xf32, #tpu.memory_space<vmem>>, %arg6: memref<128x128xf32, #tpu.memory_space<vmem>>, %arg7: memref<128xf32, #tpu.memory_space<vmem>>, %arg8: memref<128x128xf32, #tpu.memory_space<vmem>>, %arg9: memref<128x128xf32, #tpu.memory_space<vmem>>, %arg10: memref<128xf32, #tpu.memory_space<vmem>>, %arg11: memref<128x128xf32, #tpu.memory_space<vmem>>, %arg12: memref<5120x128xf32, #tpu.memory_space<vmem>>, %arg13: memref<5120x128xf32, #tpu.memory_space<vmem>>) attributes {dimension_semantics = [], scalar_prefetch = 0 : i64, scratch_operands = 0 : i64, tpu.core_type = #tpu.core_type<tc>} {
    %get3A = arith.constant 0 : index
    %get3A_0 = arith.constant 0 : index
    %get3A_1 = arith.constant 0 : index
    %get3A_2 = vector.load %arg2[%get3A, %get3A_0, %get3A_1] : memref<2x5120x128xf32, #tpu.memory_space<vmem>>, vector<1x5120x1xf32>
    %get3A_3 = vector.shape_cast %get3A_2 : vector<1x5120x1xf32> to vector<5120xf32>
    %get3A_4 = arith.constant 1 : index
    %get3A_5 = arith.constant 0 : index
    %get3A_6 = arith.constant 0 : index
    %get3A_7 = vector.load %arg2[%get3A_4, %get3A_5, %get3A_6] : memref<2x5120x128xf32, #tpu.memory_space<vmem>>, vector<1x5120x1xf32>
    %get3A_8 = vector.shape_cast %get3A_7 : vector<1x5120x1xf32> to vector<5120xf32>
    %add3A = arith.addf %get3A_3, %get3A_8 : vector<5120xf32>
    %get3A_9 = arith.constant 0 : index
    %get3A_10 = arith.constant 0 : index
    %get3A_11 = arith.constant 0 : index
    %get3A_12 = vector.load %arg3[%get3A_9, %get3A_10, %get3A_11] : memref<2x5120x128xf32, #tpu.memory_space<vmem>>, vector<1x5120x1xf32>
    %get3A_13 = vector.shape_cast %get3A_12 : vector<1x5120x1xf32> to vector<5120xf32>
    %get3A_14 = arith.constant 1 : index
    %get3A_15 = arith.constant 0 : index
    %get3A_16 = arith.constant 0 : index
    %get3A_17 = vector.load %arg3[%get3A_14, %get3A_15, %get3A_16] : memref<2x5120x128xf32, #tpu.memory_space<vmem>>, vector<1x5120x1xf32>
    %get3A_18 = vector.shape_cast %get3A_17 : vector<1x5120x1xf32> to vector<5120xf32>
    %add3A_19 = arith.addf %get3A_13, %get3A_18 : vector<5120xf32>
    %get3A_20 = arith.constant 0 : index
    %get3A_21 = arith.constant 0 : index
    %get3A_22 = arith.constant 0 : index
    %get3A_23 = vector.load %arg0[%get3A_20, %get3A_21, %get3A_22] : memref<2x5120x128xf32, #tpu.memory_space<vmem>>, vector<1x5120x128xf32>
    %get3A_24 = vector.shape_cast %get3A_23 : vector<1x5120x128xf32> to vector<5120x128xf32>
    %get3A_25 = arith.constant 1 : index
    %get3A_26 = arith.constant 0 : index
    %get3A_27 = arith.constant 0 : index
    %get3A_28 = vector.load %arg0[%get3A_25, %get3A_26, %get3A_27] : memref<2x5120x128xf32, #tpu.memory_space<vmem>>, vector<1x5120x128xf32>
    %get3A_29 = vector.shape_cast %get3A_28 : vector<1x5120x128xf32> to vector<5120x128xf32>
    %add3A_30 = arith.addf %get3A_24, %get3A_29 : vector<5120x128xf32>
    %jit3A = arith.constant 1.000000e+00 : f32
    %max3A = vector.broadcast %jit3A : f32 to vector<5120xf32>
    %max3A_31 = arith.maximumf %max3A, %add3A : vector<5120xf32>
    %broadcast_in_dim3A = vector.shape_cast %max3A_31 : vector<5120xf32> to vector<5120x1xf32>
    %div3A = vector.broadcast %broadcast_in_dim3A : vector<5120x1xf32> to vector<5120x128xf32>
    %div3A_32 = arith.divf %add3A_30, %div3A : vector<5120x128xf32>
    %get3A_33 = arith.constant 0 : index
    %get3A_34 = arith.constant 0 : index
    %get3A_35 = arith.constant 0 : index
    %get3A_36 = vector.load %arg1[%get3A_33, %get3A_34, %get3A_35] : memref<2x5120x128xf32, #tpu.memory_space<vmem>>, vector<1x5120x128xf32>
    %get3A_37 = vector.shape_cast %get3A_36 : vector<1x5120x128xf32> to vector<5120x128xf32>
    %get3A_38 = arith.constant 1 : index
    %get3A_39 = arith.constant 0 : index
    %get3A_40 = arith.constant 0 : index
    %get3A_41 = vector.load %arg1[%get3A_38, %get3A_39, %get3A_40] : memref<2x5120x128xf32, #tpu.memory_space<vmem>>, vector<1x5120x128xf32>
    %get3A_42 = vector.shape_cast %get3A_41 : vector<1x5120x128xf32> to vector<5120x128xf32>
    %add3A_43 = arith.addf %get3A_37, %get3A_42 : vector<5120x128xf32>
    %jit3A_44 = arith.constant 1.000000e+00 : f32
    %max3A_45 = vector.broadcast %jit3A_44 : f32 to vector<5120xf32>
    %max3A_46 = arith.maximumf %max3A_45, %add3A_19 : vector<5120xf32>
    %broadcast_in_dim3A_47 = vector.shape_cast %max3A_46 : vector<5120xf32> to vector<5120x1xf32>
    %div3A_48 = vector.broadcast %broadcast_in_dim3A_47 : vector<5120x1xf32> to vector<5120x128xf32>
    %div3A_49 = arith.divf %add3A_43, %div3A_48 : vector<5120x128xf32>
    %get3A_50 = arith.constant 0 : index
    %get3A_51 = arith.constant 0 : index
    %get3A_52 = vector.load %arg6[%get3A_50, %get3A_51] : memref<128x128xf32, #tpu.memory_space<vmem>>, vector<128x128xf32>
    %dot_general3A = arith.constant dense<0.000000e+00> : vector<5120x128xf32>
    %dot_general3A_53 = tpu.matmul %div3A_32, %get3A_52, %dot_general3A {dimension_numbers = #tpu.dot_dimension_numbers<[1], [0], [0], [1], [0, 0, 1, 1], [], []>, precision = #tpu.contract_precision<fp32>, transpose_lhs_hint = false} : vector<5120x128xf32>, vector<128x128xf32>, vector<5120x128xf32> -> vector<5120x128xf32>
    %get3A_54 = arith.constant 0 : index
    %get3A_55 = vector.load %arg7[%get3A_54] : memref<128xf32, #tpu.memory_space<vmem>>, vector<128xf32>
    %broadcast_in_dim3A_56 = vector.shape_cast %get3A_55 : vector<128xf32> to vector<1x128xf32>
    %add3A_57 = vector.broadcast %broadcast_in_dim3A_56 : vector<1x128xf32> to vector<5120x128xf32>
    %add3A_58 = arith.addf %dot_general3A_53, %add3A_57 : vector<5120x128xf32>
    %get3A_59 = arith.constant 0 : index
    %get3A_60 = arith.constant 0 : index
    %get3A_61 = vector.load %arg4[%get3A_59, %get3A_60] : memref<5120x128xf32, #tpu.memory_space<vmem>>, vector<5120x128xf32>
    %get3A_62 = arith.constant 0 : index
    %get3A_63 = arith.constant 0 : index
    %get3A_64 = vector.load %arg8[%get3A_62, %get3A_63] : memref<128x128xf32, #tpu.memory_space<vmem>>, vector<128x128xf32>
    %dot_general3A_65 = arith.constant dense<0.000000e+00> : vector<5120x128xf32>
    %dot_general3A_66 = tpu.matmul %get3A_61, %get3A_64, %dot_general3A_65 {dimension_numbers = #tpu.dot_dimension_numbers<[1], [0], [0], [1], [0, 0, 1, 1], [], []>, precision = #tpu.contract_precision<fp32>, transpose_lhs_hint = false} : vector<5120x128xf32>, vector<128x128xf32>, vector<5120x128xf32> -> vector<5120x128xf32>
    %add3A_67 = arith.addf %add3A_58, %dot_general3A_66 : vector<5120x128xf32>
    %get3A_68 = arith.constant 0 : index
    %get3A_69 = arith.constant 0 : index
    %get3A_70 = vector.load %arg9[%get3A_68, %get3A_69] : memref<128x128xf32, #tpu.memory_space<vmem>>, vector<128x128xf32>
    %dot_general3A_71 = arith.constant dense<0.000000e+00> : vector<5120x128xf32>
    %dot_general3A_72 = tpu.matmul %div3A_49, %get3A_70, %dot_general3A_71 {dimension_numbers = #tpu.dot_dimension_numbers<[1], [0], [0], [1], [0, 0, 1, 1], [], []>, precision = #tpu.contract_precision<fp32>, transpose_lhs_hint = false} : vector<5120x128xf32>, vector<128x128xf32>, vector<5120x128xf32> -> vector<5120x128xf32>
    %get3A_73 = arith.constant 0 : index
    %get3A_74 = vector.load %arg10[%get3A_73] : memref<128xf32, #tpu.memory_space<vmem>>, vector<128xf32>
    %broadcast_in_dim3A_75 = vector.shape_cast %get3A_74 : vector<128xf32> to vector<1x128xf32>
    %add3A_76 = vector.broadcast %broadcast_in_dim3A_75 : vector<1x128xf32> to vector<5120x128xf32>
    %add3A_77 = arith.addf %dot_general3A_72, %add3A_76 : vector<5120x128xf32>
    %get3A_78 = arith.constant 0 : index
    %get3A_79 = arith.constant 0 : index
    %get3A_80 = vector.load %arg5[%get3A_78, %get3A_79] : memref<5120x128xf32, #tpu.memory_space<vmem>>, vector<5120x128xf32>
    %get3A_81 = arith.constant 0 : index
    %get3A_82 = arith.constant 0 : index
    %get3A_83 = vector.load %arg11[%get3A_81, %get3A_82] : memref<128x128xf32, #tpu.memory_space<vmem>>, vector<128x128xf32>
    %dot_general3A_84 = arith.constant dense<0.000000e+00> : vector<5120x128xf32>
    %dot_general3A_85 = tpu.matmul %get3A_80, %get3A_83, %dot_general3A_84 {dimension_numbers = #tpu.dot_dimension_numbers<[1], [0], [0], [1], [0, 0, 1, 1], [], []>, precision = #tpu.contract_precision<fp32>, transpose_lhs_hint = false} : vector<5120x128xf32>, vector<128x128xf32>, vector<5120x128xf32> -> vector<5120x128xf32>
    %add3A_86 = arith.addf %add3A_77, %dot_general3A_85 : vector<5120x128xf32>
    %max3A_87 = arith.constant 0.000000e+00 : f32
    %max3A_88 = vector.broadcast %max3A_87 : f32 to vector<5120x128xf32>
    %max3A_89 = arith.maximumf %add3A_67, %max3A_88 : vector<5120x128xf32>
    %max3A_90 = arith.constant 0.000000e+00 : f32
    %max3A_91 = vector.broadcast %max3A_90 : f32 to vector<5120x128xf32>
    %max3A_92 = arith.maximumf %add3A_86, %max3A_91 : vector<5120x128xf32>
    %swap3A = arith.constant 0 : index
    %swap3A_93 = arith.constant 0 : index
    %swap3A_94 = vector.load %arg12[%swap3A, %swap3A_93] : memref<5120x128xf32, #tpu.memory_space<vmem>>, vector<5120x128xf32>
    tpu.vector_store %arg12[%swap3A, %swap3A_93], %max3A_89 {strides = array<i32>} : memref<5120x128xf32, #tpu.memory_space<vmem>>, vector<5120x128xf32>,
    %swap3A_95 = arith.constant 0 : index
    %swap3A_96 = arith.constant 0 : index
    %swap3A_97 = vector.load %arg13[%swap3A_95, %swap3A_96] : memref<5120x128xf32, #tpu.memory_space<vmem>>, vector<5120x128xf32>
    tpu.vector_store %arg13[%swap3A_95, %swap3A_96], %max3A_92 {strides = array<i32>} : memref<5120x128xf32, #tpu.memory_space<vmem>>, vector<5120x128xf32>,
    return
  }
}

module attributes {stable_mosaic.version = 14 : i64} {
  func.func @_tc_layer_body(%arg0: memref<2x5120x128xf32, #tpu.memory_space<vmem>>, %arg1: memref<2x5120x128xf32, #tpu.memory_space<vmem>>, %arg2: memref<2x5120x128xf32, #tpu.memory_space<vmem>>, %arg3: memref<2x5120x128xf32, #tpu.memory_space<vmem>>, %arg4: memref<5120x128xf32, #tpu.memory_space<vmem>>, %arg5: memref<5120x128xf32, #tpu.memory_space<vmem>>, %arg6: memref<128x128xf32, #tpu.memory_space<vmem>>, %arg7: memref<128xf32, #tpu.memory_space<vmem>>, %arg8: memref<128x128xf32, #tpu.memory_space<vmem>>, %arg9: memref<128x128xf32, #tpu.memory_space<vmem>>, %arg10: memref<128xf32, #tpu.memory_space<vmem>>, %arg11: memref<128x128xf32, #tpu.memory_space<vmem>>, %arg12: memref<5120x128xf32, #tpu.memory_space<vmem>>, %arg13: memref<5120x128xf32, #tpu.memory_space<vmem>>) attributes {dimension_semantics = [], scalar_prefetch = 0 : i64, scratch_operands = 0 : i64, tpu.core_type = #tpu.core_type<tc>} {
    %get3A = arith.constant 0 : index
    %get3A_0 = arith.constant 0 : index
    %get3A_1 = arith.constant 0 : index
    %get3A_2 = vector.load %arg2[%get3A, %get3A_0, %get3A_1] : memref<2x5120x128xf32, #tpu.memory_space<vmem>>, vector<1x5120x1xf32>
    %get3A_3 = vector.shape_cast %get3A_2 : vector<1x5120x1xf32> to vector<5120xf32>
    %get3A_4 = arith.constant 1 : index
    %get3A_5 = arith.constant 0 : index
    %get3A_6 = arith.constant 0 : index
    %get3A_7 = vector.load %arg2[%get3A_4, %get3A_5, %get3A_6] : memref<2x5120x128xf32, #tpu.memory_space<vmem>>, vector<1x5120x1xf32>
    %get3A_8 = vector.shape_cast %get3A_7 : vector<1x5120x1xf32> to vector<5120xf32>
    %add3A = arith.addf %get3A_3, %get3A_8 : vector<5120xf32>
    %get3A_9 = arith.constant 0 : index
    %get3A_10 = arith.constant 0 : index
    %get3A_11 = arith.constant 0 : index
    %get3A_12 = vector.load %arg3[%get3A_9, %get3A_10, %get3A_11] : memref<2x5120x128xf32, #tpu.memory_space<vmem>>, vector<1x5120x1xf32>
    %get3A_13 = vector.shape_cast %get3A_12 : vector<1x5120x1xf32> to vector<5120xf32>
    %get3A_14 = arith.constant 1 : index
    %get3A_15 = arith.constant 0 : index
    %get3A_16 = arith.constant 0 : index
    %get3A_17 = vector.load %arg3[%get3A_14, %get3A_15, %get3A_16] : memref<2x5120x128xf32, #tpu.memory_space<vmem>>, vector<1x5120x1xf32>
    %get3A_18 = vector.shape_cast %get3A_17 : vector<1x5120x1xf32> to vector<5120xf32>
    %add3A_19 = arith.addf %get3A_13, %get3A_18 : vector<5120xf32>
    %get3A_20 = arith.constant 0 : index
    %get3A_21 = arith.constant 0 : index
    %get3A_22 = arith.constant 0 : index
    %get3A_23 = vector.load %arg0[%get3A_20, %get3A_21, %get3A_22] : memref<2x5120x128xf32, #tpu.memory_space<vmem>>, vector<1x5120x128xf32>
    %get3A_24 = vector.shape_cast %get3A_23 : vector<1x5120x128xf32> to vector<5120x128xf32>
    %get3A_25 = arith.constant 1 : index
    %get3A_26 = arith.constant 0 : index
    %get3A_27 = arith.constant 0 : index
    %get3A_28 = vector.load %arg0[%get3A_25, %get3A_26, %get3A_27] : memref<2x5120x128xf32, #tpu.memory_space<vmem>>, vector<1x5120x128xf32>
    %get3A_29 = vector.shape_cast %get3A_28 : vector<1x5120x128xf32> to vector<5120x128xf32>
    %add3A_30 = arith.addf %get3A_24, %get3A_29 : vector<5120x128xf32>
    %jit3A = arith.constant 1.000000e+00 : f32
    %max3A = vector.broadcast %jit3A : f32 to vector<5120xf32>
    %max3A_31 = arith.maximumf %max3A, %add3A : vector<5120xf32>
    %broadcast_in_dim3A = vector.shape_cast %max3A_31 : vector<5120xf32> to vector<5120x1xf32>
    %div3A = vector.broadcast %broadcast_in_dim3A : vector<5120x1xf32> to vector<5120x128xf32>
    %div3A_32 = arith.divf %add3A_30, %div3A : vector<5120x128xf32>
    %get3A_33 = arith.constant 0 : index
    %get3A_34 = arith.constant 0 : index
    %get3A_35 = arith.constant 0 : index
    %get3A_36 = vector.load %arg1[%get3A_33, %get3A_34, %get3A_35] : memref<2x5120x128xf32, #tpu.memory_space<vmem>>, vector<1x5120x128xf32>
    %get3A_37 = vector.shape_cast %get3A_36 : vector<1x5120x128xf32> to vector<5120x128xf32>
    %get3A_38 = arith.constant 1 : index
    %get3A_39 = arith.constant 0 : index
    %get3A_40 = arith.constant 0 : index
    %get3A_41 = vector.load %arg1[%get3A_38, %get3A_39, %get3A_40] : memref<2x5120x128xf32, #tpu.memory_space<vmem>>, vector<1x5120x128xf32>
    %get3A_42 = vector.shape_cast %get3A_41 : vector<1x5120x128xf32> to vector<5120x128xf32>
    %add3A_43 = arith.addf %get3A_37, %get3A_42 : vector<5120x128xf32>
    %jit3A_44 = arith.constant 1.000000e+00 : f32
    %max3A_45 = vector.broadcast %jit3A_44 : f32 to vector<5120xf32>
    %max3A_46 = arith.maximumf %max3A_45, %add3A_19 : vector<5120xf32>
    %broadcast_in_dim3A_47 = vector.shape_cast %max3A_46 : vector<5120xf32> to vector<5120x1xf32>
    %div3A_48 = vector.broadcast %broadcast_in_dim3A_47 : vector<5120x1xf32> to vector<5120x128xf32>
    %div3A_49 = arith.divf %add3A_43, %div3A_48 : vector<5120x128xf32>
    %get3A_50 = arith.constant 0 : index
    %get3A_51 = arith.constant 0 : index
    %get3A_52 = vector.load %arg6[%get3A_50, %get3A_51] : memref<128x128xf32, #tpu.memory_space<vmem>>, vector<128x128xf32>
    %dot_general3A = arith.constant dense<0.000000e+00> : vector<5120x128xf32>
    %dot_general3A_53 = tpu.matmul %div3A_32, %get3A_52, %dot_general3A {dimension_numbers = #tpu.dot_dimension_numbers<[1], [0], [0], [1], [0, 0, 1, 1], [], []>, precision = #tpu.contract_precision<fp32>, transpose_lhs_hint = false} : vector<5120x128xf32>, vector<128x128xf32>, vector<5120x128xf32> -> vector<5120x128xf32>
    %get3A_54 = arith.constant 0 : index
    %get3A_55 = vector.load %arg7[%get3A_54] : memref<128xf32, #tpu.memory_space<vmem>>, vector<128xf32>
    %broadcast_in_dim3A_56 = vector.shape_cast %get3A_55 : vector<128xf32> to vector<1x128xf32>
    %add3A_57 = vector.broadcast %broadcast_in_dim3A_56 : vector<1x128xf32> to vector<5120x128xf32>
    %add3A_58 = arith.addf %dot_general3A_53, %add3A_57 : vector<5120x128xf32>
    %get3A_59 = arith.constant 0 : index
    %get3A_60 = arith.constant 0 : index
    %get3A_61 = vector.load %arg4[%get3A_59, %get3A_60] : memref<5120x128xf32, #tpu.memory_space<vmem>>, vector<5120x128xf32>
    %get3A_62 = arith.constant 0 : index
    %get3A_63 = arith.constant 0 : index
    %get3A_64 = vector.load %arg8[%get3A_62, %get3A_63] : memref<128x128xf32, #tpu.memory_space<vmem>>, vector<128x128xf32>
    %dot_general3A_65 = arith.constant dense<0.000000e+00> : vector<5120x128xf32>
    %dot_general3A_66 = tpu.matmul %get3A_61, %get3A_64, %dot_general3A_65 {dimension_numbers = #tpu.dot_dimension_numbers<[1], [0], [0], [1], [0, 0, 1, 1], [], []>, precision = #tpu.contract_precision<fp32>, transpose_lhs_hint = false} : vector<5120x128xf32>, vector<128x128xf32>, vector<5120x128xf32> -> vector<5120x128xf32>
    %add3A_67 = arith.addf %add3A_58, %dot_general3A_66 : vector<5120x128xf32>
    %get3A_68 = arith.constant 0 : index
    %get3A_69 = arith.constant 0 : index
    %get3A_70 = vector.load %arg9[%get3A_68, %get3A_69] : memref<128x128xf32, #tpu.memory_space<vmem>>, vector<128x128xf32>
    %dot_general3A_71 = arith.constant dense<0.000000e+00> : vector<5120x128xf32>
    %dot_general3A_72 = tpu.matmul %div3A_49, %get3A_70, %dot_general3A_71 {dimension_numbers = #tpu.dot_dimension_numbers<[1], [0], [0], [1], [0, 0, 1, 1], [], []>, precision = #tpu.contract_precision<fp32>, transpose_lhs_hint = false} : vector<5120x128xf32>, vector<128x128xf32>, vector<5120x128xf32> -> vector<5120x128xf32>
    %get3A_73 = arith.constant 0 : index
    %get3A_74 = vector.load %arg10[%get3A_73] : memref<128xf32, #tpu.memory_space<vmem>>, vector<128xf32>
    %broadcast_in_dim3A_75 = vector.shape_cast %get3A_74 : vector<128xf32> to vector<1x128xf32>
    %add3A_76 = vector.broadcast %broadcast_in_dim3A_75 : vector<1x128xf32> to vector<5120x128xf32>
    %add3A_77 = arith.addf %dot_general3A_72, %add3A_76 : vector<5120x128xf32>
    %get3A_78 = arith.constant 0 : index
    %get3A_79 = arith.constant 0 : index
    %get3A_80 = vector.load %arg5[%get3A_78, %get3A_79] : memref<5120x128xf32, #tpu.memory_space<vmem>>, vector<5120x128xf32>
    %get3A_81 = arith.constant 0 : index
    %get3A_82 = arith.constant 0 : index
    %get3A_83 = vector.load %arg11[%get3A_81, %get3A_82] : memref<128x128xf32, #tpu.memory_space<vmem>>, vector<128x128xf32>
    %dot_general3A_84 = arith.constant dense<0.000000e+00> : vector<5120x128xf32>
    %dot_general3A_85 = tpu.matmul %get3A_80, %get3A_83, %dot_general3A_84 {dimension_numbers = #tpu.dot_dimension_numbers<[1], [0], [0], [1], [0, 0, 1, 1], [], []>, precision = #tpu.contract_precision<fp32>, transpose_lhs_hint = false} : vector<5120x128xf32>, vector<128x128xf32>, vector<5120x128xf32> -> vector<5120x128xf32>
    %add3A_86 = arith.addf %add3A_77, %dot_general3A_85 : vector<5120x128xf32>
    %swap3A = arith.constant 0 : index
    %swap3A_87 = arith.constant 0 : index
    %swap3A_88 = vector.load %arg12[%swap3A, %swap3A_87] : memref<5120x128xf32, #tpu.memory_space<vmem>>, vector<5120x128xf32>
    tpu.vector_store %arg12[%swap3A, %swap3A_87], %add3A_67 {strides = array<i32>} : memref<5120x128xf32, #tpu.memory_space<vmem>>, vector<5120x128xf32>,
    %swap3A_89 = arith.constant 0 : index
    %swap3A_90 = arith.constant 0 : index
    %swap3A_91 = vector.load %arg13[%swap3A_89, %swap3A_90] : memref<5120x128xf32, #tpu.memory_space<vmem>>, vector<5120x128xf32>
    tpu.vector_store %arg13[%swap3A_89, %swap3A_90], %add3A_86 {strides = array<i32>} : memref<5120x128xf32, #tpu.memory_space<vmem>>, vector<5120x128xf32>,
    return
  }
}

module attributes {stable_mosaic.version = 14 : i64} {
  func.func @_tc_dot_body(%arg0: i32, %arg1: memref<8192x128xf32, #tpu.memory_space<vmem>>, %arg2: memref<8192x128xf32, #tpu.memory_space<vmem>>, %arg3: memref<8192xf32, #tpu.memory_space<vmem>>) attributes {dimension_semantics = [#tpu.dimension_semantics<arbitrary>], iteration_bounds = array<i64: 8>, scalar_prefetch = 0 : i64, scratch_operands = 0 : i64, tpu.core_type = #tpu.core_type<tc>, window_params = [{transform_indices = @transform_0, window_bounds = array<i64: 8192, 128>}, {transform_indices = @transform_1, window_bounds = array<i64: 8192, 128>}, {transform_indices = @transform_2, window_bounds = array<i64: 8192>}]} {
    %get3A = arith.constant 0 : index
    %get3A_0 = arith.constant 0 : index
    %get3A_1 = vector.load %arg1[%get3A, %get3A_0] : memref<8192x128xf32, #tpu.memory_space<vmem>>, vector<8192x128xf32>
    %get3A_2 = arith.constant 0 : index
    %get3A_3 = arith.constant 0 : index
    %get3A_4 = vector.load %arg2[%get3A_2, %get3A_3] : memref<8192x128xf32, #tpu.memory_space<vmem>>, vector<8192x128xf32>
    %mul3A = arith.mulf %get3A_1, %get3A_4 : vector<8192x128xf32>
    %reduce_sum3A = arith.constant dense<0.000000e+00> : vector<8192xf32>
    %reduce_sum3A_5 = vector.multi_reduction <add>, %mul3A, %reduce_sum3A [1] : vector<8192x128xf32> to vector<8192xf32>
    %swap3A = arith.constant 0 : index
    %swap3A_6 = vector.load %arg3[%swap3A] : memref<8192xf32, #tpu.memory_space<vmem>>, vector<8192xf32>
    tpu.vector_store %arg3[%swap3A], %reduce_sum3A_5 {strides = array<i32>} : memref<8192xf32, #tpu.memory_space<vmem>>, vector<8192xf32>,
    return
  }
  func.func @transform_0(%arg0: i32) -> (i32, i32) {
    %c0_i32 = arith.constant 0 : i32
    %c0_i32_0 = arith.constant 0 : i32
    return %arg0, %c0_i32 : i32, i32
  }
  func.func @transform_1(%arg0: i32) -> (i32, i32) {
    %c0_i32 = arith.constant 0 : i32
    %c0_i32_0 = arith.constant 0 : i32
    return %arg0, %c0_i32 : i32, i32
  }
  func.func @transform_2(%arg0: i32) -> i32 {
    %c0_i32 = arith.constant 0 : i32
    return %arg0 : i32
  }
}

</mosaic_0001>

<sc_bundles>
// kernel: kernel.12.cloned.1.call-start
scs
__scs_entry_jumppad:
0x0: {  	(pc) =	sbr.rel $0x88, $3  }
0x1: {  	(tag) =	ssettag $0x0;
	lr =	simm.s32 $0x1  }
0x2: {  	[smem:$0x3F91] =	sst lr;
	_ =	strace $0xD0000000  }
0x3: {  	_ = 	snop  }
0x4: {  	_ = 	snop  }
0x5: {  	_ = 	snop  }
0x6: {  	_ = 	snop  }
0x7: {  	_ = 	snop  }
__scs_overlays_trampoline_lowered:
0x8: {  	[smem:$0x3FA0] =	sst s0  }
0x9: {  	[smem:$0x3FA1] =	sst s1  }
0xa: {  	[smem:$0x3FA2] =	sst s2  }
0xb: {  	[smem:$0x3FA3] =	sst s3  }
0xc: {  	[smem:$0x3FA4] =	sst s4  }
0xd: {  	[smem:$0x3FA5] =	sst s5  }
0xe: {  	[smem:$0x3FA6] =	sst s6  }
0xf: {  	[smem:$0x3FA7] =	sst s7  }
0x10: {  	[smem:$0x3FA8] =	sst s8  }
0x11: {  	[smem:$0x3FA9] =	sst s9;
	s0 =	simm.s32 @!p0 $0x0  }
0x12: {  	s1 =	sld [smem:$0x3F8F];
	s0 =	simm.s32 @p0 $0x1  }
0x13: {  	[smem:$0x3FAA] =	sst s0;
	s0 =	simm.s32 @!p1 $0x0  }
0x14: {  	s2 =	sld [smem:$0x3F8E];
	s0 =	simm.s32 @p1 $0x1  }
0x15: {  	[smem:$0x3FAB] =	sst s0;
	s0 =	simm.s32 @!p2 $0x0  }
0x16: {  	s3 =	sld [smem:$0x3FDB];
	s0 =	simm.s32 @p2 $0x1  }
0x17: {  	s4 =	simm.s32 $0x1BF5;
	[smem:$0x3FAD] =	sst s0  }
0x18: {  	s0 =	sld [smem:$0x3F90];
	_ =	swait.ge [sflag:s4], $0x0  }
0x19: {  	s7 =	sld [smem:$0x3F91]  }
0x1a: {  	s8 =	sadd.s32 $0xFFFFE003, lr  }
0x1b: {  	s9 =	sadd.s32 $0xFFFFFEF7, lr;
	s5 =	simm.s32 $0xFFFFFFFF;
	p2 =	slt.u32 s8, $0xFFFFF086  }
0x1c: {  	p1 =	slt.u32 s9, $0xF7A;
	s5 =	simm.s32 @!p2 $0x0  }
0x1d: {  	s5 =	simm.s32 @p1 $0x1;
	p0 =	seq.s32 s7, s2  }
0x1e: {  	s7 =	smul.u32 @!p0 $0xF7A, s2;
	p2 =	seq.s32 @!p0 s5, $0x0  }
0x1f: {  	s9 =	smul.u32 $0xF7A, s1;
	s8 =	simm.s32 @!p0 $0x1BF5;
	p2 =	por !p2, p0  }
0x20: {  	[sflag:s8] =	ssyncset.s32 @!p0 $0xFFFFF086;
	s6 =	sadd.s32 @!p0 s3, s7;
	s7 =	simm.s32 @!p0 $0x108  }
0x21: {  	s3 =	sadd.s32 s3, s9;
	s6 =	sadd.s32 @!p0 $0x88, s6;
	s7 =	simm.s32 @p2 $0x1082  }
0x22: {  	[simem:s7], [sflag:s8] =	dma.local @!p0 [hbm:s6], $0xF7A  }
0x23: {  	s9 =	sor.u32 $0xD0000000, s2;
	s6 =	simm.s32 $0x108;
	_ =	swait.ge @!p0 [sflag:s8], $0x0  }
0x24: {  	s3 =	sadd.s32 $0x88, s3;
	s6 =	simm.s32 @!p1 $0x1082;
	[sflag:s4] =	ssyncset.s32 $0xFFFFF086  }
0x25: {  	[simem:s6], [sflag:s4] =	dma.local [hbm:s3], $0xF7A  }
0x26: {  	[smem:$0x3F91] =	sst s1;
	(tag) =	ssettag s2;
	_ =	strace s9  }
0x27: {  	s1 =	sld [smem:$0x3FA1]  }
0x28: {  	s2 =	sld [smem:$0x3FA2]  }
0x29: {  	s4 =	sld [smem:$0x3FA4]  }
0x2a: {  	p0 =	seq.s32 s5, $0x0;
	s5 =	sld [smem:$0x3FA5]  }
0x2b: {  	s6 =	sld [smem:$0x3FA6]  }
0x2c: {  	s7 =	sld [smem:$0x3FA7]  }
0x2d: {  	s3 =	simm.s32 $0x108;
	s8 =	sld [smem:$0x3FA8]  }
0x2e: {  	s3 =	simm.s32 @!p0 $0x1082;
	s9 =	sld [smem:$0x3FA9]  }
0x2f: {  	lr =	sadd.s32 s0, s3;
	s0 =	sld [smem:$0x3FA0]  }
0x30: {  	s3 =	sld [smem:$0x3FA3]  }
0x31: {  	[smem:$0x3FAC] =	sst s10  }
0x32: {  	s10 =	sld [smem:$0x3FAA];
	_ =	sdelay $0x3  }
0x33: {  	p0 =	seq.s32 s10, $0x1;
	s10 =	sld [smem:$0x3FAC];
	_ =	sdelay $0x3  }
0x34: {  	[smem:$0x3FAC] =	sst s10  }
0x35: {  	s10 =	sld [smem:$0x3FAB];
	_ =	sdelay $0x3  }
0x36: {  	p1 =	seq.s32 s10, $0x1;
	s10 =	sld [smem:$0x3FAC];
	_ =	sdelay $0x3  }
0x37: {  	[smem:$0x3FAC] =	sst s10  }
0x38: {  	s10 =	sld [smem:$0x3FAD]  }
0x39: {  	_ = 	snop;
	(pc) =	sbr.ind lr, $3  }
0x3a: {  	_ = 	snop  }
0x3b: {  	_ = 	snop  }
0x3c: {  	p2 =	seq.s32 s10, $0x1;
	s10 =	sld [smem:$0x3FAC]  }
0x3d: {  	_ =	shalt  }
0x3e: {  	_ =	shalt  }
0x3f: {  	_ =	shalt  }
0x40: {  	_ =	shalt  }
0x41: {  	_ =	shalt  }
0x42: {  	_ =	shalt  }
0x43: {  	_ =	shalt  }
0x44: {  	_ =	shalt  }
0x45: {  	_ =	shalt  }
0x46: {  	_ =	shalt  }
0x47: {  	_ =	shalt  }
0x48: {  	_ =	shalt  }
0x49: {  	_ =	shalt  }
0x4a: {  	_ =	shalt  }
0x4b: {  	_ =	shalt  }
0x4c: {  	_ =	shalt  }
0x4d: {  	_ =	shalt  }
0x4e: {  	_ =	shalt  }
0x4f: {  	_ =	shalt  }
0x50: {  	_ =	shalt  }
0x51: {  	_ =	shalt  }
0x52: {  	_ =	shalt  }
0x53: {  	_ =	shalt  }
0x54: {  	_ =	shalt  }
0x55: {  	_ =	shalt  }
0x56: {  	_ =	shalt  }
0x57: {  	_ =	shalt  }
0x58: {  	_ =	shalt  }
0x59: {  	_ =	shalt  }
0x5a: {  	_ =	shalt  }
0x5b: {  	_ =	shalt  }
0x5c: {  	_ =	shalt  }
0x5d: {  	_ =	shalt  }
0x5e: {  	_ =	shalt  }
0x5f: {  	_ =	shalt  }
0x60: {  	_ =	shalt  }
0x61: {  	_ =	shalt  }
0x62: {  	_ =	shalt  }
0x63: {  	_ =	shalt  }
0x64: {  	_ =	shalt  }
0x65: {  	_ =	shalt  }
0x66: {  	_ =	shalt  }
0x67: {  	_ =	shalt  }
0x68: {  	_ =	shalt  }
0x69: {  	_ =	shalt  }
0x6a: {  	_ =	shalt  }
0x6b: {  	_ =	shalt  }
0x6c: {  	_ =	shalt  }
0x6d: {  	_ =	shalt  }
0x6e: {  	_ =	shalt  }
0x6f: {  	_ =	shalt  }
0x70: {  	_ =	shalt  }
0x71: {  	_ =	shalt  }
0x72: {  	_ =	shalt  }
0x73: {  	_ =	shalt  }
0x74: {  	_ =	shalt  }
0x75: {  	_ =	shalt  }
0x76: {  	_ =	shalt  }
0x77: {  	_ =	shalt  }
0x78: {  	_ =	shalt  }
0x79: {  	_ =	shalt  }
0x7a: {  	_ =	shalt  }
0x7b: {  	_ =	shalt  }
0x7c: {  	_ =	shalt  }
0x7d: {  	_ =	shalt  }
0x7e: {  	_ =	shalt  }
0x7f: {  	_ =	shalt  }
0x80: {  	_ =	shalt  }
0x81: {  	_ =	shalt  }
0x82: {  	_ =	shalt  }
0x83: {  	_ =	shalt  }
0x84: {  	_ =	shalt  }
0x85: {  	_ =	shalt  }
0x86: {  	_ =	shalt  }
0x87: {  	_ =	shalt  }
.Lfunc_end0:
.L_simem_size_0:
called_computation.1_lowered:
.L_overlay_start_0:
0x88: {  	s2 =	sld [smem:$0x3FD9]  }
0x89: {  	s3 =	sld [smem:$0x3FFE];
	_ =	sdelay $0x1  }
0x8a: {  	s1 =	srdreg.scid  }
0x8b: {  	s0 =	sand.u32 $0x1, s1  }
0x8c: {  	s16 =	sshll.u32 s0, $0xA;
	s2 =	sadd.s32 s3, s2  }
0x8d: {  	s2 =	sadd.s32 s2, s16  }
0x8e: {  	[smem:$0x3FB8] =	sst s2  }
0x8f: {  	_ = 	snop  }
0x90: {  	(tm) =	ssettm $0x1  }
0x91: {  	s17 =	sld [smem:$0x3FFB];
	_ =	sdelay $0x3  }
0x92: {  	_ =	strace s17  }
0x93: {  	s2 =	sld [smem:$0x3FFC];
	_ =	sdelay $0x3  }
0x94: {  	_ =	strace s2  }
0x95: {  	s2 =	sld [smem:$0x3FFD];
	_ =	sdelay $0x3  }
0x96: {  	_ =	strace s2  }
0x97: {  	_ =	strace $0x8FFFFFFF  }
0x98: {  	s18 =	sld [smem:$0x3FDB];
	_ =	sdelay $0x1  }
0x99: {  	s19 =	simm.s32 $_scs_section_size  }
0x9a: {  	s4 =	simm.s32 $_size__tile_overlayer_lowered;
	s5 =	simm.s32 $_tile_overlayer_lowered  }
0x9b: {  	s22 =	simm.s32 $0x1BFF;
	s21 =	sshll.u32 s5, $0x1;
	s2 =	sadd.s32 s19, s18  }
0x9c: {  	s6 =	simm.s32 $0x0;
	s20 =	sshll.u32 s4, $0x1;
	s4 =	sadd.s32 s21, s2  }
0x9d: {  	[timem:s6], [sflag:s22] =	dma.local [hbm:s4], s20  }
0x9e: {  	_ =	swait.ge [sflag:s22], s20  }
0x9f: {  	s3 =	ssub.s32 $0x0, s20;
	[sflag:s22] =	ssyncset.done $0x0  }
0xa0: {  	[sflag:s22] =	ssyncadd.s32 s3;
	_ =	sdelay $0x1  }
0xa1: {  	s23 =	simm.s32 $0x1B8B  }
0xa2: {  	_ =	swait.ge [sflag:s23], $0x1  }
0xa3: {  	[sflag:s23] =	ssyncset.done $0x0  }
0xa4: {  	s25 =	simm.s32 $0x1B8E;
	s24 =	sld [smem:$0x3FFE];
	[sflag:s23] =	ssyncadd.s32 $0xFFFFFFFF  }
0xa5: {  	s26 =	simm.s32 $execute0_lowered;
	[smem:$0x3FD2] =	sst s25  }
0xa6: {  	s4 =	sshll.u32 s26, $0x1;
	_ =	strace $0x80000046;
	[dreg:$0x1] =	wrdreg $0xFFFFFFFF  }
0xa7: {  	s28 =	simm.s32 $_size_execute0_lowered;
	s2 =	sadd.s32 s2, s4;
	[dreg:$0x0] =	wrdreg $0x0  }
0xa8: {  	s4 =	sshll.u32 s28, $0x1;
	[dreg:$0x2] =	wrdreg s2  }
0xa9: {  	[dreg:$0x3] =	wrdreg s4  }
0xaa: {  	[dreg:$0x4] =	wrdreg $0xC0  }
0xab: {  	_ =	task [dreg:s6], $0x5FFFF  }
0xac: {  	[dreg:$0x1] =	wrdreg $0xFFFFFFFF  }
0xad: {  	[dreg:$0x0] =	wrdreg $0x60  }
0xae: {  	[dreg:$0x2] =	wrdreg s24  }
0xaf: {  	[dreg:$0x3] =	wrdreg $0x8A000  }
0xb0: {  	[dreg:$0x4] =	wrdreg $0x12A000  }
0xb1: {  	[dreg:$0x5] =	wrdreg $0xA  }
0xb2: {  	_ =	task.clear_ibuf [dreg:s6], $0x6FFFF;
	_ =	strace $0x90000046  }
0xb3: {  	s29 =	simm.s32 $0xA;
	_ =	strace $0x80000048  }
0xb4: {  	_ =	swait.ge [sflag:s29], $0x1  }
0xb5: {  	[sflag:s29] =	ssyncadd.s32 $0xFFFFFFFF  }
0xb6: {  	_ =	strace $0x90000048  }
0xb7: {  	_ =	sfence  }
0xb8: {  	s30 =	sld [smem:$0x0];
	_ =	sdelay $0x2  }
0xb9: {  	s31 =	sshll.u32 s1, $0xD;
	s1 =	sshrl.u32 s1, $0x2  }
0xba: {  	s3 =	sand.u32 $0x4000, s31;
	s1 =	sadd.s32 s1, s30  }
0xbb: {  	s0 =	sor.u32 s3, s0;
	s1 =	sshll.u32 s1, $0x11  }
0xbc: {  	s0 =	sor.u32 s1, s0  }
0xbd: {  	s0 =	sadd.s32 $0x8F2B, s0  }
0xbe: {  	[sflag:s0] =	ssyncadd.remote.s32 $0x1  }
0xbf: {  	_ =	sfence.sel $0xFFFF  }
0xc0: {  	[dreg:$0x0] =	wrdreg $0xFFFFFFFF;
	(pc) =	sbr.abs _section_cstart, $3  }
0xc1: {  	[dreg:$0x1] =	wrdreg $0xFFFFFFFF  }
0xc2: {  	_ =	task.clear_ibuf [dreg:s6], $0x2FFFF;
	_ =	strace $0x9FFFFFFF  }
0xc3: {  	(tm) =	ssettm $0x7FFFFFFF  }
tec
execute0_lowered:
.L_overlay_start_1:
0x0: {  	(tag) =	ssettag $0x1  }
0x1: {  	s0 =	rddreg [dreg:$0x0]  }
0x2: {  	s2 =	rddreg [dreg:$0x1]  }
0x3: {  	s3 =	rddreg [dreg:$0x2]  }
0x4: {  	s1 =	srdreg.scid;
	s14 =	stileid.u32  }
0x5: {  	s4 =	simm.s32 $0x0;
	s28 =	simm.s32 $0x180;
	s29 =	simm.s32 $0x4200  }
0x6: {  	s30 =	simm.s32 $0x6200;
	s31 =	simm.s32 $0x1;
	s1 =	sand.u32 $0x1, s1  }
0x7: {  	s7 =	smul.u32 $0x140, s14;
	[smem:$0x7FF] =	sst s4;
	s5 =	sadd.s32 $0x19400, s0  }
0x8: {  	s6 =	sadd.s32 $0x2D400, s0;
	s9 =	sadd.s32 $0xF400, s0;
	s17 =	smul.u32 $0xA000, s14  }
0x9: {  	s26 =	sadd.s32 $0x5400, s0;
	s12 =	sshll.u32 s14, $0x4;
	s20 =	smul.u32 $0x28000, s14  }
0xa: {  	s8 =	smul.u32 $0x1400, s1;
	_ =	strace $0x80000047;
	s10 =	ssub.s32 $0x2, s1  }
0xb: {  	s1 =	sshll.u32 s1, $0x3;
	s23 =	sadd.s32 s12, s9;
	s25 =	sadd.s32 s12, s26  }
0xc: {  	s11 =	sshrl.u32 s10, $0x1;
	s16 =	sor.u32 s1, s12;
	s24 =	sadd.s32 s17, s2  }
0xd: {  	s22 =	sshrl.u32 s20, $0x2;
	s20 =	simm.s32 $0x80;
	s7 =	sadd.s32 s7, s8  }
0xe: {  	s15 =	ssub.s32 s10, s11;
	s13 =	sadd.s32 s9, s16;
	s18 =	sor.u32 $0x9F00, s16  }
0xf: {  	s10 =	sadd.s32 s26, s16;
	s11 =	sadd.s32 s17, s3;
	s14 =	sadd.s32 s22, s3  }
0x10: {  	s16 =	sadd.s32 s1, s23;
	s17 =	sadd.s32 s1, s25;
	s23 =	simm.s32 $0x2200  }
0x11: {  	s1 =	simm.s32 $0x3;
	s8 =	simm.s32 $0x0;
	[dreg:$0x4] =	wrdreg s13  }
0x12: {  	s7 =	sshll.u32 s7, $0x4;
	[dreg:$0x5] =	wrdreg s10;
	s19 =	sadd.s32 s9, s18  }
0x13: {  	s13 =	sadd.s32 s26, s18;
	s18 =	simm.s32 $0x8200;
	s26 =	sshrl.u32 s24, $0x3  }
0x14: {  	s25 =	sshrl.u32 s11, $0x3;
	s0 =	sadd.s32 s7, s0;
	[dreg:$0x6] =	wrdreg s19  }
0x15: {  	[dreg:$0x7] =	wrdreg s13;
	s7 =	smax.u32 s15, $0x1;
	s15 =	sadd.s32 s22, s2  }
0x16: {  	s19 =	simm.s32 $0x5;
	s22 =	simm.s32 $0x200;
	[dreg:$0xb] =	wrdreg s26  }
0x17: {  	s26 =	simm.s32 $0x100;
	s21 =	sadd.s32 $0x41400, s0;
	[dreg:$0xa] =	wrdreg s7  }
0x18: {  	s0 =	sadd.s32 $0x69400, s0;
	s7 =	simm.s32 $0x4;
	[dreg:$0x8] =	wrdreg s21  }
0x19: {  	v0 =	vimm.f32 $0.0e+00;
	[dreg:$0x9] =	wrdreg s0;
	s21 =	simm.s32 $0x40;
	s0 =	simm.s32 $0x2  }
.LBB2_1:
0x1a: {  	s9 =	simm.s32 $0x0;
	s10 =	simm.s32 $0x200  }
.LBB2_2:
0x1b: {  	p0 =	sne.s32 s10, $0x1E00;
	[tilespmem:s9+$0x8270] =	vst v0  }
0x1c: {  	[tilespmem:s9+$0x8200] =	vst v0  }
0x1d: {  	[tilespmem:s9+$0x8210] =	vst v0  }
.Ltmp0:
0x1e: {  	[tilespmem:s9+$0x8220] =	vst v0;
	(pc) =	sbr.rel @p0 .LBB2_2-.Ltmp0, $4  }
0x1f: {  	[tilespmem:s9+$0x8230] =	vst v0  }
0x20: {  	[tilespmem:s9+$0x8240] =	vst v0  }
0x21: {  	[tilespmem:s9+$0x8250] =	vst v0  }
0x22: {  	[tilespmem:s9+$0x8260] =	vst v0;
	s9 =	sshra.s32 s10, $0x2;
	s10 =	sadd.s32 $0x200, s10  }
0x23: {  	[tilespmem:s9+$0x8270] =	vst v0  }
0x24: {  	[tilespmem:s9+$0x8200] =	vst v0  }
0x25: {  	[tilespmem:s9+$0x8210] =	vst v0  }
0x26: {  	[tilespmem:s9+$0x8220] =	vst v0  }
0x27: {  	[tilespmem:s9+$0x8230] =	vst v0  }
0x28: {  	[tilespmem:s9+$0x8240] =	vst v0  }
0x29: {  	[tilespmem:s9+$0x8250] =	vst v0  }
0x2a: {  	[tilespmem:s9+$0x8260] =	vst v0;
	s13 =	sadd.s32 $0x0, s15  }
0x2b: {  	[spmem:s13] =	stream.linear.scatter [tilespmem:s18], [sflag:$0x5], $0x800, $0x38;
	[tilespmem:$0x1CA00] =	vst v63  }
0x2c: {  	_ =	swait.ge [sflag:s19], $0x800  }
0x2d: {  	[sflag:s19] =	ssyncset.done $0x0  }
0x2e: {  	s24 =	sadd.s32 $0x0, s14;
	[sflag:s19] =	ssyncadd.s32 $0xFFFFF800  }
0x2f: {  	[spmem:s24] =	stream.linear.scatter [tilespmem:s18], [sflag:$0x5], $0x800, $0x38;
	[tilespmem:$0x1CA00] =	vst v63  }
0x30: {  	_ =	swait.ge [sflag:s19], $0x800  }
0x31: {  	s10 =	simm.s32 $0x4000;
	s9 =	simm.s32 $0x800;
	[sflag:s19] =	ssyncset.done $0x0  }
.LBB2_4:
0x32: {  	s11 =	sadd.s32 s9, s15  }
0x33: {  	[sflag:s19] =	ssyncadd.s32 $0xFFFFF800;
	s12 =	smov.u32 s10;
	s13 =	sadd.s32 $0x2000, s10  }
0x34: {  	[spmem:s11] =	stream.linear.scatter [tilespmem:s18], [sflag:$0x5], $0x800, $0x38;
	[tilespmem:$0x1CA00] =	vst v63  }
0x35: {  	p0 =	sne.s32 s10, $0x26000;
	_ =	swait.ge [sflag:s19], $0x800  }
.Ltmp1:
0x36: {  	[sflag:s19] =	ssyncset.done $0x0;
	(pc) =	sbr.rel @p0 .LBB2_4-.Ltmp1, $4  }
0x37: {  	s9 =	sadd.s32 s9, s14;
	[sflag:s19] =	ssyncadd.s32 $0xFFFFF800  }
0x38: {  	[spmem:s9] =	stream.linear.scatter [tilespmem:s18], [sflag:$0x5], $0x800, $0x38;
	[tilespmem:$0x1CA00] =	vst v63  }
0x39: {  	_ =	swait.ge [sflag:s19], $0x800  }
0x3a: {  	s10 =	smov.u32 s13;
	s9 =	sshra.s32 s12, $0x2;
	[sflag:s19] =	ssyncset.done $0x0  }
0x3b: {  	s10 =	sadd.s32 s9, s15;
	[sflag:s19] =	ssyncadd.s32 $0xFFFFF800  }
0x3c: {  	[spmem:s10] =	stream.linear.scatter [tilespmem:s18], [sflag:$0x5], $0x800, $0x38;
	[tilespmem:$0x1CA00] =	vst v63  }
0x3d: {  	_ =	swait.ge [sflag:s19], $0x800  }
0x3e: {  	[sflag:s19] =	ssyncset.done $0x0  }
0x3f: {  	s10 =	sadd.s32 s9, s14;
	[sflag:s19] =	ssyncadd.s32 $0xFFFFF800  }
0x40: {  	[spmem:s10] =	stream.linear.scatter [tilespmem:s18], [sflag:$0x5], $0x800, $0x38;
	[tilespmem:$0x1CA00] =	vst v63  }
0x41: {  	_ =	swait.ge [sflag:s19], $0x800  }
0x42: {  	[sflag:s19] =	ssyncset.done $0x0  }
0x43: {  	[sflag:s19] =	ssyncadd.s32 $0xFFFFF800  }
0x44: {  	[bflag:$0x0] =	sbarrier.arrive $0xFFFF  }
0x45: {  	s11 =	simm.s32 $0x0;
	s12 =	rddreg [dreg:$0x4]  }
0x46: {  	[tilespmem:s11], [sflag:$0x5] =	stream.linear.gather [hbm4b:s12+s11], $0x40, $0x38;
	[tilespmem:$0x1CA00] =	vst v63  }
0x47: {  	_ =	swait.ge [sflag:s19], $0x40  }
0x48: {  	[sflag:s19] =	ssyncset.done $0x0  }
0x49: {  	s13 =	rddreg [dreg:$0x5];
	[sflag:s19] =	ssyncadd.s32 $0xFFFFFFC0  }
0x4a: {  	[tilespmem:s20], [sflag:$0x5] =	stream.linear.gather [hbm4b:s13+s11], $0x40, $0x38;
	[tilespmem:$0x1CA00] =	vst v63  }
0x4b: {  	_ =	swait.ge [sflag:s19], $0x40  }
0x4c: {  	[sflag:s19] =	ssyncset.done $0x0  }
0x4d: {  	[sflag:s19] =	ssyncadd.s32 $0xFFFFFFC0  }
0x4e: {  	[tilespmem:s22], [sflag:$0x1] =	stream.indirect.gather [hbm4b:s5+s21], $0x80, s11, s21, $0xb8;
	[tilespmem:$0x1CA00] =	vst v63  }
0x4f: {  	s24 =	sadd.s32 $0x0, s16  }
0x50: {  	[tilespmem:s23], [sflag:$0x2] =	stream.indirect.gather [hbm4b:s6+s21], $0x80, s20, s21, $0xb8;
	[tilespmem:$0x1CA00] =	vst v63  }
0x51: {  	s12 =	sadd.s32 $0x100, s24  }
0x52: {  	[tilespmem:s26], [sflag:$0x5] =	stream.linear.gather [hbm4b:s12+s4], $0x40, $0x38;
	[tilespmem:$0x1CA00] =	vst v63  }
0x53: {  	_ =	swait.ge [sflag:s19], $0x40  }
0x54: {  	s13 =	sadd.s32 $0x0, s17;
	[sflag:s19] =	ssyncset.done $0x0  }
0x55: {  	s11 =	sadd.s32 $0x100, s13;
	[sflag:s19] =	ssyncadd.s32 $0xFFFFFFC0  }
0x56: {  	[tilespmem:s28], [sflag:$0x5] =	stream.linear.gather [hbm4b:s11+s4], $0x40, $0x38;
	[tilespmem:$0x1CA00] =	vst v63  }
0x57: {  	_ =	swait.ge [sflag:s19], $0x40  }
0x58: {  	[sflag:s19] =	ssyncset.done $0x0  }
0x59: {  	[sflag:s19] =	ssyncadd.s32 $0xFFFFFFC0  }
0x5a: {  	[tilespmem:s29], [sflag:$0x3] =	stream.indirect.gather [hbm4b:s5+s21], $0x80, s26, s21, $0xb8;
	[tilespmem:$0x1CA00] =	vst v63  }
0x5b: {  	_ = 	snop  }
0x5c: {  	[tilespmem:s30], [sflag:$0x4] =	stream.indirect.gather [hbm4b:s6+s21], $0x80, s28, s21, $0xb8;
	[tilespmem:$0x1CA00] =	vst v63  }
0x5d: {  	_ =	swait.ge [sflag:s31], $0x2000  }
0x5e: {  	[sflag:s31] =	ssyncset.done $0x0  }
0x5f: {  	[sflag:s31] =	ssyncadd.s32 $0xFFFFE000  }
0x60: {  	_ =	swait.ge [sflag:s0], $0x2000  }
0x61: {  	[sflag:s0] =	ssyncset.done $0x0  }
0x62: {  	[sflag:s0] =	ssyncadd.s32 $0xFFFFE000  }
0x63: {  	[spmem:s2] =	stream.indirect.scatter.add.f32 [tilespmem:s22], [sflag:$0x5], $0x80, s20, s21, $0xb8;
	[tilespmem:$0x1CA00] =	vst v63  }
0x64: {  	_ =	swait.ge [sflag:s19], $0x2000  }
0x65: {  	[sflag:s19] =	ssyncset.done $0x0  }
0x66: {  	[sflag:s19] =	ssyncadd.s32 $0xFFFFE000  }
0x67: {  	[spmem:s3] =	stream.indirect.scatter.add.f32 [tilespmem:s23], [sflag:$0x5], $0x80, s4, s21, $0xb8;
	[tilespmem:$0x1CA00] =	vst v63  }
0x68: {  	_ =	swait.ge [sflag:s19], $0x2000  }
0x69: {  	[sflag:s19] =	ssyncset.done $0x0  }
0x6a: {  	s9 =	sadd.s32 $0x200, s24;
	[sflag:s19] =	ssyncadd.s32 $0xFFFFE000  }
0x6b: {  	[tilespmem:s4], [sflag:$0x5] =	stream.linear.gather [hbm4b:s9+s4], $0x40, $0x38;
	[tilespmem:$0x1CA00] =	vst v63  }
0x6c: {  	_ =	swait.ge [sflag:s19], $0x40  }
0x6d: {  	[sflag:s19] =	ssyncset.done $0x0  }
0x6e: {  	s24 =	sadd.s32 $0x200, s13;
	[sflag:s19] =	ssyncadd.s32 $0xFFFFFFC0  }
0x6f: {  	[tilespmem:s20], [sflag:$0x5] =	stream.linear.gather [hbm4b:s24+s4], $0x40, $0x38;
	[tilespmem:$0x1CA00] =	vst v63  }
0x70: {  	_ =	swait.ge [sflag:s19], $0x40  }
0x71: {  	[sflag:s19] =	ssyncset.done $0x0  }
0x72: {  	[sflag:s19] =	ssyncadd.s32 $0xFFFFFFC0  }
0x73: {  	[tilespmem:s22], [sflag:$0x1] =	stream.indirect.gather [hbm4b:s5+s21], $0x80, s4, s21, $0xb8;
	[tilespmem:$0x1CA00] =	vst v63  }
0x74: {  	_ = 	snop  }
0x75: {  	[tilespmem:s23], [sflag:$0x2] =	stream.indirect.gather [hbm4b:s6+s21], $0x80, s20, s21, $0xb8;
	[tilespmem:$0x1CA00] =	vst v63  }
0x76: {  	_ =	swait.ge [sflag:s1], $0x2000  }
0x77: {  	[sflag:s1] =	ssyncset.done $0x0  }
0x78: {  	[sflag:s1] =	ssyncadd.s32 $0xFFFFE000  }
0x79: {  	_ =	swait.ge [sflag:s7], $0x2000  }
0x7a: {  	[sflag:s7] =	ssyncset.done $0x0  }
0x7b: {  	[sflag:s7] =	ssyncadd.s32 $0xFFFFE000  }
0x7c: {  	[spmem:s2] =	stream.indirect.scatter.add.f32 [tilespmem:s29], [sflag:$0x5], $0x80, s28, s21, $0xb8;
	[tilespmem:$0x1CA00] =	vst v63  }
0x7d: {  	_ =	swait.ge [sflag:s19], $0x2000  }
0x7e: {  	[sflag:s19] =	ssyncset.done $0x0  }
0x7f: {  	[sflag:s19] =	ssyncadd.s32 $0xFFFFE000  }
0x80: {  	[spmem:s3] =	stream.indirect.scatter.add.f32 [tilespmem:s30], [sflag:$0x5], $0x80, s26, s21, $0xb8;
	[tilespmem:$0x1CA00] =	vst v63  }
0x81: {  	s10 =	simm.s32 $0x400;
	_ =	swait.ge [sflag:s19], $0x2000  }
0x82: {  	s11 =	sadd.s32 $0x200, s16;
	s9 =	simm.s32 $0x200;
	[sflag:s19] =	ssyncset.done $0x0  }
.LBB2_6:
0x83: {  	s13 =	sadd.s32 $0x100, s11  }
0x84: {  	[sflag:s19] =	ssyncadd.s32 $0xFFFFE000;
	s24 =	smov.u32 s10;
	s12 =	sadd.s32 $0x200, s10  }
0x85: {  	[tilespmem:s26], [sflag:$0x5] =	stream.linear.gather [hbm4b:s13+s4], $0x40, $0x38;
	[tilespmem:$0x1CA00] =	vst v63  }
0x86: {  	p0 =	sne.s32 s10, $0x9C00;
	_ =	swait.ge [sflag:s19], $0x40  }
0x87: {  	s10 =	sadd.s32 s9, s17;
	s9 =	smov.u32 s24;
	[sflag:s19] =	ssyncset.done $0x0  }
0x88: {  	s13 =	sadd.s32 $0x100, s10;
	[sflag:s19] =	ssyncadd.s32 $0xFFFFFFC0  }
0x89: {  	[tilespmem:s28], [sflag:$0x5] =	stream.linear.gather [hbm4b:s13+s4], $0x40, $0x38;
	[tilespmem:$0x1CA00] =	vst v63  }
0x8a: {  	_ =	swait.ge [sflag:s19], $0x40  }
0x8b: {  	[sflag:s19] =	ssyncset.done $0x0  }
0x8c: {  	[sflag:s19] =	ssyncadd.s32 $0xFFFFFFC0  }
0x8d: {  	[tilespmem:s29], [sflag:$0x3] =	stream.indirect.gather [hbm4b:s5+s21], $0x80, s26, s21, $0xb8;
	[tilespmem:$0x1CA00] =	vst v63  }
0x8e: {  	_ = 	snop  }
0x8f: {  	[tilespmem:s30], [sflag:$0x4] =	stream.indirect.gather [hbm4b:s6+s21], $0x80, s28, s21, $0xb8;
	[tilespmem:$0x1CA00] =	vst v63  }
0x90: {  	_ =	swait.ge [sflag:s31], $0x2000  }
0x91: {  	[sflag:s31] =	ssyncset.done $0x0  }
0x92: {  	[sflag:s31] =	ssyncadd.s32 $0xFFFFE000  }
0x93: {  	_ =	swait.ge [sflag:s0], $0x2000  }
0x94: {  	[sflag:s0] =	ssyncset.done $0x0  }
0x95: {  	[sflag:s0] =	ssyncadd.s32 $0xFFFFE000  }
0x96: {  	[spmem:s2] =	stream.indirect.scatter.add.f32 [tilespmem:s22], [sflag:$0x5], $0x80, s20, s21, $0xb8;
	[tilespmem:$0x1CA00] =	vst v63  }
0x97: {  	_ =	swait.ge [sflag:s19], $0x2000  }
0x98: {  	[sflag:s19] =	ssyncset.done $0x0  }
0x99: {  	[sflag:s19] =	ssyncadd.s32 $0xFFFFE000  }
0x9a: {  	[spmem:s3] =	stream.indirect.scatter.add.f32 [tilespmem:s23], [sflag:$0x5], $0x80, s4, s21, $0xb8;
	[tilespmem:$0x1CA00] =	vst v63  }
0x9b: {  	_ =	swait.ge [sflag:s19], $0x2000  }
0x9c: {  	[sflag:s19] =	ssyncset.done $0x0  }
0x9d: {  	s11 =	sadd.s32 $0x200, s11;
	[sflag:s19] =	ssyncadd.s32 $0xFFFFE000  }
0x9e: {  	[tilespmem:s4], [sflag:$0x5] =	stream.linear.gather [hbm4b:s11+s4], $0x40, $0x38;
	[tilespmem:$0x1CA00] =	vst v63  }
0x9f: {  	_ =	swait.ge [sflag:s19], $0x40  }
0xa0: {  	[sflag:s19] =	ssyncset.done $0x0  }
0xa1: {  	s10 =	sadd.s32 $0x200, s10;
	[sflag:s19] =	ssyncadd.s32 $0xFFFFFFC0  }
0xa2: {  	[tilespmem:s20], [sflag:$0x5] =	stream.linear.gather [hbm4b:s10+s4], $0x40, $0x38;
	[tilespmem:$0x1CA00] =	vst v63  }
0xa3: {  	_ =	swait.ge [sflag:s19], $0x40  }
0xa4: {  	[sflag:s19] =	ssyncset.done $0x0  }
0xa5: {  	[sflag:s19] =	ssyncadd.s32 $0xFFFFFFC0  }
0xa6: {  	[tilespmem:s22], [sflag:$0x1] =	stream.indirect.gather [hbm4b:s5+s21], $0x80, s4, s21, $0xb8;
	[tilespmem:$0x1CA00] =	vst v63  }
0xa7: {  	_ = 	snop  }
0xa8: {  	[tilespmem:s23], [sflag:$0x2] =	stream.indirect.gather [hbm4b:s6+s21], $0x80, s20, s21, $0xb8;
	[tilespmem:$0x1CA00] =	vst v63  }
0xa9: {  	_ =	swait.ge [sflag:s1], $0x2000  }
0xaa: {  	[sflag:s1] =	ssyncset.done $0x0  }
0xab: {  	[sflag:s1] =	ssyncadd.s32 $0xFFFFE000  }
0xac: {  	_ =	swait.ge [sflag:s7], $0x2000  }
0xad: {  	[sflag:s7] =	ssyncset.done $0x0  }
0xae: {  	[sflag:s7] =	ssyncadd.s32 $0xFFFFE000  }
0xaf: {  	[spmem:s2] =	stream.indirect.scatter.add.f32 [tilespmem:s29], [sflag:$0x5], $0x80, s28, s21, $0xb8;
	[tilespmem:$0x1CA00] =	vst v63  }
0xb0: {  	_ =	swait.ge [sflag:s19], $0x2000  }
.Ltmp2:
0xb1: {  	[sflag:s19] =	ssyncset.done $0x0;
	(pc) =	sbr.rel @p0 .LBB2_6-.Ltmp2, $4  }
0xb2: {  	[sflag:s19] =	ssyncadd.s32 $0xFFFFE000  }
0xb3: {  	[spmem:s3] =	stream.indirect.scatter.add.f32 [tilespmem:s30], [sflag:$0x5], $0x80, s26, s21, $0xb8;
	[tilespmem:$0x1CA00] =	vst v63  }
0xb4: {  	_ =	swait.ge [sflag:s19], $0x2000  }
0xb5: {  	s11 =	sadd.s32 s9, s16;
	s10 =	smov.u32 s12;
	[sflag:s19] =	ssyncset.done $0x0  }
0xb6: {  	s10 =	sadd.s32 $0x100, s11;
	[sflag:s19] =	ssyncadd.s32 $0xFFFFE000  }
0xb7: {  	[tilespmem:s26], [sflag:$0x5] =	stream.linear.gather [hbm4b:s10+s4], $0x40, $0x38;
	[tilespmem:$0x1CA00] =	vst v63  }
0xb8: {  	_ =	swait.ge [sflag:s19], $0x40  }
0xb9: {  	s9 =	sadd.s32 s9, s17;
	[sflag:s19] =	ssyncset.done $0x0  }
0xba: {  	s24 =	sadd.s32 $0x100, s9;
	[sflag:s19] =	ssyncadd.s32 $0xFFFFFFC0  }
0xbb: {  	[tilespmem:s28], [sflag:$0x5] =	stream.linear.gather [hbm4b:s24+s4], $0x40, $0x38;
	[tilespmem:$0x1CA00] =	vst v63  }
0xbc: {  	_ =	swait.ge [sflag:s19], $0x40  }
0xbd: {  	[sflag:s19] =	ssyncset.done $0x0  }
0xbe: {  	[sflag:s19] =	ssyncadd.s32 $0xFFFFFFC0  }
0xbf: {  	[tilespmem:s29], [sflag:$0x3] =	stream.indirect.gather [hbm4b:s5+s21], $0x80, s26, s21, $0xb8;
	[tilespmem:$0x1CA00] =	vst v63  }
0xc0: {  	_ = 	snop  }
0xc1: {  	[tilespmem:s30], [sflag:$0x4] =	stream.indirect.gather [hbm4b:s6+s21], $0x80, s28, s21, $0xb8;
	[tilespmem:$0x1CA00] =	vst v63  }
0xc2: {  	_ =	swait.ge [sflag:s31], $0x2000  }
0xc3: {  	[sflag:s31] =	ssyncset.done $0x0  }
0xc4: {  	[sflag:s31] =	ssyncadd.s32 $0xFFFFE000  }
0xc5: {  	_ =	swait.ge [sflag:s0], $0x2000  }
0xc6: {  	[sflag:s0] =	ssyncset.done $0x0  }
0xc7: {  	[sflag:s0] =	ssyncadd.s32 $0xFFFFE000  }
0xc8: {  	[spmem:s2] =	stream.indirect.scatter.add.f32 [tilespmem:s22], [sflag:$0x5], $0x80, s20, s21, $0xb8;
	[tilespmem:$0x1CA00] =	vst v63  }
0xc9: {  	_ =	swait.ge [sflag:s19], $0x2000  }
0xca: {  	[sflag:s19] =	ssyncset.done $0x0  }
0xcb: {  	[sflag:s19] =	ssyncadd.s32 $0xFFFFE000  }
0xcc: {  	[spmem:s3] =	stream.indirect.scatter.add.f32 [tilespmem:s23], [sflag:$0x5], $0x80, s4, s21, $0xb8;
	[tilespmem:$0x1CA00] =	vst v63  }
0xcd: {  	_ =	swait.ge [sflag:s19], $0x2000  }
0xce: {  	[sflag:s19] =	ssyncset.done $0x0  }
0xcf: {  	s12 =	sadd.s32 $0x200, s11;
	[sflag:s19] =	ssyncadd.s32 $0xFFFFE000  }
0xd0: {  	[tilespmem:s4], [sflag:$0x5] =	stream.linear.gather [hbm4b:s12+s4], $0x40, $0x38;
	[tilespmem:$0x1CA00] =	vst v63  }
0xd1: {  	_ =	swait.ge [sflag:s19], $0x40  }
0xd2: {  	[sflag:s19] =	ssyncset.done $0x0  }
0xd3: {  	s9 =	sadd.s32 $0x200, s9;
	[sflag:s19] =	ssyncadd.s32 $0xFFFFFFC0  }
0xd4: {  	[tilespmem:s20], [sflag:$0x5] =	stream.linear.gather [hbm4b:s9+s4], $0x40, $0x38;
	[tilespmem:$0x1CA00] =	vst v63  }
0xd5: {  	_ =	swait.ge [sflag:s19], $0x40  }
0xd6: {  	[sflag:s19] =	ssyncset.done $0x0  }
0xd7: {  	[sflag:s19] =	ssyncadd.s32 $0xFFFFFFC0  }
0xd8: {  	[tilespmem:s22], [sflag:$0x1] =	stream.indirect.gather [hbm4b:s5+s21], $0x80, s4, s21, $0xb8;
	[tilespmem:$0x1CA00] =	vst v63  }
0xd9: {  	_ = 	snop  }
0xda: {  	[tilespmem:s23], [sflag:$0x2] =	stream.indirect.gather [hbm4b:s6+s21], $0x80, s20, s21, $0xb8;
	[tilespmem:$0x1CA00] =	vst v63  }
0xdb: {  	_ =	swait.ge [sflag:s1], $0x2000  }
0xdc: {  	[sflag:s1] =	ssyncset.done $0x0  }
0xdd: {  	[sflag:s1] =	ssyncadd.s32 $0xFFFFE000  }
0xde: {  	_ =	swait.ge [sflag:s7], $0x2000  }
0xdf: {  	[sflag:s7] =	ssyncset.done $0x0  }
0xe0: {  	[sflag:s7] =	ssyncadd.s32 $0xFFFFE000  }
0xe1: {  	[spmem:s2] =	stream.indirect.scatter.add.f32 [tilespmem:s29], [sflag:$0x5], $0x80, s28, s21, $0xb8;
	[tilespmem:$0x1CA00] =	vst v63  }
0xe2: {  	_ =	swait.ge [sflag:s19], $0x2000  }
0xe3: {  	[sflag:s19] =	ssyncset.done $0x0  }
0xe4: {  	[sflag:s19] =	ssyncadd.s32 $0xFFFFE000  }
0xe5: {  	[spmem:s3] =	stream.indirect.scatter.add.f32 [tilespmem:s30], [sflag:$0x5], $0x80, s26, s21, $0xb8;
	[tilespmem:$0x1CA00] =	vst v63  }
0xe6: {  	_ =	swait.ge [sflag:s19], $0x2000  }
0xe7: {  	[sflag:s19] =	ssyncset.done $0x0  }
0xe8: {  	s13 =	rddreg [dreg:$0x6];
	[sflag:s19] =	ssyncadd.s32 $0xFFFFE000  }
0xe9: {  	[tilespmem:s26], [sflag:$0x5] =	stream.linear.gather [hbm4b:s13+s4], $0x40, $0x38;
	[tilespmem:$0x1CA00] =	vst v63  }
0xea: {  	_ =	swait.ge [sflag:s19], $0x40  }
0xeb: {  	[sflag:s19] =	ssyncset.done $0x0  }
0xec: {  	s24 =	rddreg [dreg:$0x7];
	[sflag:s19] =	ssyncadd.s32 $0xFFFFFFC0  }
0xed: {  	[tilespmem:s28], [sflag:$0x5] =	stream.linear.gather [hbm4b:s24+s4], $0x40, $0x38;
	[tilespmem:$0x1CA00] =	vst v63  }
0xee: {  	_ =	swait.ge [sflag:s19], $0x40  }
0xef: {  	[sflag:s19] =	ssyncset.done $0x0  }
0xf0: {  	[sflag:s19] =	ssyncadd.s32 $0xFFFFFFC0  }
0xf1: {  	[tilespmem:s29], [sflag:$0x3] =	stream.indirect.gather [hbm4b:s5+s21], $0x80, s26, s21, $0xb8;
	[tilespmem:$0x1CA00] =	vst v63  }
0xf2: {  	_ = 	snop  }
0xf3: {  	[tilespmem:s30], [sflag:$0x4] =	stream.indirect.gather [hbm4b:s6+s21], $0x80, s28, s21, $0xb8;
	[tilespmem:$0x1CA00] =	vst v63  }
0xf4: {  	_ =	swait.ge [sflag:s31], $0x2000  }
0xf5: {  	[sflag:s31] =	ssyncset.done $0x0  }
0xf6: {  	[sflag:s31] =	ssyncadd.s32 $0xFFFFE000  }
0xf7: {  	_ =	swait.ge [sflag:s0], $0x2000  }
0xf8: {  	[sflag:s0] =	ssyncset.done $0x0  }
0xf9: {  	[sflag:s0] =	ssyncadd.s32 $0xFFFFE000  }
0xfa: {  	[spmem:s2] =	stream.indirect.scatter.add.f32 [tilespmem:s22], [sflag:$0x5], $0x80, s20, s21, $0xb8;
	[tilespmem:$0x1CA00] =	vst v63  }
0xfb: {  	_ =	swait.ge [sflag:s19], $0x2000  }
0xfc: {  	[sflag:s19] =	ssyncset.done $0x0  }
0xfd: {  	[sflag:s19] =	ssyncadd.s32 $0xFFFFE000  }
0xfe: {  	[spmem:s3] =	stream.indirect.scatter.add.f32 [tilespmem:s23], [sflag:$0x5], $0x80, s4, s21, $0xb8;
	[tilespmem:$0x1CA00] =	vst v63  }
0xff: {  	_ =	swait.ge [sflag:s19], $0x2000  }
0x100: {  	[sflag:s19] =	ssyncset.done $0x0  }
0x101: {  	[sflag:s19] =	ssyncadd.s32 $0xFFFFE000  }
0x102: {  	_ =	swait.ge [sflag:s1], $0x2000  }
0x103: {  	[sflag:s1] =	ssyncset.done $0x0  }
0x104: {  	[sflag:s1] =	ssyncadd.s32 $0xFFFFE000  }
0x105: {  	_ =	swait.ge [sflag:s7], $0x2000  }
0x106: {  	[sflag:s7] =	ssyncset.done $0x0  }
0x107: {  	[sflag:s7] =	ssyncadd.s32 $0xFFFFE000  }
0x108: {  	[spmem:s2] =	stream.indirect.scatter.add.f32 [tilespmem:s29], [sflag:$0x5], $0x80, s28, s21, $0xb8;
	[tilespmem:$0x1CA00] =	vst v63  }
0x109: {  	_ =	swait.ge [sflag:s19], $0x2000  }
0x10a: {  	[sflag:s19] =	ssyncset.done $0x0  }
0x10b: {  	[sflag:s19] =	ssyncadd.s32 $0xFFFFE000  }
0x10c: {  	[spmem:s3] =	stream.indirect.scatter.add.f32 [tilespmem:s30], [sflag:$0x5], $0x80, s26, s21, $0xb8;
	[tilespmem:$0x1CA00] =	vst v63  }
0x10d: {  	_ =	swait.ge [sflag:s19], $0x2000  }
0x10e: {  	[sflag:s19] =	ssyncset.done $0x0  }
0x10f: {  	[sflag:s19] =	ssyncadd.s32 $0xFFFFE000  }
0x110: {  	s10 =	stileid.u32;
	[bflag:$0x0] =	sbarrier.arrive $0xFFFF  }
0x111: {  	s9 =	sshll.u32 s10, $0x6;
	s11 =	rddreg [dreg:$0x8]  }
0x112: {  	s9 =	sor.u32 $0x1C05, s9;
	s12 =	rddreg [dreg:$0xb]  }
0x113: {  	[hbm:s11], [sflag:s9] =	dma.local [spmem:s12], $0x1400  }
0x114: {  	_ =	swait.ge [sflag:s19], $0x1400  }
0x115: {  	[sflag:s19] =	ssyncset.done $0x0  }
0x116: {  	s13 =	rddreg [dreg:$0x9];
	[sflag:s19] =	ssyncadd.s32 $0xFFFFEC00  }
0x117: {  	[hbm:s13], [sflag:s9] =	dma.local [spmem:s25], $0x1400  }
0x118: {  	_ =	swait.ge [sflag:s19], $0x1400  }
0x119: {  	s8 =	sadd.s32 $0x1, s8;
	s24 =	rddreg [dreg:$0xa]  }
0x11a: {  	p0 =	sne.s32 s8, s24  }
.Ltmp3:
0x11b: {  	_ = 	snop;
	(pc) =	sbr.rel @p0 .LBB2_1-.Ltmp3, $3  }
0x11c: {  	_ =	sdelay $0x1  }
0x11d: {  	[sflag:s19] =	ssyncset.done $0x0  }
0x11e: {  	[sflag:s19] =	ssyncadd.s32 $0xFFFFEC00  }
0x11f: {  	_ =	sfence.sel $0x180000  }
0x120: {  	[bflag:$0x0] =	sbarrier.arrive $0xFFFF  }
0x121: {  	_ =	strace $0x90000047  }
0x122: {  	s0 =	stileid.u32;
	[bflag:$0x2] =	sbarrier.arrive $0xFFFF  }
0x123: {  	p0 =	sne.s32 s0, $0x0;
	s0 =	rddreg [dreg:$0x3]  }
0x124: {  	s0 =	sadd.s32 @!p0 $0x100000, s0  }
0x125: {  	[sflag:s0] =	ssyncadd.tile.s32 @!p0 $0x1;
	_ =	shalt  }
.Lfunc_end2:
_tile_overlayer_lowered:
.L_overlay_start_2:
0x126: {  	(tag) =	ssettag $0x2  }
0x127: {  	s0 =	rddreg [dreg:$0x0];
	s2 =	stileid.u32  }
0x128: {  	s1 =	rddreg [dreg:$0x1];
	p0 =	sne.s32 s2, $0x0  }
0x129: {  	s3 =	rddreg [dreg:$0x2];
	[bflag:$0x3] =	sbarrier.arrive $0xFFFF;
	s2 =	simm.s32 @!p0 $0x1C05  }
0x12a: {  	[timem:s3], [sflag:s2] =	dma.local @!p0 [hbm:s0], s1  }
0x12b: {  	s0 =	simm.s32 @!p0 $0x5  }
0x12c: {  	_ =	swait.ge @!p0 [sflag:s0], s1  }
0x12d: {  	s1 =	ssub.s32 @!p0 $0x0, s1;
	[sflag:s0] =	ssyncset.done @!p0 $0x0  }
0x12e: {  	[sflag:s0] =	ssyncadd.s32 @!p0 s1  }
0x12f: {  	[bflag:$0x3] =	sbarrier.arrive $0xFFFF  }
0x130: {  	_ =	shalt  }

// kernel: kernel.15.cloned.1.call-start
scs
__scs_entry_jumppad:
0x0: {  	(pc) =	sbr.rel $0x88, $3  }
0x1: {  	(tag) =	ssettag $0x0;
	lr =	simm.s32 $0x1  }
0x2: {  	[smem:$0x3F91] =	sst lr;
	_ =	strace $0xD0000000  }
0x3: {  	_ = 	snop  }
0x4: {  	_ = 	snop  }
0x5: {  	_ = 	snop  }
0x6: {  	_ = 	snop  }
0x7: {  	_ = 	snop  }
__scs_overlays_trampoline_lowered:
0x8: {  	[smem:$0x3FA0] =	sst s0  }
0x9: {  	[smem:$0x3FA1] =	sst s1  }
0xa: {  	[smem:$0x3FA2] =	sst s2  }
0xb: {  	[smem:$0x3FA3] =	sst s3  }
0xc: {  	[smem:$0x3FA4] =	sst s4  }
0xd: {  	[smem:$0x3FA5] =	sst s5  }
0xe: {  	[smem:$0x3FA6] =	sst s6  }
0xf: {  	[smem:$0x3FA7] =	sst s7  }
0x10: {  	[smem:$0x3FA8] =	sst s8  }
0x11: {  	[smem:$0x3FA9] =	sst s9;
	s0 =	simm.s32 @!p0 $0x0  }
0x12: {  	s1 =	sld [smem:$0x3F8F];
	s0 =	simm.s32 @p0 $0x1  }
0x13: {  	[smem:$0x3FAA] =	sst s0;
	s0 =	simm.s32 @!p1 $0x0  }
0x14: {  	s2 =	sld [smem:$0x3F8E];
	s0 =	simm.s32 @p1 $0x1  }
0x15: {  	[smem:$0x3FAB] =	sst s0;
	s0 =	simm.s32 @!p2 $0x0  }
0x16: {  	s3 =	sld [smem:$0x3FDB];
	s0 =	simm.s32 @p2 $0x1  }
0x17: {  	s4 =	simm.s32 $0x1BF5;
	[smem:$0x3FAD] =	sst s0  }
0x18: {  	s0 =	sld [smem:$0x3F90];
	_ =	swait.ge [sflag:s4], $0x0  }
0x19: {  	s7 =	sld [smem:$0x3F91]  }
0x1a: {  	s8 =	sadd.s32 $0xFFFFE003, lr  }
0x1b: {  	s9 =	sadd.s32 $0xFFFFFEF7, lr;
	s5 =	simm.s32 $0xFFFFFFFF;
	p2 =	slt.u32 s8, $0xFFFFF086  }
0x1c: {  	p1 =	slt.u32 s9, $0xF7A;
	s5 =	simm.s32 @!p2 $0x0  }
0x1d: {  	s5 =	simm.s32 @p1 $0x1;
	p0 =	seq.s32 s7, s2  }
0x1e: {  	s7 =	smul.u32 @!p0 $0xF7A, s2;
	p2 =	seq.s32 @!p0 s5, $0x0  }
0x1f: {  	s9 =	smul.u32 $0xF7A, s1;
	s8 =	simm.s32 @!p0 $0x1BF5;
	p2 =	por !p2, p0  }
0x20: {  	[sflag:s8] =	ssyncset.s32 @!p0 $0xFFFFF086;
	s6 =	sadd.s32 @!p0 s3, s7;
	s7 =	simm.s32 @!p0 $0x108  }
0x21: {  	s3 =	sadd.s32 s3, s9;
	s6 =	sadd.s32 @!p0 $0x88, s6;
	s7 =	simm.s32 @p2 $0x1082  }
0x22: {  	[simem:s7], [sflag:s8] =	dma.local @!p0 [hbm:s6], $0xF7A  }
0x23: {  	s9 =	sor.u32 $0xD0000000, s2;
	s6 =	simm.s32 $0x108;
	_ =	swait.ge @!p0 [sflag:s8], $0x0  }
0x24: {  	s3 =	sadd.s32 $0x88, s3;
	s6 =	simm.s32 @!p1 $0x1082;
	[sflag:s4] =	ssyncset.s32 $0xFFFFF086  }
0x25: {  	[simem:s6], [sflag:s4] =	dma.local [hbm:s3], $0xF7A  }
0x26: {  	[smem:$0x3F91] =	sst s1;
	(tag) =	ssettag s2;
	_ =	strace s9  }
0x27: {  	s1 =	sld [smem:$0x3FA1]  }
0x28: {  	s2 =	sld [smem:$0x3FA2]  }
0x29: {  	s4 =	sld [smem:$0x3FA4]  }
0x2a: {  	p0 =	seq.s32 s5, $0x0;
	s5 =	sld [smem:$0x3FA5]  }
0x2b: {  	s6 =	sld [smem:$0x3FA6]  }
0x2c: {  	s7 =	sld [smem:$0x3FA7]  }
0x2d: {  	s3 =	simm.s32 $0x108;
	s8 =	sld [smem:$0x3FA8]  }
0x2e: {  	s3 =	simm.s32 @!p0 $0x1082;
	s9 =	sld [smem:$0x3FA9]  }
0x2f: {  	lr =	sadd.s32 s0, s3;
	s0 =	sld [smem:$0x3FA0]  }
0x30: {  	s3 =	sld [smem:$0x3FA3]  }
0x31: {  	[smem:$0x3FAC] =	sst s10  }
0x32: {  	s10 =	sld [smem:$0x3FAA];
	_ =	sdelay $0x3  }
0x33: {  	p0 =	seq.s32 s10, $0x1;
	s10 =	sld [smem:$0x3FAC];
	_ =	sdelay $0x3  }
0x34: {  	[smem:$0x3FAC] =	sst s10  }
0x35: {  	s10 =	sld [smem:$0x3FAB];
	_ =	sdelay $0x3  }
0x36: {  	p1 =	seq.s32 s10, $0x1;
	s10 =	sld [smem:$0x3FAC];
	_ =	sdelay $0x3  }
0x37: {  	[smem:$0x3FAC] =	sst s10  }
0x38: {  	s10 =	sld [smem:$0x3FAD]  }
0x39: {  	_ = 	snop;
	(pc) =	sbr.ind lr, $3  }
0x3a: {  	_ = 	snop  }
0x3b: {  	_ = 	snop  }
0x3c: {  	p2 =	seq.s32 s10, $0x1;
	s10 =	sld [smem:$0x3FAC]  }
0x3d: {  	_ =	shalt  }
0x3e: {  	_ =	shalt  }
0x3f: {  	_ =	shalt  }
0x40: {  	_ =	shalt  }
0x41: {  	_ =	shalt  }
0x42: {  	_ =	shalt  }
0x43: {  	_ =	shalt  }
0x44: {  	_ =	shalt  }
0x45: {  	_ =	shalt  }
0x46: {  	_ =	shalt  }
0x47: {  	_ =	shalt  }
0x48: {  	_ =	shalt  }
0x49: {  	_ =	shalt  }
0x4a: {  	_ =	shalt  }
0x4b: {  	_ =	shalt  }
0x4c: {  	_ =	shalt  }
0x4d: {  	_ =	shalt  }
0x4e: {  	_ =	shalt  }
0x4f: {  	_ =	shalt  }
0x50: {  	_ =	shalt  }
0x51: {  	_ =	shalt  }
0x52: {  	_ =	shalt  }
0x53: {  	_ =	shalt  }
0x54: {  	_ =	shalt  }
0x55: {  	_ =	shalt  }
0x56: {  	_ =	shalt  }
0x57: {  	_ =	shalt  }
0x58: {  	_ =	shalt  }
0x59: {  	_ =	shalt  }
0x5a: {  	_ =	shalt  }
0x5b: {  	_ =	shalt  }
0x5c: {  	_ =	shalt  }
0x5d: {  	_ =	shalt  }
0x5e: {  	_ =	shalt  }
0x5f: {  	_ =	shalt  }
0x60: {  	_ =	shalt  }
0x61: {  	_ =	shalt  }
0x62: {  	_ =	shalt  }
0x63: {  	_ =	shalt  }
0x64: {  	_ =	shalt  }
0x65: {  	_ =	shalt  }
0x66: {  	_ =	shalt  }
0x67: {  	_ =	shalt  }
0x68: {  	_ =	shalt  }
0x69: {  	_ =	shalt  }
0x6a: {  	_ =	shalt  }
0x6b: {  	_ =	shalt  }
0x6c: {  	_ =	shalt  }
0x6d: {  	_ =	shalt  }
0x6e: {  	_ =	shalt  }
0x6f: {  	_ =	shalt  }
0x70: {  	_ =	shalt  }
0x71: {  	_ =	shalt  }
0x72: {  	_ =	shalt  }
0x73: {  	_ =	shalt  }
0x74: {  	_ =	shalt  }
0x75: {  	_ =	shalt  }
0x76: {  	_ =	shalt  }
0x77: {  	_ =	shalt  }
0x78: {  	_ =	shalt  }
0x79: {  	_ =	shalt  }
0x7a: {  	_ =	shalt  }
0x7b: {  	_ =	shalt  }
0x7c: {  	_ =	shalt  }
0x7d: {  	_ =	shalt  }
0x7e: {  	_ =	shalt  }
0x7f: {  	_ =	shalt  }
0x80: {  	_ =	shalt  }
0x81: {  	_ =	shalt  }
0x82: {  	_ =	shalt  }
0x83: {  	_ =	shalt  }
0x84: {  	_ =	shalt  }
0x85: {  	_ =	shalt  }
0x86: {  	_ =	shalt  }
0x87: {  	_ =	shalt  }
.Lfunc_end0:
.L_simem_size_0:
called_computation.2_lowered:
.L_overlay_start_0:
0x88: {  	s2 =	sld [smem:$0x3FD9]  }
0x89: {  	s3 =	sld [smem:$0x3FFE];
	_ =	sdelay $0x1  }
0x8a: {  	s1 =	srdreg.scid  }
0x8b: {  	s0 =	sand.u32 $0x1, s1  }
0x8c: {  	s16 =	sshll.u32 s0, $0xA;
	s2 =	sadd.s32 s3, s2  }
0x8d: {  	s2 =	sadd.s32 s2, s16  }
0x8e: {  	[smem:$0x3FB8] =	sst s2  }
0x8f: {  	_ = 	snop  }
0x90: {  	(tm) =	ssettm $0x1  }
0x91: {  	s17 =	sld [smem:$0x3FFB];
	_ =	sdelay $0x3  }
0x92: {  	_ =	strace s17  }
0x93: {  	s2 =	sld [smem:$0x3FFC];
	_ =	sdelay $0x3  }
0x94: {  	_ =	strace s2  }
0x95: {  	s2 =	sld [smem:$0x3FFD];
	_ =	sdelay $0x3  }
0x96: {  	_ =	strace s2  }
0x97: {  	_ =	strace $0x8FFFFFFF  }
0x98: {  	s18 =	sld [smem:$0x3FDB];
	_ =	sdelay $0x1  }
0x99: {  	s19 =	simm.s32 $_scs_section_size  }
0x9a: {  	s4 =	simm.s32 $_size__tile_overlayer_lowered;
	s5 =	simm.s32 $_tile_overlayer_lowered  }
0x9b: {  	s22 =	simm.s32 $0x1BFF;
	s21 =	sshll.u32 s5, $0x1;
	s2 =	sadd.s32 s19, s18  }
0x9c: {  	s6 =	simm.s32 $0x0;
	s20 =	sshll.u32 s4, $0x1;
	s4 =	sadd.s32 s21, s2  }
0x9d: {  	[timem:s6], [sflag:s22] =	dma.local [hbm:s4], s20  }
0x9e: {  	_ =	swait.ge [sflag:s22], s20  }
0x9f: {  	s3 =	ssub.s32 $0x0, s20;
	[sflag:s22] =	ssyncset.done $0x0  }
0xa0: {  	[sflag:s22] =	ssyncadd.s32 s3;
	_ =	sdelay $0x1  }
0xa1: {  	s23 =	simm.s32 $0x1B8B  }
0xa2: {  	_ =	swait.ge [sflag:s23], $0x1  }
0xa3: {  	[sflag:s23] =	ssyncset.done $0x0  }
0xa4: {  	s25 =	simm.s32 $0x1B8E;
	s24 =	sld [smem:$0x3FFE];
	[sflag:s23] =	ssyncadd.s32 $0xFFFFFFFF  }
0xa5: {  	s26 =	simm.s32 $execute0_lowered;
	[smem:$0x3FD2] =	sst s25  }
0xa6: {  	s4 =	sshll.u32 s26, $0x1;
	_ =	strace $0x8000004C;
	[dreg:$0x1] =	wrdreg $0xFFFFFFFF  }
0xa7: {  	s28 =	simm.s32 $_size_execute0_lowered;
	s2 =	sadd.s32 s2, s4;
	[dreg:$0x0] =	wrdreg $0x0  }
0xa8: {  	s4 =	sshll.u32 s28, $0x1;
	[dreg:$0x2] =	wrdreg s2  }
0xa9: {  	[dreg:$0x3] =	wrdreg s4  }
0xaa: {  	[dreg:$0x4] =	wrdreg $0xC0  }
0xab: {  	_ =	task [dreg:s6], $0x5FFFF  }
0xac: {  	[dreg:$0x1] =	wrdreg $0xFFFFFFFF  }
0xad: {  	[dreg:$0x0] =	wrdreg $0x60  }
0xae: {  	[dreg:$0x2] =	wrdreg s24  }
0xaf: {  	[dreg:$0x3] =	wrdreg $0x8A000  }
0xb0: {  	[dreg:$0x4] =	wrdreg $0x12A000  }
0xb1: {  	[dreg:$0x5] =	wrdreg $0x9  }
0xb2: {  	_ =	task.clear_ibuf [dreg:s6], $0x6FFFF;
	_ =	strace $0x9000004C  }
0xb3: {  	s29 =	simm.s32 $0x9;
	_ =	strace $0x8000004E  }
0xb4: {  	_ =	swait.ge [sflag:s29], $0x1  }
0xb5: {  	[sflag:s29] =	ssyncadd.s32 $0xFFFFFFFF  }
0xb6: {  	_ =	strace $0x9000004E  }
0xb7: {  	_ =	sfence  }
0xb8: {  	s30 =	sld [smem:$0x0];
	_ =	sdelay $0x2  }
0xb9: {  	s31 =	sshll.u32 s1, $0xD;
	s1 =	sshrl.u32 s1, $0x2  }
0xba: {  	s3 =	sand.u32 $0x4000, s31;
	s1 =	sadd.s32 s1, s30  }
0xbb: {  	s0 =	sor.u32 s3, s0;
	s1 =	sshll.u32 s1, $0x11  }
0xbc: {  	s0 =	sor.u32 s1, s0  }
0xbd: {  	s0 =	sadd.s32 $0x8F2B, s0  }
0xbe: {  	[sflag:s0] =	ssyncadd.remote.s32 $0x1  }
0xbf: {  	_ =	sfence.sel $0xFFFF  }
0xc0: {  	[dreg:$0x0] =	wrdreg $0xFFFFFFFF;
	(pc) =	sbr.abs _section_cstart, $3  }
0xc1: {  	[dreg:$0x1] =	wrdreg $0xFFFFFFFF  }
0xc2: {  	_ =	task.clear_ibuf [dreg:s6], $0x2FFFF;
	_ =	strace $0x9FFFFFFF  }
0xc3: {  	(tm) =	ssettm $0x7FFFFFFF  }
tec
execute0_lowered:
.L_overlay_start_1:
0x0: {  	(tag) =	ssettag $0x1  }
0x1: {  	s0 =	rddreg [dreg:$0x0]  }
0x2: {  	s2 =	rddreg [dreg:$0x1]  }
0x3: {  	s3 =	rddreg [dreg:$0x2]  }
0x4: {  	s1 =	srdreg.scid;
	s14 =	stileid.u32  }
0x5: {  	s4 =	simm.s32 $0x0;
	s28 =	simm.s32 $0x180;
	s29 =	simm.s32 $0x4200  }
0x6: {  	s30 =	simm.s32 $0x6200;
	s31 =	simm.s32 $0x1;
	s1 =	sand.u32 $0x1, s1  }
0x7: {  	s7 =	smul.u32 $0x140, s14;
	[smem:$0x7FF] =	sst s4;
	s5 =	sadd.s32 $0x19400, s0  }
0x8: {  	s6 =	sadd.s32 $0x2D400, s0;
	s9 =	sadd.s32 $0xF400, s0;
	s17 =	smul.u32 $0xA000, s14  }
0x9: {  	s26 =	sadd.s32 $0x5400, s0;
	s12 =	sshll.u32 s14, $0x4;
	s20 =	smul.u32 $0x28000, s14  }
0xa: {  	s8 =	smul.u32 $0x1400, s1;
	_ =	strace $0x8000004D;
	s10 =	ssub.s32 $0x2, s1  }
0xb: {  	s1 =	sshll.u32 s1, $0x3;
	s23 =	sadd.s32 s12, s9;
	s25 =	sadd.s32 s12, s26  }
0xc: {  	s11 =	sshrl.u32 s10, $0x1;
	s16 =	sor.u32 s1, s12;
	s24 =	sadd.s32 s17, s2  }
0xd: {  	s22 =	sshrl.u32 s20, $0x2;
	s20 =	simm.s32 $0x80;
	s7 =	sadd.s32 s7, s8  }
0xe: {  	s15 =	ssub.s32 s10, s11;
	s13 =	sadd.s32 s9, s16;
	s18 =	sor.u32 $0x9F00, s16  }
0xf: {  	s10 =	sadd.s32 s26, s16;
	s11 =	sadd.s32 s17, s3;
	s14 =	sadd.s32 s22, s3  }
0x10: {  	s16 =	sadd.s32 s1, s23;
	s17 =	sadd.s32 s1, s25;
	s23 =	simm.s32 $0x2200  }
0x11: {  	s1 =	simm.s32 $0x3;
	s8 =	simm.s32 $0x0;
	[dreg:$0x4] =	wrdreg s13  }
0x12: {  	s7 =	sshll.u32 s7, $0x4;
	[dreg:$0x5] =	wrdreg s10;
	s19 =	sadd.s32 s9, s18  }
0x13: {  	s13 =	sadd.s32 s26, s18;
	s18 =	simm.s32 $0x8200;
	s26 =	sshrl.u32 s24, $0x3  }
0x14: {  	s25 =	sshrl.u32 s11, $0x3;
	s0 =	sadd.s32 s7, s0;
	[dreg:$0x6] =	wrdreg s19  }
0x15: {  	[dreg:$0x7] =	wrdreg s13;
	s7 =	smax.u32 s15, $0x1;
	s15 =	sadd.s32 s22, s2  }
0x16: {  	s19 =	simm.s32 $0x5;
	s22 =	simm.s32 $0x200;
	[dreg:$0xb] =	wrdreg s26  }
0x17: {  	s26 =	simm.s32 $0x100;
	s21 =	sadd.s32 $0x41400, s0;
	[dreg:$0xa] =	wrdreg s7  }
0x18: {  	s0 =	sadd.s32 $0x69400, s0;
	s7 =	simm.s32 $0x4;
	[dreg:$0x8] =	wrdreg s21  }
0x19: {  	v0 =	vimm.f32 $0.0e+00;
	[dreg:$0x9] =	wrdreg s0;
	s21 =	simm.s32 $0x40;
	s0 =	simm.s32 $0x2  }
.LBB2_1:
0x1a: {  	s9 =	simm.s32 $0x0;
	s10 =	simm.s32 $0x200  }
.LBB2_2:
0x1b: {  	p0 =	sne.s32 s10, $0x1E00;
	[tilespmem:s9+$0x8270] =	vst v0  }
0x1c: {  	[tilespmem:s9+$0x8200] =	vst v0  }
0x1d: {  	[tilespmem:s9+$0x8210] =	vst v0  }
.Ltmp0:
0x1e: {  	[tilespmem:s9+$0x8220] =	vst v0;
	(pc) =	sbr.rel @p0 .LBB2_2-.Ltmp0, $4  }
0x1f: {  	[tilespmem:s9+$0x8230] =	vst v0  }
0x20: {  	[tilespmem:s9+$0x8240] =	vst v0  }
0x21: {  	[tilespmem:s9+$0x8250] =	vst v0  }
0x22: {  	[tilespmem:s9+$0x8260] =	vst v0;
	s9 =	sshra.s32 s10, $0x2;
	s10 =	sadd.s32 $0x200, s10  }
0x23: {  	[tilespmem:s9+$0x8270] =	vst v0  }
0x24: {  	[tilespmem:s9+$0x8200] =	vst v0  }
0x25: {  	[tilespmem:s9+$0x8210] =	vst v0  }
0x26: {  	[tilespmem:s9+$0x8220] =	vst v0  }
0x27: {  	[tilespmem:s9+$0x8230] =	vst v0  }
0x28: {  	[tilespmem:s9+$0x8240] =	vst v0  }
0x29: {  	[tilespmem:s9+$0x8250] =	vst v0  }
0x2a: {  	[tilespmem:s9+$0x8260] =	vst v0;
	s13 =	sadd.s32 $0x0, s15  }
0x2b: {  	[spmem:s13] =	stream.linear.scatter [tilespmem:s18], [sflag:$0x5], $0x800, $0x38;
	[tilespmem:$0x1CA00] =	vst v63  }
0x2c: {  	_ =	swait.ge [sflag:s19], $0x800  }
0x2d: {  	[sflag:s19] =	ssyncset.done $0x0  }
0x2e: {  	s24 =	sadd.s32 $0x0, s14;
	[sflag:s19] =	ssyncadd.s32 $0xFFFFF800  }
0x2f: {  	[spmem:s24] =	stream.linear.scatter [tilespmem:s18], [sflag:$0x5], $0x800, $0x38;
	[tilespmem:$0x1CA00] =	vst v63  }
0x30: {  	_ =	swait.ge [sflag:s19], $0x800  }
0x31: {  	s10 =	simm.s32 $0x4000;
	s9 =	simm.s32 $0x800;
	[sflag:s19] =	ssyncset.done $0x0  }
.LBB2_4:
0x32: {  	s11 =	sadd.s32 s9, s15  }
0x33: {  	[sflag:s19] =	ssyncadd.s32 $0xFFFFF800;
	s12 =	smov.u32 s10;
	s13 =	sadd.s32 $0x2000, s10  }
0x34: {  	[spmem:s11] =	stream.linear.scatter [tilespmem:s18], [sflag:$0x5], $0x800, $0x38;
	[tilespmem:$0x1CA00] =	vst v63  }
0x35: {  	p0 =	sne.s32 s10, $0x26000;
	_ =	swait.ge [sflag:s19], $0x800  }
.Ltmp1:
0x36: {  	[sflag:s19] =	ssyncset.done $0x0;
	(pc) =	sbr.rel @p0 .LBB2_4-.Ltmp1, $4  }
0x37: {  	s9 =	sadd.s32 s9, s14;
	[sflag:s19] =	ssyncadd.s32 $0xFFFFF800  }
0x38: {  	[spmem:s9] =	stream.linear.scatter [tilespmem:s18], [sflag:$0x5], $0x800, $0x38;
	[tilespmem:$0x1CA00] =	vst v63  }
0x39: {  	_ =	swait.ge [sflag:s19], $0x800  }
0x3a: {  	s10 =	smov.u32 s13;
	s9 =	sshra.s32 s12, $0x2;
	[sflag:s19] =	ssyncset.done $0x0  }
0x3b: {  	s10 =	sadd.s32 s9, s15;
	[sflag:s19] =	ssyncadd.s32 $0xFFFFF800  }
0x3c: {  	[spmem:s10] =	stream.linear.scatter [tilespmem:s18], [sflag:$0x5], $0x800, $0x38;
	[tilespmem:$0x1CA00] =	vst v63  }
0x3d: {  	_ =	swait.ge [sflag:s19], $0x800  }
0x3e: {  	[sflag:s19] =	ssyncset.done $0x0  }
0x3f: {  	s10 =	sadd.s32 s9, s14;
	[sflag:s19] =	ssyncadd.s32 $0xFFFFF800  }
0x40: {  	[spmem:s10] =	stream.linear.scatter [tilespmem:s18], [sflag:$0x5], $0x800, $0x38;
	[tilespmem:$0x1CA00] =	vst v63  }
0x41: {  	_ =	swait.ge [sflag:s19], $0x800  }
0x42: {  	[sflag:s19] =	ssyncset.done $0x0  }
0x43: {  	[sflag:s19] =	ssyncadd.s32 $0xFFFFF800  }
0x44: {  	[bflag:$0x0] =	sbarrier.arrive $0xFFFF  }
0x45: {  	s11 =	simm.s32 $0x0;
	s12 =	rddreg [dreg:$0x4]  }
0x46: {  	[tilespmem:s11], [sflag:$0x5] =	stream.linear.gather [hbm4b:s12+s11], $0x40, $0x38;
	[tilespmem:$0x1CA00] =	vst v63  }
0x47: {  	_ =	swait.ge [sflag:s19], $0x40  }
0x48: {  	[sflag:s19] =	ssyncset.done $0x0  }
0x49: {  	s13 =	rddreg [dreg:$0x5];
	[sflag:s19] =	ssyncadd.s32 $0xFFFFFFC0  }
0x4a: {  	[tilespmem:s20], [sflag:$0x5] =	stream.linear.gather [hbm4b:s13+s11], $0x40, $0x38;
	[tilespmem:$0x1CA00] =	vst v63  }
0x4b: {  	_ =	swait.ge [sflag:s19], $0x40  }
0x4c: {  	[sflag:s19] =	ssyncset.done $0x0  }
0x4d: {  	[sflag:s19] =	ssyncadd.s32 $0xFFFFFFC0  }
0x4e: {  	[tilespmem:s22], [sflag:$0x1] =	stream.indirect.gather [hbm4b:s5+s21], $0x80, s11, s21, $0xb8;
	[tilespmem:$0x1CA00] =	vst v63  }
0x4f: {  	s24 =	sadd.s32 $0x0, s16  }
0x50: {  	[tilespmem:s23], [sflag:$0x2] =	stream.indirect.gather [hbm4b:s6+s21], $0x80, s20, s21, $0xb8;
	[tilespmem:$0x1CA00] =	vst v63  }
0x51: {  	s12 =	sadd.s32 $0x100, s24  }
0x52: {  	[tilespmem:s26], [sflag:$0x5] =	stream.linear.gather [hbm4b:s12+s4], $0x40, $0x38;
	[tilespmem:$0x1CA00] =	vst v63  }
0x53: {  	_ =	swait.ge [sflag:s19], $0x40  }
0x54: {  	s13 =	sadd.s32 $0x0, s17;
	[sflag:s19] =	ssyncset.done $0x0  }
0x55: {  	s11 =	sadd.s32 $0x100, s13;
	[sflag:s19] =	ssyncadd.s32 $0xFFFFFFC0  }
0x56: {  	[tilespmem:s28], [sflag:$0x5] =	stream.linear.gather [hbm4b:s11+s4], $0x40, $0x38;
	[tilespmem:$0x1CA00] =	vst v63  }
0x57: {  	_ =	swait.ge [sflag:s19], $0x40  }
0x58: {  	[sflag:s19] =	ssyncset.done $0x0  }
0x59: {  	[sflag:s19] =	ssyncadd.s32 $0xFFFFFFC0  }
0x5a: {  	[tilespmem:s29], [sflag:$0x3] =	stream.indirect.gather [hbm4b:s5+s21], $0x80, s26, s21, $0xb8;
	[tilespmem:$0x1CA00] =	vst v63  }
0x5b: {  	_ = 	snop  }
0x5c: {  	[tilespmem:s30], [sflag:$0x4] =	stream.indirect.gather [hbm4b:s6+s21], $0x80, s28, s21, $0xb8;
	[tilespmem:$0x1CA00] =	vst v63  }
0x5d: {  	_ =	swait.ge [sflag:s31], $0x2000  }
0x5e: {  	[sflag:s31] =	ssyncset.done $0x0  }
0x5f: {  	[sflag:s31] =	ssyncadd.s32 $0xFFFFE000  }
0x60: {  	_ =	swait.ge [sflag:s0], $0x2000  }
0x61: {  	[sflag:s0] =	ssyncset.done $0x0  }
0x62: {  	[sflag:s0] =	ssyncadd.s32 $0xFFFFE000  }
0x63: {  	[spmem:s2] =	stream.indirect.scatter.add.f32 [tilespmem:s22], [sflag:$0x5], $0x80, s20, s21, $0xb8;
	[tilespmem:$0x1CA00] =	vst v63  }
0x64: {  	_ =	swait.ge [sflag:s19], $0x2000  }
0x65: {  	[sflag:s19] =	ssyncset.done $0x0  }
0x66: {  	[sflag:s19] =	ssyncadd.s32 $0xFFFFE000  }
0x67: {  	[spmem:s3] =	stream.indirect.scatter.add.f32 [tilespmem:s23], [sflag:$0x5], $0x80, s4, s21, $0xb8;
	[tilespmem:$0x1CA00] =	vst v63  }
0x68: {  	_ =	swait.ge [sflag:s19], $0x2000  }
0x69: {  	[sflag:s19] =	ssyncset.done $0x0  }
0x6a: {  	s9 =	sadd.s32 $0x200, s24;
	[sflag:s19] =	ssyncadd.s32 $0xFFFFE000  }
0x6b: {  	[tilespmem:s4], [sflag:$0x5] =	stream.linear.gather [hbm4b:s9+s4], $0x40, $0x38;
	[tilespmem:$0x1CA00] =	vst v63  }
0x6c: {  	_ =	swait.ge [sflag:s19], $0x40  }
0x6d: {  	[sflag:s19] =	ssyncset.done $0x0  }
0x6e: {  	s24 =	sadd.s32 $0x200, s13;
	[sflag:s19] =	ssyncadd.s32 $0xFFFFFFC0  }
0x6f: {  	[tilespmem:s20], [sflag:$0x5] =	stream.linear.gather [hbm4b:s24+s4], $0x40, $0x38;
	[tilespmem:$0x1CA00] =	vst v63  }
0x70: {  	_ =	swait.ge [sflag:s19], $0x40  }
0x71: {  	[sflag:s19] =	ssyncset.done $0x0  }
0x72: {  	[sflag:s19] =	ssyncadd.s32 $0xFFFFFFC0  }
0x73: {  	[tilespmem:s22], [sflag:$0x1] =	stream.indirect.gather [hbm4b:s5+s21], $0x80, s4, s21, $0xb8;
	[tilespmem:$0x1CA00] =	vst v63  }
0x74: {  	_ = 	snop  }
0x75: {  	[tilespmem:s23], [sflag:$0x2] =	stream.indirect.gather [hbm4b:s6+s21], $0x80, s20, s21, $0xb8;
	[tilespmem:$0x1CA00] =	vst v63  }
0x76: {  	_ =	swait.ge [sflag:s1], $0x2000  }
0x77: {  	[sflag:s1] =	ssyncset.done $0x0  }
0x78: {  	[sflag:s1] =	ssyncadd.s32 $0xFFFFE000  }
0x79: {  	_ =	swait.ge [sflag:s7], $0x2000  }
0x7a: {  	[sflag:s7] =	ssyncset.done $0x0  }
0x7b: {  	[sflag:s7] =	ssyncadd.s32 $0xFFFFE000  }
0x7c: {  	[spmem:s2] =	stream.indirect.scatter.add.f32 [tilespmem:s29], [sflag:$0x5], $0x80, s28, s21, $0xb8;
	[tilespmem:$0x1CA00] =	vst v63  }
0x7d: {  	_ =	swait.ge [sflag:s19], $0x2000  }
0x7e: {  	[sflag:s19] =	ssyncset.done $0x0  }
0x7f: {  	[sflag:s19] =	ssyncadd.s32 $0xFFFFE000  }
0x80: {  	[spmem:s3] =	stream.indirect.scatter.add.f32 [tilespmem:s30], [sflag:$0x5], $0x80, s26, s21, $0xb8;
	[tilespmem:$0x1CA00] =	vst v63  }
0x81: {  	s10 =	simm.s32 $0x400;
	_ =	swait.ge [sflag:s19], $0x2000  }
0x82: {  	s11 =	sadd.s32 $0x200, s16;
	s9 =	simm.s32 $0x200;
	[sflag:s19] =	ssyncset.done $0x0  }
.LBB2_6:
0x83: {  	s13 =	sadd.s32 $0x100, s11  }
0x84: {  	[sflag:s19] =	ssyncadd.s32 $0xFFFFE000;
	s24 =	smov.u32 s10;
	s12 =	sadd.s32 $0x200, s10  }
0x85: {  	[tilespmem:s26], [sflag:$0x5] =	stream.linear.gather [hbm4b:s13+s4], $0x40, $0x38;
	[tilespmem:$0x1CA00] =	vst v63  }
0x86: {  	p0 =	sne.s32 s10, $0x9C00;
	_ =	swait.ge [sflag:s19], $0x40  }
0x87: {  	s10 =	sadd.s32 s9, s17;
	s9 =	smov.u32 s24;
	[sflag:s19] =	ssyncset.done $0x0  }
0x88: {  	s13 =	sadd.s32 $0x100, s10;
	[sflag:s19] =	ssyncadd.s32 $0xFFFFFFC0  }
0x89: {  	[tilespmem:s28], [sflag:$0x5] =	stream.linear.gather [hbm4b:s13+s4], $0x40, $0x38;
	[tilespmem:$0x1CA00] =	vst v63  }
0x8a: {  	_ =	swait.ge [sflag:s19], $0x40  }
0x8b: {  	[sflag:s19] =	ssyncset.done $0x0  }
0x8c: {  	[sflag:s19] =	ssyncadd.s32 $0xFFFFFFC0  }
0x8d: {  	[tilespmem:s29], [sflag:$0x3] =	stream.indirect.gather [hbm4b:s5+s21], $0x80, s26, s21, $0xb8;
	[tilespmem:$0x1CA00] =	vst v63  }
0x8e: {  	_ = 	snop  }
0x8f: {  	[tilespmem:s30], [sflag:$0x4] =	stream.indirect.gather [hbm4b:s6+s21], $0x80, s28, s21, $0xb8;
	[tilespmem:$0x1CA00] =	vst v63  }
0x90: {  	_ =	swait.ge [sflag:s31], $0x2000  }
0x91: {  	[sflag:s31] =	ssyncset.done $0x0  }
0x92: {  	[sflag:s31] =	ssyncadd.s32 $0xFFFFE000  }
0x93: {  	_ =	swait.ge [sflag:s0], $0x2000  }
0x94: {  	[sflag:s0] =	ssyncset.done $0x0  }
0x95: {  	[sflag:s0] =	ssyncadd.s32 $0xFFFFE000  }
0x96: {  	[spmem:s2] =	stream.indirect.scatter.add.f32 [tilespmem:s22], [sflag:$0x5], $0x80, s20, s21, $0xb8;
	[tilespmem:$0x1CA00] =	vst v63  }
0x97: {  	_ =	swait.ge [sflag:s19], $0x2000  }
0x98: {  	[sflag:s19] =	ssyncset.done $0x0  }
0x99: {  	[sflag:s19] =	ssyncadd.s32 $0xFFFFE000  }
0x9a: {  	[spmem:s3] =	stream.indirect.scatter.add.f32 [tilespmem:s23], [sflag:$0x5], $0x80, s4, s21, $0xb8;
	[tilespmem:$0x1CA00] =	vst v63  }
0x9b: {  	_ =	swait.ge [sflag:s19], $0x2000  }
0x9c: {  	[sflag:s19] =	ssyncset.done $0x0  }
0x9d: {  	s11 =	sadd.s32 $0x200, s11;
	[sflag:s19] =	ssyncadd.s32 $0xFFFFE000  }
0x9e: {  	[tilespmem:s4], [sflag:$0x5] =	stream.linear.gather [hbm4b:s11+s4], $0x40, $0x38;
	[tilespmem:$0x1CA00] =	vst v63  }
0x9f: {  	_ =	swait.ge [sflag:s19], $0x40  }
0xa0: {  	[sflag:s19] =	ssyncset.done $0x0  }
0xa1: {  	s10 =	sadd.s32 $0x200, s10;
	[sflag:s19] =	ssyncadd.s32 $0xFFFFFFC0  }
0xa2: {  	[tilespmem:s20], [sflag:$0x5] =	stream.linear.gather [hbm4b:s10+s4], $0x40, $0x38;
	[tilespmem:$0x1CA00] =	vst v63  }
0xa3: {  	_ =	swait.ge [sflag:s19], $0x40  }
0xa4: {  	[sflag:s19] =	ssyncset.done $0x0  }
0xa5: {  	[sflag:s19] =	ssyncadd.s32 $0xFFFFFFC0  }
0xa6: {  	[tilespmem:s22], [sflag:$0x1] =	stream.indirect.gather [hbm4b:s5+s21], $0x80, s4, s21, $0xb8;
	[tilespmem:$0x1CA00] =	vst v63  }
0xa7: {  	_ = 	snop  }
0xa8: {  	[tilespmem:s23], [sflag:$0x2] =	stream.indirect.gather [hbm4b:s6+s21], $0x80, s20, s21, $0xb8;
	[tilespmem:$0x1CA00] =	vst v63  }
0xa9: {  	_ =	swait.ge [sflag:s1], $0x2000  }
0xaa: {  	[sflag:s1] =	ssyncset.done $0x0  }
0xab: {  	[sflag:s1] =	ssyncadd.s32 $0xFFFFE000  }
0xac: {  	_ =	swait.ge [sflag:s7], $0x2000  }
0xad: {  	[sflag:s7] =	ssyncset.done $0x0  }
0xae: {  	[sflag:s7] =	ssyncadd.s32 $0xFFFFE000  }
0xaf: {  	[spmem:s2] =	stream.indirect.scatter.add.f32 [tilespmem:s29], [sflag:$0x5], $0x80, s28, s21, $0xb8;
	[tilespmem:$0x1CA00] =	vst v63  }
0xb0: {  	_ =	swait.ge [sflag:s19], $0x2000  }
.Ltmp2:
0xb1: {  	[sflag:s19] =	ssyncset.done $0x0;
	(pc) =	sbr.rel @p0 .LBB2_6-.Ltmp2, $4  }
0xb2: {  	[sflag:s19] =	ssyncadd.s32 $0xFFFFE000  }
0xb3: {  	[spmem:s3] =	stream.indirect.scatter.add.f32 [tilespmem:s30], [sflag:$0x5], $0x80, s26, s21, $0xb8;
	[tilespmem:$0x1CA00] =	vst v63  }
0xb4: {  	_ =	swait.ge [sflag:s19], $0x2000  }
0xb5: {  	s11 =	sadd.s32 s9, s16;
	s10 =	smov.u32 s12;
	[sflag:s19] =	ssyncset.done $0x0  }
0xb6: {  	s10 =	sadd.s32 $0x100, s11;
	[sflag:s19] =	ssyncadd.s32 $0xFFFFE000  }
0xb7: {  	[tilespmem:s26], [sflag:$0x5] =	stream.linear.gather [hbm4b:s10+s4], $0x40, $0x38;
	[tilespmem:$0x1CA00] =	vst v63  }
0xb8: {  	_ =	swait.ge [sflag:s19], $0x40  }
0xb9: {  	s9 =	sadd.s32 s9, s17;
	[sflag:s19] =	ssyncset.done $0x0  }
0xba: {  	s24 =	sadd.s32 $0x100, s9;
	[sflag:s19] =	ssyncadd.s32 $0xFFFFFFC0  }
0xbb: {  	[tilespmem:s28], [sflag:$0x5] =	stream.linear.gather [hbm4b:s24+s4], $0x40, $0x38;
	[tilespmem:$0x1CA00] =	vst v63  }
0xbc: {  	_ =	swait.ge [sflag:s19], $0x40  }
0xbd: {  	[sflag:s19] =	ssyncset.done $0x0  }
0xbe: {  	[sflag:s19] =	ssyncadd.s32 $0xFFFFFFC0  }
0xbf: {  	[tilespmem:s29], [sflag:$0x3] =	stream.indirect.gather [hbm4b:s5+s21], $0x80, s26, s21, $0xb8;
	[tilespmem:$0x1CA00] =	vst v63  }
0xc0: {  	_ = 	snop  }
0xc1: {  	[tilespmem:s30], [sflag:$0x4] =	stream.indirect.gather [hbm4b:s6+s21], $0x80, s28, s21, $0xb8;
	[tilespmem:$0x1CA00] =	vst v63  }
0xc2: {  	_ =	swait.ge [sflag:s31], $0x2000  }
0xc3: {  	[sflag:s31] =	ssyncset.done $0x0  }
0xc4: {  	[sflag:s31] =	ssyncadd.s32 $0xFFFFE000  }
0xc5: {  	_ =	swait.ge [sflag:s0], $0x2000  }
0xc6: {  	[sflag:s0] =	ssyncset.done $0x0  }
0xc7: {  	[sflag:s0] =	ssyncadd.s32 $0xFFFFE000  }
0xc8: {  	[spmem:s2] =	stream.indirect.scatter.add.f32 [tilespmem:s22], [sflag:$0x5], $0x80, s20, s21, $0xb8;
	[tilespmem:$0x1CA00] =	vst v63  }
0xc9: {  	_ =	swait.ge [sflag:s19], $0x2000  }
0xca: {  	[sflag:s19] =	ssyncset.done $0x0  }
0xcb: {  	[sflag:s19] =	ssyncadd.s32 $0xFFFFE000  }
0xcc: {  	[spmem:s3] =	stream.indirect.scatter.add.f32 [tilespmem:s23], [sflag:$0x5], $0x80, s4, s21, $0xb8;
	[tilespmem:$0x1CA00] =	vst v63  }
0xcd: {  	_ =	swait.ge [sflag:s19], $0x2000  }
0xce: {  	[sflag:s19] =	ssyncset.done $0x0  }
0xcf: {  	s12 =	sadd.s32 $0x200, s11;
	[sflag:s19] =	ssyncadd.s32 $0xFFFFE000  }
0xd0: {  	[tilespmem:s4], [sflag:$0x5] =	stream.linear.gather [hbm4b:s12+s4], $0x40, $0x38;
	[tilespmem:$0x1CA00] =	vst v63  }
0xd1: {  	_ =	swait.ge [sflag:s19], $0x40  }
0xd2: {  	[sflag:s19] =	ssyncset.done $0x0  }
0xd3: {  	s9 =	sadd.s32 $0x200, s9;
	[sflag:s19] =	ssyncadd.s32 $0xFFFFFFC0  }
0xd4: {  	[tilespmem:s20], [sflag:$0x5] =	stream.linear.gather [hbm4b:s9+s4], $0x40, $0x38;
	[tilespmem:$0x1CA00] =	vst v63  }
0xd5: {  	_ =	swait.ge [sflag:s19], $0x40  }
0xd6: {  	[sflag:s19] =	ssyncset.done $0x0  }
0xd7: {  	[sflag:s19] =	ssyncadd.s32 $0xFFFFFFC0  }
0xd8: {  	[tilespmem:s22], [sflag:$0x1] =	stream.indirect.gather [hbm4b:s5+s21], $0x80, s4, s21, $0xb8;
	[tilespmem:$0x1CA00] =	vst v63  }
0xd9: {  	_ = 	snop  }
0xda: {  	[tilespmem:s23], [sflag:$0x2] =	stream.indirect.gather [hbm4b:s6+s21], $0x80, s20, s21, $0xb8;
	[tilespmem:$0x1CA00] =	vst v63  }
0xdb: {  	_ =	swait.ge [sflag:s1], $0x2000  }
0xdc: {  	[sflag:s1] =	ssyncset.done $0x0  }
0xdd: {  	[sflag:s1] =	ssyncadd.s32 $0xFFFFE000  }
0xde: {  	_ =	swait.ge [sflag:s7], $0x2000  }
0xdf: {  	[sflag:s7] =	ssyncset.done $0x0  }
0xe0: {  	[sflag:s7] =	ssyncadd.s32 $0xFFFFE000  }
0xe1: {  	[spmem:s2] =	stream.indirect.scatter.add.f32 [tilespmem:s29], [sflag:$0x5], $0x80, s28, s21, $0xb8;
	[tilespmem:$0x1CA00] =	vst v63  }
0xe2: {  	_ =	swait.ge [sflag:s19], $0x2000  }
0xe3: {  	[sflag:s19] =	ssyncset.done $0x0  }
0xe4: {  	[sflag:s19] =	ssyncadd.s32 $0xFFFFE000  }
0xe5: {  	[spmem:s3] =	stream.indirect.scatter.add.f32 [tilespmem:s30], [sflag:$0x5], $0x80, s26, s21, $0xb8;
	[tilespmem:$0x1CA00] =	vst v63  }
0xe6: {  	_ =	swait.ge [sflag:s19], $0x2000  }
0xe7: {  	[sflag:s19] =	ssyncset.done $0x0  }
0xe8: {  	s13 =	rddreg [dreg:$0x6];
	[sflag:s19] =	ssyncadd.s32 $0xFFFFE000  }
0xe9: {  	[tilespmem:s26], [sflag:$0x5] =	stream.linear.gather [hbm4b:s13+s4], $0x40, $0x38;
	[tilespmem:$0x1CA00] =	vst v63  }
0xea: {  	_ =	swait.ge [sflag:s19], $0x40  }
0xeb: {  	[sflag:s19] =	ssyncset.done $0x0  }
0xec: {  	s24 =	rddreg [dreg:$0x7];
	[sflag:s19] =	ssyncadd.s32 $0xFFFFFFC0  }
0xed: {  	[tilespmem:s28], [sflag:$0x5] =	stream.linear.gather [hbm4b:s24+s4], $0x40, $0x38;
	[tilespmem:$0x1CA00] =	vst v63  }
0xee: {  	_ =	swait.ge [sflag:s19], $0x40  }
0xef: {  	[sflag:s19] =	ssyncset.done $0x0  }
0xf0: {  	[sflag:s19] =	ssyncadd.s32 $0xFFFFFFC0  }
0xf1: {  	[tilespmem:s29], [sflag:$0x3] =	stream.indirect.gather [hbm4b:s5+s21], $0x80, s26, s21, $0xb8;
	[tilespmem:$0x1CA00] =	vst v63  }
0xf2: {  	_ = 	snop  }
0xf3: {  	[tilespmem:s30], [sflag:$0x4] =	stream.indirect.gather [hbm4b:s6+s21], $0x80, s28, s21, $0xb8;
	[tilespmem:$0x1CA00] =	vst v63  }
0xf4: {  	_ =	swait.ge [sflag:s31], $0x2000  }
0xf5: {  	[sflag:s31] =	ssyncset.done $0x0  }
0xf6: {  	[sflag:s31] =	ssyncadd.s32 $0xFFFFE000  }
0xf7: {  	_ =	swait.ge [sflag:s0], $0x2000  }
0xf8: {  	[sflag:s0] =	ssyncset.done $0x0  }
0xf9: {  	[sflag:s0] =	ssyncadd.s32 $0xFFFFE000  }
0xfa: {  	[spmem:s2] =	stream.indirect.scatter.add.f32 [tilespmem:s22], [sflag:$0x5], $0x80, s20, s21, $0xb8;
	[tilespmem:$0x1CA00] =	vst v63  }
0xfb: {  	_ =	swait.ge [sflag:s19], $0x2000  }
0xfc: {  	[sflag:s19] =	ssyncset.done $0x0  }
0xfd: {  	[sflag:s19] =	ssyncadd.s32 $0xFFFFE000  }
0xfe: {  	[spmem:s3] =	stream.indirect.scatter.add.f32 [tilespmem:s23], [sflag:$0x5], $0x80, s4, s21, $0xb8;
	[tilespmem:$0x1CA00] =	vst v63  }
0xff: {  	_ =	swait.ge [sflag:s19], $0x2000  }
0x100: {  	[sflag:s19] =	ssyncset.done $0x0  }
0x101: {  	[sflag:s19] =	ssyncadd.s32 $0xFFFFE000  }
0x102: {  	_ =	swait.ge [sflag:s1], $0x2000  }
0x103: {  	[sflag:s1] =	ssyncset.done $0x0  }
0x104: {  	[sflag:s1] =	ssyncadd.s32 $0xFFFFE000  }
0x105: {  	_ =	swait.ge [sflag:s7], $0x2000  }
0x106: {  	[sflag:s7] =	ssyncset.done $0x0  }
0x107: {  	[sflag:s7] =	ssyncadd.s32 $0xFFFFE000  }
0x108: {  	[spmem:s2] =	stream.indirect.scatter.add.f32 [tilespmem:s29], [sflag:$0x5], $0x80, s28, s21, $0xb8;
	[tilespmem:$0x1CA00] =	vst v63  }
0x109: {  	_ =	swait.ge [sflag:s19], $0x2000  }
0x10a: {  	[sflag:s19] =	ssyncset.done $0x0  }
0x10b: {  	[sflag:s19] =	ssyncadd.s32 $0xFFFFE000  }
0x10c: {  	[spmem:s3] =	stream.indirect.scatter.add.f32 [tilespmem:s30], [sflag:$0x5], $0x80, s26, s21, $0xb8;
	[tilespmem:$0x1CA00] =	vst v63  }
0x10d: {  	_ =	swait.ge [sflag:s19], $0x2000  }
0x10e: {  	[sflag:s19] =	ssyncset.done $0x0  }
0x10f: {  	[sflag:s19] =	ssyncadd.s32 $0xFFFFE000  }
0x110: {  	s10 =	stileid.u32;
	[bflag:$0x0] =	sbarrier.arrive $0xFFFF  }
0x111: {  	s9 =	sshll.u32 s10, $0x6;
	s11 =	rddreg [dreg:$0x8]  }
0x112: {  	s9 =	sor.u32 $0x1C05, s9;
	s12 =	rddreg [dreg:$0xb]  }
0x113: {  	[hbm:s11], [sflag:s9] =	dma.local [spmem:s12], $0x1400  }
0x114: {  	_ =	swait.ge [sflag:s19], $0x1400  }
0x115: {  	[sflag:s19] =	ssyncset.done $0x0  }
0x116: {  	s13 =	rddreg [dreg:$0x9];
	[sflag:s19] =	ssyncadd.s32 $0xFFFFEC00  }
0x117: {  	[hbm:s13], [sflag:s9] =	dma.local [spmem:s25], $0x1400  }
0x118: {  	_ =	swait.ge [sflag:s19], $0x1400  }
0x119: {  	s8 =	sadd.s32 $0x1, s8;
	s24 =	rddreg [dreg:$0xa]  }
0x11a: {  	p0 =	sne.s32 s8, s24  }
.Ltmp3:
0x11b: {  	_ = 	snop;
	(pc) =	sbr.rel @p0 .LBB2_1-.Ltmp3, $3  }
0x11c: {  	_ =	sdelay $0x1  }
0x11d: {  	[sflag:s19] =	ssyncset.done $0x0  }
0x11e: {  	[sflag:s19] =	ssyncadd.s32 $0xFFFFEC00  }
0x11f: {  	_ =	sfence.sel $0x180000  }
0x120: {  	[bflag:$0x0] =	sbarrier.arrive $0xFFFF  }
0x121: {  	_ =	strace $0x9000004D  }
0x122: {  	s0 =	stileid.u32;
	[bflag:$0x2] =	sbarrier.arrive $0xFFFF  }
0x123: {  	p0 =	sne.s32 s0, $0x0;
	s0 =	rddreg [dreg:$0x3]  }
0x124: {  	s0 =	sadd.s32 @!p0 $0x100000, s0  }
0x125: {  	[sflag:s0] =	ssyncadd.tile.s32 @!p0 $0x1;
	_ =	shalt  }
.Lfunc_end2:
_tile_overlayer_lowered:
.L_overlay_start_2:
0x126: {  	(tag) =	ssettag $0x2  }
0x127: {  	s0 =	rddreg [dreg:$0x0];
	s2 =	stileid.u32  }
0x128: {  	s1 =	rddreg [dreg:$0x1];
	p0 =	sne.s32 s2, $0x0  }
0x129: {  	s3 =	rddreg [dreg:$0x2];
	[bflag:$0x3] =	sbarrier.arrive $0xFFFF;
	s2 =	simm.s32 @!p0 $0x1C05  }
0x12a: {  	[timem:s3], [sflag:s2] =	dma.local @!p0 [hbm:s0], s1  }
0x12b: {  	s0 =	simm.s32 @!p0 $0x5  }
0x12c: {  	_ =	swait.ge @!p0 [sflag:s0], s1  }
0x12d: {  	s1 =	ssub.s32 @!p0 $0x0, s1;
	[sflag:s0] =	ssyncset.done @!p0 $0x0  }
0x12e: {  	[sflag:s0] =	ssyncadd.s32 @!p0 s1  }
0x12f: {  	[bflag:$0x3] =	sbarrier.arrive $0xFFFF  }
0x130: {  	_ =	shalt  }

// kernel: kernel.18.cloned.1.call-start
scs
__scs_entry_jumppad:
0x0: {  	(pc) =	sbr.rel $0x88, $3  }
0x1: {  	(tag) =	ssettag $0x0;
	lr =	simm.s32 $0x1  }
0x2: {  	[smem:$0x3F91] =	sst lr;
	_ =	strace $0xD0000000  }
0x3: {  	_ = 	snop  }
0x4: {  	_ = 	snop  }
0x5: {  	_ = 	snop  }
0x6: {  	_ = 	snop  }
0x7: {  	_ = 	snop  }
__scs_overlays_trampoline_lowered:
0x8: {  	[smem:$0x3FA0] =	sst s0  }
0x9: {  	[smem:$0x3FA1] =	sst s1  }
0xa: {  	[smem:$0x3FA2] =	sst s2  }
0xb: {  	[smem:$0x3FA3] =	sst s3  }
0xc: {  	[smem:$0x3FA4] =	sst s4  }
0xd: {  	[smem:$0x3FA5] =	sst s5  }
0xe: {  	[smem:$0x3FA6] =	sst s6  }
0xf: {  	[smem:$0x3FA7] =	sst s7  }
0x10: {  	[smem:$0x3FA8] =	sst s8  }
0x11: {  	[smem:$0x3FA9] =	sst s9;
	s0 =	simm.s32 @!p0 $0x0  }
0x12: {  	s1 =	sld [smem:$0x3F8F];
	s0 =	simm.s32 @p0 $0x1  }
0x13: {  	[smem:$0x3FAA] =	sst s0;
	s0 =	simm.s32 @!p1 $0x0  }
0x14: {  	s2 =	sld [smem:$0x3F8E];
	s0 =	simm.s32 @p1 $0x1  }
0x15: {  	[smem:$0x3FAB] =	sst s0;
	s0 =	simm.s32 @!p2 $0x0  }
0x16: {  	s3 =	sld [smem:$0x3FDB];
	s0 =	simm.s32 @p2 $0x1  }
0x17: {  	s4 =	simm.s32 $0x1BF5;
	[smem:$0x3FAD] =	sst s0  }
0x18: {  	s0 =	sld [smem:$0x3F90];
	_ =	swait.ge [sflag:s4], $0x0  }
0x19: {  	s7 =	sld [smem:$0x3F91]  }
0x1a: {  	s8 =	sadd.s32 $0xFFFFE003, lr  }
0x1b: {  	s9 =	sadd.s32 $0xFFFFFEF7, lr;
	s5 =	simm.s32 $0xFFFFFFFF;
	p2 =	slt.u32 s8, $0xFFFFF086  }
0x1c: {  	p1 =	slt.u32 s9, $0xF7A;
	s5 =	simm.s32 @!p2 $0x0  }
0x1d: {  	s5 =	simm.s32 @p1 $0x1;
	p0 =	seq.s32 s7, s2  }
0x1e: {  	s7 =	smul.u32 @!p0 $0xF7A, s2;
	p2 =	seq.s32 @!p0 s5, $0x0  }
0x1f: {  	s9 =	smul.u32 $0xF7A, s1;
	s8 =	simm.s32 @!p0 $0x1BF5;
	p2 =	por !p2, p0  }
0x20: {  	[sflag:s8] =	ssyncset.s32 @!p0 $0xFFFFF086;
	s6 =	sadd.s32 @!p0 s3, s7;
	s7 =	simm.s32 @!p0 $0x108  }
0x21: {  	s3 =	sadd.s32 s3, s9;
	s6 =	sadd.s32 @!p0 $0x88, s6;
	s7 =	simm.s32 @p2 $0x1082  }
0x22: {  	[simem:s7], [sflag:s8] =	dma.local @!p0 [hbm:s6], $0xF7A  }
0x23: {  	s9 =	sor.u32 $0xD0000000, s2;
	s6 =	simm.s32 $0x108;
	_ =	swait.ge @!p0 [sflag:s8], $0x0  }
0x24: {  	s3 =	sadd.s32 $0x88, s3;
	s6 =	simm.s32 @!p1 $0x1082;
	[sflag:s4] =	ssyncset.s32 $0xFFFFF086  }
0x25: {  	[simem:s6], [sflag:s4] =	dma.local [hbm:s3], $0xF7A  }
0x26: {  	[smem:$0x3F91] =	sst s1;
	(tag) =	ssettag s2;
	_ =	strace s9  }
0x27: {  	s1 =	sld [smem:$0x3FA1]  }
0x28: {  	s2 =	sld [smem:$0x3FA2]  }
0x29: {  	s4 =	sld [smem:$0x3FA4]  }
0x2a: {  	p0 =	seq.s32 s5, $0x0;
	s5 =	sld [smem:$0x3FA5]  }
0x2b: {  	s6 =	sld [smem:$0x3FA6]  }
0x2c: {  	s7 =	sld [smem:$0x3FA7]  }
0x2d: {  	s3 =	simm.s32 $0x108;
	s8 =	sld [smem:$0x3FA8]  }
0x2e: {  	s3 =	simm.s32 @!p0 $0x1082;
	s9 =	sld [smem:$0x3FA9]  }
0x2f: {  	lr =	sadd.s32 s0, s3;
	s0 =	sld [smem:$0x3FA0]  }
0x30: {  	s3 =	sld [smem:$0x3FA3]  }
0x31: {  	[smem:$0x3FAC] =	sst s10  }
0x32: {  	s10 =	sld [smem:$0x3FAA];
	_ =	sdelay $0x3  }
0x33: {  	p0 =	seq.s32 s10, $0x1;
	s10 =	sld [smem:$0x3FAC];
	_ =	sdelay $0x3  }
0x34: {  	[smem:$0x3FAC] =	sst s10  }
0x35: {  	s10 =	sld [smem:$0x3FAB];
	_ =	sdelay $0x3  }
0x36: {  	p1 =	seq.s32 s10, $0x1;
	s10 =	sld [smem:$0x3FAC];
	_ =	sdelay $0x3  }
0x37: {  	[smem:$0x3FAC] =	sst s10  }
0x38: {  	s10 =	sld [smem:$0x3FAD]  }
0x39: {  	_ = 	snop;
	(pc) =	sbr.ind lr, $3  }
0x3a: {  	_ = 	snop  }
0x3b: {  	_ = 	snop  }
0x3c: {  	p2 =	seq.s32 s10, $0x1;
	s10 =	sld [smem:$0x3FAC]  }
0x3d: {  	_ =	shalt  }
0x3e: {  	_ =	shalt  }
0x3f: {  	_ =	shalt  }
0x40: {  	_ =	shalt  }
0x41: {  	_ =	shalt  }
0x42: {  	_ =	shalt  }
0x43: {  	_ =	shalt  }
0x44: {  	_ =	shalt  }
0x45: {  	_ =	shalt  }
0x46: {  	_ =	shalt  }
0x47: {  	_ =	shalt  }
0x48: {  	_ =	shalt  }
0x49: {  	_ =	shalt  }
0x4a: {  	_ =	shalt  }
0x4b: {  	_ =	shalt  }
0x4c: {  	_ =	shalt  }
0x4d: {  	_ =	shalt  }
0x4e: {  	_ =	shalt  }
0x4f: {  	_ =	shalt  }
0x50: {  	_ =	shalt  }
0x51: {  	_ =	shalt  }
0x52: {  	_ =	shalt  }
0x53: {  	_ =	shalt  }
0x54: {  	_ =	shalt  }
0x55: {  	_ =	shalt  }
0x56: {  	_ =	shalt  }
0x57: {  	_ =	shalt  }
0x58: {  	_ =	shalt  }
0x59: {  	_ =	shalt  }
0x5a: {  	_ =	shalt  }
0x5b: {  	_ =	shalt  }
0x5c: {  	_ =	shalt  }
0x5d: {  	_ =	shalt  }
0x5e: {  	_ =	shalt  }
0x5f: {  	_ =	shalt  }
0x60: {  	_ =	shalt  }
0x61: {  	_ =	shalt  }
0x62: {  	_ =	shalt  }
0x63: {  	_ =	shalt  }
0x64: {  	_ =	shalt  }
0x65: {  	_ =	shalt  }
0x66: {  	_ =	shalt  }
0x67: {  	_ =	shalt  }
0x68: {  	_ =	shalt  }
0x69: {  	_ =	shalt  }
0x6a: {  	_ =	shalt  }
0x6b: {  	_ =	shalt  }
0x6c: {  	_ =	shalt  }
0x6d: {  	_ =	shalt  }
0x6e: {  	_ =	shalt  }
0x6f: {  	_ =	shalt  }
0x70: {  	_ =	shalt  }
0x71: {  	_ =	shalt  }
0x72: {  	_ =	shalt  }
0x73: {  	_ =	shalt  }
0x74: {  	_ =	shalt  }
0x75: {  	_ =	shalt  }
0x76: {  	_ =	shalt  }
0x77: {  	_ =	shalt  }
0x78: {  	_ =	shalt  }
0x79: {  	_ =	shalt  }
0x7a: {  	_ =	shalt  }
0x7b: {  	_ =	shalt  }
0x7c: {  	_ =	shalt  }
0x7d: {  	_ =	shalt  }
0x7e: {  	_ =	shalt  }
0x7f: {  	_ =	shalt  }
0x80: {  	_ =	shalt  }
0x81: {  	_ =	shalt  }
0x82: {  	_ =	shalt  }
0x83: {  	_ =	shalt  }
0x84: {  	_ =	shalt  }
0x85: {  	_ =	shalt  }
0x86: {  	_ =	shalt  }
0x87: {  	_ =	shalt  }
.Lfunc_end0:
.L_simem_size_0:
called_computation.3_lowered:
.L_overlay_start_0:
0x88: {  	s2 =	sld [smem:$0x3FD9]  }
0x89: {  	s3 =	sld [smem:$0x3FFE];
	_ =	sdelay $0x1  }
0x8a: {  	s1 =	srdreg.scid  }
0x8b: {  	s0 =	sand.u32 $0x1, s1  }
0x8c: {  	s17 =	sshll.u32 s0, $0xA;
	s2 =	sadd.s32 s3, s2  }
0x8d: {  	s2 =	sadd.s32 s2, s17  }
0x8e: {  	[smem:$0x3FB8] =	sst s2  }
0x8f: {  	_ = 	snop  }
0x90: {  	s2 =	sld [smem:$0x3FD0];
	(tm) =	ssettm $0x1  }
0x91: {  	s18 =	sld [smem:$0x3FFB];
	_ =	sdelay $0x3  }
0x92: {  	_ =	strace s18  }
0x93: {  	s3 =	sld [smem:$0x3FFC];
	_ =	sdelay $0x3  }
0x94: {  	_ =	strace s3  }
0x95: {  	s3 =	sld [smem:$0x3FFD];
	_ =	sdelay $0x3  }
0x96: {  	_ =	strace s3  }
0x97: {  	_ =	strace $0x8FFFFFFF  }
0x98: {  	s19 =	sld [smem:$0x3FDB];
	_ =	sdelay $0x1  }
0x99: {  	s4 =	simm.s32 $_scs_section_size  }
0x9a: {  	s5 =	simm.s32 $_size__tile_overlayer_lowered;
	s6 =	simm.s32 $_tile_overlayer_lowered  }
0x9b: {  	s22 =	simm.s32 $0x1BFF;
	s21 =	sshll.u32 s6, $0x1;
	s3 =	sadd.s32 s4, s19  }
0x9c: {  	s7 =	simm.s32 $0x0;
	s20 =	sshll.u32 s5, $0x1;
	s5 =	sadd.s32 s21, s3  }
0x9d: {  	[timem:s7], [sflag:s22] =	dma.local [hbm:s5], s20  }
0x9e: {  	_ =	swait.ge [sflag:s22], s20  }
0x9f: {  	s4 =	ssub.s32 $0x0, s20;
	[sflag:s22] =	ssyncset.done $0x0  }
0xa0: {  	[sflag:s22] =	ssyncadd.s32 s4;
	_ =	sdelay $0x1  }
0xa1: {  	s23 =	simm.s32 $0x1B8B  }
0xa2: {  	_ =	swait.ge [sflag:s23], $0x1  }
0xa3: {  	[sflag:s23] =	ssyncset.done $0x0  }
0xa4: {  	s25 =	simm.s32 $0x1B8E;
	s24 =	sld [smem:$0x3FFE];
	[sflag:s23] =	ssyncadd.s32 $0xFFFFFFFF  }
0xa5: {  	s26 =	simm.s32 $execute0_lowered;
	[smem:$0x3FD2] =	sst s25  }
0xa6: {  	s5 =	sshll.u32 s26, $0x1;
	_ =	strace $0x8000004F;
	[dreg:$0x1] =	wrdreg $0xFFFFFFFF  }
0xa7: {  	s28 =	simm.s32 $_size_execute0_lowered;
	s3 =	sadd.s32 s3, s5;
	[dreg:$0x0] =	wrdreg $0x0  }
0xa8: {  	s5 =	sshll.u32 s28, $0x1;
	[dreg:$0x2] =	wrdreg s3  }
0xa9: {  	[dreg:$0x3] =	wrdreg s5  }
0xaa: {  	[dreg:$0x4] =	wrdreg $0xC0  }
0xab: {  	_ =	task [dreg:s7], $0x5FFFF  }
0xac: {  	[dreg:$0x1] =	wrdreg $0xFFFFFFFF  }
0xad: {  	[dreg:$0x0] =	wrdreg $0x60  }
0xae: {  	[dreg:$0x2] =	wrdreg s24  }
0xaf: {  	[dreg:$0x3] =	wrdreg s2  }
0xb0: {  	[dreg:$0x4] =	wrdreg $0x9  }
0xb1: {  	_ =	task.clear_ibuf [dreg:s7], $0x5FFFF;
	_ =	strace $0x9000004F  }
0xb2: {  	s29 =	simm.s32 $0x9;
	_ =	strace $0x80000051  }
0xb3: {  	_ =	swait.ge [sflag:s29], $0x1  }
0xb4: {  	[sflag:s29] =	ssyncadd.s32 $0xFFFFFFFF  }
0xb5: {  	_ =	strace $0x90000051  }
0xb6: {  	_ =	sfence  }
0xb7: {  	s30 =	sld [smem:$0x0];
	_ =	sdelay $0x2  }
0xb8: {  	s31 =	sshll.u32 s1, $0xD;
	s1 =	sshrl.u32 s1, $0x2  }
0xb9: {  	s3 =	sand.u32 $0x4000, s31;
	s1 =	sadd.s32 s1, s30  }
0xba: {  	s0 =	sor.u32 s3, s0;
	s1 =	sshll.u32 s1, $0x11  }
0xbb: {  	s0 =	sor.u32 s1, s0  }
0xbc: {  	s0 =	sadd.s32 $0x8F2B, s0  }
0xbd: {  	[sflag:s0] =	ssyncadd.remote.s32 $0x1  }
0xbe: {  	_ =	sfence.sel $0xFFFF  }
0xbf: {  	[dreg:$0x0] =	wrdreg $0xFFFFFFFF;
	(pc) =	sbr.abs _section_cstart, $3  }
0xc0: {  	[dreg:$0x1] =	wrdreg $0xFFFFFFFF  }
0xc1: {  	_ =	task.clear_ibuf [dreg:s7], $0x2FFFF;
	_ =	strace $0x9FFFFFFF  }
0xc2: {  	(tm) =	ssettm $0x7FFFFFFF  }
0xc3: {  	_ =	shalt  }
tec
execute0_lowered:
.L_overlay_start_1:
0x0: {  	(tag) =	ssettag $0x1  }
0x1: {  	s5 =	rddreg [dreg:$0x0]  }
0x2: {  	s8 =	rddreg [dreg:$0x1]  }
0x3: {  	s0 =	rddreg [dreg:$0x2];
	s1 =	simm.s32 $0x0;
	s6 =	srdreg.scid  }
0x4: {  	s2 =	stileid.u32;
	s14 =	simm.s32 $0x1;
	s15 =	simm.s32 $0x2  }
0x5: {  	s16 =	simm.s32 $0x0;
	[smem:$0x7FF] =	sst s1;
	s3 =	sadd.s32 $0x5400, s5  }
0x6: {  	s4 =	sadd.s32 $0x19400, s5;
	s7 =	sand.u32 $0x1, s6;
	s9 =	sshll.u32 s2, $0x9  }
0x7: {  	s26 =	sshll.u32 s2, $0x10;
	_ =	strace $0x80000050;
	s10 =	ssub.s32 $0x2, s7  }
0x8: {  	s6 =	sadd.s32 s26, s5;
	s12 =	sshll.u32 s7, $0xF;
	s13 =	sadd.s32 s9, s5  }
0x9: {  	s30 =	sshll.u32 s7, $0x8;
	s8 =	sadd.s32 s9, s8;
	s11 =	sshrl.u32 s10, $0x1  }
0xa: {  	s29 =	sadd.s32 s12, s6;
	s31 =	sadd.s32 s30, s13;
	s8 =	sadd.s32 s30, s8  }
0xb: {  	s12 =	simm.s32 $0x100;
	s13 =	simm.s32 $0x4100;
	s28 =	ssub.s32 s10, s11  }
0xc: {  	s6 =	sadd.s32 $0x1E3400, s29;
	s7 =	sadd.s32 $0xE3400, s29;
	s9 =	sadd.s32 $0xE1400, s31  }
0xd: {  	s10 =	simm.s32 $0x3;
	s11 =	simm.s32 $0x80;
	s5 =	smax.u32 s28, $0x1  }
.LBB2_1:
0xe: {  	s17 =	sadd.s32 $0x0, s9  }
0xf: {  	[tilespmem:s1], [sflag:$0x3] =	stream.linear.gather [hbm4b:s17+s1], $0x80, $0x38;
	[tilespmem:$0x8100] =	vst v63  }
0x10: {  	_ =	swait.ge [sflag:s10], $0x80  }
0x11: {  	[sflag:s10] =	ssyncset.done $0x0  }
0x12: {  	s31 =	sadd.s32 $0x0, s8;
	[sflag:s10] =	ssyncadd.s32 $0xFFFFFF80  }
0x13: {  	[tilespmem:s11], [sflag:$0x3] =	stream.linear.gather [hbm4b:s31+s1], $0x80, $0x38;
	[tilespmem:$0x8100] =	vst v63  }
0x14: {  	_ =	swait.ge [sflag:s10], $0x80  }
0x15: {  	[sflag:s10] =	ssyncset.done $0x0  }
0x16: {  	[sflag:s10] =	ssyncadd.s32 $0xFFFFFF80  }
0x17: {  	[tilespmem:s12], [sflag:$0x1] =	stream.indirect.gather [hbm4b:s3+s11], $0x80, s1, s11, $0xb8;
	[tilespmem:$0x8100] =	vst v63  }
0x18: {  	_ = 	snop  }
0x19: {  	[tilespmem:s13], [sflag:$0x2] =	stream.indirect.gather [hbm4b:s4+s11], $0x80, s11, s11, $0xb8;
	[tilespmem:$0x8100] =	vst v63  }
0x1a: {  	_ =	swait.ge [sflag:s14], $0x4000  }
0x1b: {  	[sflag:s14] =	ssyncset.done $0x0  }
0x1c: {  	[sflag:s14] =	ssyncadd.s32 $0xFFFFC000  }
0x1d: {  	_ =	swait.ge [sflag:s15], $0x4000  }
0x1e: {  	[sflag:s15] =	ssyncset.done $0x0  }
0x1f: {  	[sflag:s15] =	ssyncadd.s32 $0xFFFFC000  }
0x20: {  	[hbm4b:s7+s1] =	stream.linear.scatter [tilespmem:s12], [sflag:$0x3], $0x4000, $0x38;
	[tilespmem:$0x8100] =	vst v63  }
0x21: {  	_ =	swait.ge [sflag:s10], $0x4000  }
0x22: {  	[sflag:s10] =	ssyncset.done $0x0  }
0x23: {  	[sflag:s10] =	ssyncadd.s32 $0xFFFFC000  }
0x24: {  	[hbm4b:s6+s1] =	stream.linear.scatter [tilespmem:s13], [sflag:$0x3], $0x4000, $0x38;
	[tilespmem:$0x8100] =	vst v63  }
0x25: {  	s19 =	simm.s32 $0x10;
	s20 =	simm.s32 $0x20;
	_ =	swait.ge [sflag:s10], $0x4000  }
0x26: {  	s18 =	sadd.s32 $0x800, s7;
	s17 =	sadd.s32 $0x800, s6;
	[sflag:s10] =	ssyncset.done $0x0  }
.LBB2_2:
0x27: {  	s21 =	sadd.s32 s19, s9  }
0x28: {  	[sflag:s10] =	ssyncadd.s32 $0xFFFFC000;
	s22 =	smov.u32 s20;
	s23 =	sadd.s32 $0x10, s20  }
0x29: {  	[tilespmem:s1], [sflag:$0x3] =	stream.linear.gather [hbm4b:s21+s1], $0x80, $0x38;
	[tilespmem:$0x8100] =	vst v63  }
0x2a: {  	p0 =	sne.s32 s20, $0xF0;
	_ =	swait.ge [sflag:s10], $0x80  }
0x2b: {  	[sflag:s10] =	ssyncset.done $0x0  }
0x2c: {  	s20 =	sadd.s32 s19, s8;
	s19 =	smov.u32 s22;
	[sflag:s10] =	ssyncadd.s32 $0xFFFFFF80  }
0x2d: {  	[tilespmem:s11], [sflag:$0x3] =	stream.linear.gather [hbm4b:s20+s1], $0x80, $0x38;
	[tilespmem:$0x8100] =	vst v63  }
0x2e: {  	_ =	swait.ge [sflag:s10], $0x80  }
0x2f: {  	[sflag:s10] =	ssyncset.done $0x0  }
0x30: {  	[sflag:s10] =	ssyncadd.s32 $0xFFFFFF80  }
0x31: {  	[tilespmem:s12], [sflag:$0x1] =	stream.indirect.gather [hbm4b:s3+s11], $0x80, s1, s11, $0xb8;
	[tilespmem:$0x8100] =	vst v63  }
0x32: {  	_ = 	snop  }
0x33: {  	[tilespmem:s13], [sflag:$0x2] =	stream.indirect.gather [hbm4b:s4+s11], $0x80, s11, s11, $0xb8;
	[tilespmem:$0x8100] =	vst v63  }
0x34: {  	_ =	swait.ge [sflag:s14], $0x4000  }
0x35: {  	[sflag:s14] =	ssyncset.done $0x0  }
0x36: {  	[sflag:s14] =	ssyncadd.s32 $0xFFFFC000  }
0x37: {  	_ =	swait.ge [sflag:s15], $0x4000  }
0x38: {  	[sflag:s15] =	ssyncset.done $0x0  }
0x39: {  	[sflag:s15] =	ssyncadd.s32 $0xFFFFC000  }
0x3a: {  	[hbm4b:s18+s1] =	stream.linear.scatter [tilespmem:s12], [sflag:$0x3], $0x4000, $0x38;
	[tilespmem:$0x8100] =	vst v63  }
0x3b: {  	_ =	swait.ge [sflag:s10], $0x4000  }
.Ltmp0:
0x3c: {  	[sflag:s10] =	ssyncset.done $0x0;
	(pc) =	sbr.rel @p0 .LBB2_2-.Ltmp0, $4  }
0x3d: {  	[sflag:s10] =	ssyncadd.s32 $0xFFFFC000  }
0x3e: {  	[hbm4b:s17+s1] =	stream.linear.scatter [tilespmem:s13], [sflag:$0x3], $0x4000, $0x38;
	[tilespmem:$0x8100] =	vst v63  }
0x3f: {  	s20 =	smov.u32 s23;
	_ =	swait.ge [sflag:s10], $0x4000  }
0x40: {  	s18 =	sadd.s32 $0x800, s18;
	s17 =	sadd.s32 $0x800, s17;
	[sflag:s10] =	ssyncset.done $0x0  }
0x41: {  	s20 =	sadd.s32 s19, s9;
	[sflag:s10] =	ssyncadd.s32 $0xFFFFC000  }
0x42: {  	[tilespmem:s1], [sflag:$0x3] =	stream.linear.gather [hbm4b:s20+s1], $0x80, $0x38;
	[tilespmem:$0x8100] =	vst v63  }
0x43: {  	_ =	swait.ge [sflag:s10], $0x80  }
0x44: {  	[sflag:s10] =	ssyncset.done $0x0  }
0x45: {  	s31 =	sadd.s32 s19, s8;
	[sflag:s10] =	ssyncadd.s32 $0xFFFFFF80  }
0x46: {  	[tilespmem:s11], [sflag:$0x3] =	stream.linear.gather [hbm4b:s31+s1], $0x80, $0x38;
	[tilespmem:$0x8100] =	vst v63  }
0x47: {  	_ =	swait.ge [sflag:s10], $0x80  }
0x48: {  	[sflag:s10] =	ssyncset.done $0x0  }
0x49: {  	[sflag:s10] =	ssyncadd.s32 $0xFFFFFF80  }
0x4a: {  	[tilespmem:s12], [sflag:$0x1] =	stream.indirect.gather [hbm4b:s3+s11], $0x80, s1, s11, $0xb8;
	[tilespmem:$0x8100] =	vst v63  }
0x4b: {  	_ = 	snop  }
0x4c: {  	[tilespmem:s13], [sflag:$0x2] =	stream.indirect.gather [hbm4b:s4+s11], $0x80, s11, s11, $0xb8;
	[tilespmem:$0x8100] =	vst v63  }
0x4d: {  	_ =	swait.ge [sflag:s14], $0x4000  }
0x4e: {  	[sflag:s14] =	ssyncset.done $0x0  }
0x4f: {  	[sflag:s14] =	ssyncadd.s32 $0xFFFFC000  }
0x50: {  	_ =	swait.ge [sflag:s15], $0x4000  }
0x51: {  	[sflag:s15] =	ssyncset.done $0x0  }
0x52: {  	[sflag:s15] =	ssyncadd.s32 $0xFFFFC000  }
0x53: {  	[hbm4b:s18+s1] =	stream.linear.scatter [tilespmem:s12], [sflag:$0x3], $0x4000, $0x38;
	[tilespmem:$0x8100] =	vst v63  }
0x54: {  	s16 =	sadd.s32 $0x1, s16;
	_ =	swait.ge [sflag:s10], $0x4000  }
0x55: {  	p0 =	sne.s32 s16, s5;
	[sflag:s10] =	ssyncset.done $0x0  }
.Ltmp1:
0x56: {  	[sflag:s10] =	ssyncadd.s32 $0xFFFFC000;
	(pc) =	sbr.rel @p0 .LBB2_1-.Ltmp1, $4  }
0x57: {  	[hbm4b:s17+s1] =	stream.linear.scatter [tilespmem:s13], [sflag:$0x3], $0x4000, $0x38;
	[tilespmem:$0x8100] =	vst v63  }
0x58: {  	_ =	swait.ge [sflag:s10], $0x4000  }
0x59: {  	[sflag:s10] =	ssyncset.done $0x0  }
0x5a: {  	[sflag:s10] =	ssyncadd.s32 $0xFFFFC000  }
0x5b: {  	_ =	sfence.sel $0x180000  }
0x5c: {  	[bflag:$0x0] =	sbarrier.arrive $0xFFFF  }
0x5d: {  	p0 =	sne.s32 s2, $0x0;
	_ =	strace $0x90000050  }
0x5e: {  	s0 =	sadd.s32 @!p0 $0x100000, s0;
	[bflag:$0x2] =	sbarrier.arrive $0xFFFF  }
0x5f: {  	[sflag:s0] =	ssyncadd.tile.s32 @!p0 $0x1;
	_ =	shalt  }
.Lfunc_end2:
_tile_overlayer_lowered:
.L_overlay_start_2:
0x60: {  	(tag) =	ssettag $0x2  }
0x61: {  	s0 =	rddreg [dreg:$0x0];
	s2 =	stileid.u32  }
0x62: {  	s1 =	rddreg [dreg:$0x1];
	p0 =	sne.s32 s2, $0x0  }
0x63: {  	s3 =	rddreg [dreg:$0x2];
	[bflag:$0x3] =	sbarrier.arrive $0xFFFF;
	s2 =	simm.s32 @!p0 $0x1C03  }
0x64: {  	[timem:s3], [sflag:s2] =	dma.local @!p0 [hbm:s0], s1  }
0x65: {  	s0 =	simm.s32 @!p0 $0x3  }
0x66: {  	_ =	swait.ge @!p0 [sflag:s0], s1  }
0x67: {  	s1 =	ssub.s32 @!p0 $0x0, s1;
	[sflag:s0] =	ssyncset.done @!p0 $0x0  }
0x68: {  	[sflag:s0] =	ssyncadd.s32 @!p0 s1  }
0x69: {  	[bflag:$0x3] =	sbarrier.arrive $0xFFFF  }
0x6a: {  	_ =	shalt  }

// kernel: kernel.9.cloned.1.call-start
scs
__scs_entry_jumppad:
0x0: {  	(pc) =	sbr.rel $0x88, $3  }
0x1: {  	(tag) =	ssettag $0x0;
	lr =	simm.s32 $0x1  }
0x2: {  	[smem:$0x3F91] =	sst lr;
	_ =	strace $0xD0000000  }
0x3: {  	_ = 	snop  }
0x4: {  	_ = 	snop  }
0x5: {  	_ = 	snop  }
0x6: {  	_ = 	snop  }
0x7: {  	_ = 	snop  }
__scs_overlays_trampoline_lowered:
0x8: {  	[smem:$0x3FA0] =	sst s0  }
0x9: {  	[smem:$0x3FA1] =	sst s1  }
0xa: {  	[smem:$0x3FA2] =	sst s2  }
0xb: {  	[smem:$0x3FA3] =	sst s3  }
0xc: {  	[smem:$0x3FA4] =	sst s4  }
0xd: {  	[smem:$0x3FA5] =	sst s5  }
0xe: {  	[smem:$0x3FA6] =	sst s6  }
0xf: {  	[smem:$0x3FA7] =	sst s7  }
0x10: {  	[smem:$0x3FA8] =	sst s8  }
0x11: {  	[smem:$0x3FA9] =	sst s9;
	s0 =	simm.s32 @!p0 $0x0  }
0x12: {  	s1 =	sld [smem:$0x3F8F];
	s0 =	simm.s32 @p0 $0x1  }
0x13: {  	[smem:$0x3FAA] =	sst s0;
	s0 =	simm.s32 @!p1 $0x0  }
0x14: {  	s2 =	sld [smem:$0x3F8E];
	s0 =	simm.s32 @p1 $0x1  }
0x15: {  	[smem:$0x3FAB] =	sst s0;
	s0 =	simm.s32 @!p2 $0x0  }
0x16: {  	s3 =	sld [smem:$0x3FDB];
	s0 =	simm.s32 @p2 $0x1  }
0x17: {  	s4 =	simm.s32 $0x1BF5;
	[smem:$0x3FAD] =	sst s0  }
0x18: {  	s0 =	sld [smem:$0x3F90];
	_ =	swait.ge [sflag:s4], $0x0  }
0x19: {  	s7 =	sld [smem:$0x3F91]  }
0x1a: {  	s8 =	sadd.s32 $0xFFFFE003, lr  }
0x1b: {  	s9 =	sadd.s32 $0xFFFFFEF7, lr;
	s5 =	simm.s32 $0xFFFFFFFF;
	p2 =	slt.u32 s8, $0xFFFFF086  }
0x1c: {  	p1 =	slt.u32 s9, $0xF7A;
	s5 =	simm.s32 @!p2 $0x0  }
0x1d: {  	s5 =	simm.s32 @p1 $0x1;
	p0 =	seq.s32 s7, s2  }
0x1e: {  	s7 =	smul.u32 @!p0 $0xF7A, s2;
	p2 =	seq.s32 @!p0 s5, $0x0  }
0x1f: {  	s9 =	smul.u32 $0xF7A, s1;
	s8 =	simm.s32 @!p0 $0x1BF5;
	p2 =	por !p2, p0  }
0x20: {  	[sflag:s8] =	ssyncset.s32 @!p0 $0xFFFFF086;
	s6 =	sadd.s32 @!p0 s3, s7;
	s7 =	simm.s32 @!p0 $0x108  }
0x21: {  	s3 =	sadd.s32 s3, s9;
	s6 =	sadd.s32 @!p0 $0x88, s6;
	s7 =	simm.s32 @p2 $0x1082  }
0x22: {  	[simem:s7], [sflag:s8] =	dma.local @!p0 [hbm:s6], $0xF7A  }
0x23: {  	s9 =	sor.u32 $0xD0000000, s2;
	s6 =	simm.s32 $0x108;
	_ =	swait.ge @!p0 [sflag:s8], $0x0  }
0x24: {  	s3 =	sadd.s32 $0x88, s3;
	s6 =	simm.s32 @!p1 $0x1082;
	[sflag:s4] =	ssyncset.s32 $0xFFFFF086  }
0x25: {  	[simem:s6], [sflag:s4] =	dma.local [hbm:s3], $0xF7A  }
0x26: {  	[smem:$0x3F91] =	sst s1;
	(tag) =	ssettag s2;
	_ =	strace s9  }
0x27: {  	s1 =	sld [smem:$0x3FA1]  }
0x28: {  	s2 =	sld [smem:$0x3FA2]  }
0x29: {  	s4 =	sld [smem:$0x3FA4]  }
0x2a: {  	p0 =	seq.s32 s5, $0x0;
	s5 =	sld [smem:$0x3FA5]  }
0x2b: {  	s6 =	sld [smem:$0x3FA6]  }
0x2c: {  	s7 =	sld [smem:$0x3FA7]  }
0x2d: {  	s3 =	simm.s32 $0x108;
	s8 =	sld [smem:$0x3FA8]  }
0x2e: {  	s3 =	simm.s32 @!p0 $0x1082;
	s9 =	sld [smem:$0x3FA9]  }
0x2f: {  	lr =	sadd.s32 s0, s3;
	s0 =	sld [smem:$0x3FA0]  }
0x30: {  	s3 =	sld [smem:$0x3FA3]  }
0x31: {  	[smem:$0x3FAC] =	sst s10  }
0x32: {  	s10 =	sld [smem:$0x3FAA];
	_ =	sdelay $0x3  }
0x33: {  	p0 =	seq.s32 s10, $0x1;
	s10 =	sld [smem:$0x3FAC];
	_ =	sdelay $0x3  }
0x34: {  	[smem:$0x3FAC] =	sst s10  }
0x35: {  	s10 =	sld [smem:$0x3FAB];
	_ =	sdelay $0x3  }
0x36: {  	p1 =	seq.s32 s10, $0x1;
	s10 =	sld [smem:$0x3FAC];
	_ =	sdelay $0x3  }
0x37: {  	[smem:$0x3FAC] =	sst s10  }
0x38: {  	s10 =	sld [smem:$0x3FAD]  }
0x39: {  	_ = 	snop;
	(pc) =	sbr.ind lr, $3  }
0x3a: {  	_ = 	snop  }
0x3b: {  	_ = 	snop  }
0x3c: {  	p2 =	seq.s32 s10, $0x1;
	s10 =	sld [smem:$0x3FAC]  }
0x3d: {  	_ =	shalt  }
0x3e: {  	_ =	shalt  }
0x3f: {  	_ =	shalt  }
0x40: {  	_ =	shalt  }
0x41: {  	_ =	shalt  }
0x42: {  	_ =	shalt  }
0x43: {  	_ =	shalt  }
0x44: {  	_ =	shalt  }
0x45: {  	_ =	shalt  }
0x46: {  	_ =	shalt  }
0x47: {  	_ =	shalt  }
0x48: {  	_ =	shalt  }
0x49: {  	_ =	shalt  }
0x4a: {  	_ =	shalt  }
0x4b: {  	_ =	shalt  }
0x4c: {  	_ =	shalt  }
0x4d: {  	_ =	shalt  }
0x4e: {  	_ =	shalt  }
0x4f: {  	_ =	shalt  }
0x50: {  	_ =	shalt  }
0x51: {  	_ =	shalt  }
0x52: {  	_ =	shalt  }
0x53: {  	_ =	shalt  }
0x54: {  	_ =	shalt  }
0x55: {  	_ =	shalt  }
0x56: {  	_ =	shalt  }
0x57: {  	_ =	shalt  }
0x58: {  	_ =	shalt  }
0x59: {  	_ =	shalt  }
0x5a: {  	_ =	shalt  }
0x5b: {  	_ =	shalt  }
0x5c: {  	_ =	shalt  }
0x5d: {  	_ =	shalt  }
0x5e: {  	_ =	shalt  }
0x5f: {  	_ =	shalt  }
0x60: {  	_ =	shalt  }
0x61: {  	_ =	shalt  }
0x62: {  	_ =	shalt  }
0x63: {  	_ =	shalt  }
0x64: {  	_ =	shalt  }
0x65: {  	_ =	shalt  }
0x66: {  	_ =	shalt  }
0x67: {  	_ =	shalt  }
0x68: {  	_ =	shalt  }
0x69: {  	_ =	shalt  }
0x6a: {  	_ =	shalt  }
0x6b: {  	_ =	shalt  }
0x6c: {  	_ =	shalt  }
0x6d: {  	_ =	shalt  }
0x6e: {  	_ =	shalt  }
0x6f: {  	_ =	shalt  }
0x70: {  	_ =	shalt  }
0x71: {  	_ =	shalt  }
0x72: {  	_ =	shalt  }
0x73: {  	_ =	shalt  }
0x74: {  	_ =	shalt  }
0x75: {  	_ =	shalt  }
0x76: {  	_ =	shalt  }
0x77: {  	_ =	shalt  }
0x78: {  	_ =	shalt  }
0x79: {  	_ =	shalt  }
0x7a: {  	_ =	shalt  }
0x7b: {  	_ =	shalt  }
0x7c: {  	_ =	shalt  }
0x7d: {  	_ =	shalt  }
0x7e: {  	_ =	shalt  }
0x7f: {  	_ =	shalt  }
0x80: {  	_ =	shalt  }
0x81: {  	_ =	shalt  }
0x82: {  	_ =	shalt  }
0x83: {  	_ =	shalt  }
0x84: {  	_ =	shalt  }
0x85: {  	_ =	shalt  }
0x86: {  	_ =	shalt  }
0x87: {  	_ =	shalt  }
.Lfunc_end0:
.L_simem_size_0:
called_computation_lowered:
.L_overlay_start_0:
0x88: {  	s2 =	sld [smem:$0x3FD9]  }
0x89: {  	s3 =	sld [smem:$0x3FFE];
	_ =	sdelay $0x1  }
0x8a: {  	s1 =	srdreg.scid  }
0x8b: {  	s0 =	sand.u32 $0x1, s1  }
0x8c: {  	s17 =	sshll.u32 s0, $0xA;
	s2 =	sadd.s32 s3, s2  }
0x8d: {  	s2 =	sadd.s32 s2, s17  }
0x8e: {  	[smem:$0x3FB8] =	sst s2  }
0x8f: {  	_ = 	snop  }
0x90: {  	(tm) =	ssettm $0x1  }
0x91: {  	s18 =	sld [smem:$0x3FFB];
	_ =	sdelay $0x3  }
0x92: {  	_ =	strace s18  }
0x93: {  	s2 =	sld [smem:$0x3FFC];
	_ =	sdelay $0x3  }
0x94: {  	_ =	strace s2  }
0x95: {  	s2 =	sld [smem:$0x3FFD];
	_ =	sdelay $0x3  }
0x96: {  	_ =	strace s2  }
0x97: {  	_ =	strace $0x8FFFFFFF  }
0x98: {  	s19 =	sld [smem:$0x3FDB];
	_ =	sdelay $0x1  }
0x99: {  	s20 =	simm.s32 $_scs_section_size  }
0x9a: {  	s4 =	simm.s32 $_size__tile_overlayer_lowered;
	s5 =	simm.s32 $_tile_overlayer_lowered  }
0x9b: {  	s6 =	simm.s32 $0x1BFF;
	s21 =	sshll.u32 s5, $0x1;
	s3 =	sadd.s32 s20, s19  }
0x9c: {  	s22 =	simm.s32 $0x0;
	s4 =	sshll.u32 s4, $0x1;
	s5 =	sadd.s32 s21, s3  }
0x9d: {  	[timem:s22], [sflag:s6] =	dma.local [hbm:s5], s4  }
0x9e: {  	_ =	swait.ge [sflag:s6], s4  }
0x9f: {  	s4 =	ssub.s32 $0x0, s4;
	[sflag:s6] =	ssyncset.done $0x0  }
0xa0: {  	[sflag:s6] =	ssyncadd.s32 s4;
	_ =	sdelay $0x1  }
0xa1: {  	s23 =	simm.s32 $0x1B8B  }
0xa2: {  	_ =	swait.ge [sflag:s23], $0x1  }
0xa3: {  	[sflag:s23] =	ssyncset.done $0x0  }
0xa4: {  	[sflag:s23] =	ssyncadd.s32 $0xFFFFFFFF  }
0xa5: {  	s4 =	sld [smem:$0x0]  }
0xa6: {  	s5 =	sand.u32 $0xFFFFFFFE, s1  }
0xa7: {  	p0 =	sne.s32 s1, s5  }
0xa8: {  	s5 =	sshll.u32 @p0 s5, $0xE  }
0xa9: {  	s5 =	sadd.s32 @p0 $0x11B8D, s5;
	s6 =	sshll.u32 @p0 s4, $0x11  }
0xaa: {  	s5 =	sor.u32 @p0 s6, s5  }
0xab: {  	[sflag:s5] =	ssyncadd.remote.s32 @p0 $0x1;
	_ =	sdelay $0x1  }
0xac: {  	s5 =	simm.s32 @p0 $0x1B8D  }
0xad: {  	_ =	swait.eq @p0 [sflag:s5], $0x1  }
0xae: {  	[sflag:s5] =	ssyncadd.s32 @p0 $0xFFFFFFFF  }
0xaf: {  	s6 =	sshll.u32 @!p0 s1, $0xE  }
0xb0: {  	s6 =	sor.u32 @!p0 $0x4000, s6;
	s5 =	simm.s32 @!p0 $0x1B8D  }
0xb1: {  	s4 =	sshll.u32 @!p0 s4, $0x11;
	s6 =	sadd.s32 @!p0 $0x11B8D, s6;
	_ =	swait.eq @!p0 [sflag:s5], $0x1  }
0xb2: {  	s4 =	sor.u32 @!p0 s4, s6;
	[sflag:s5] =	ssyncadd.s32 @!p0 $0xFFFFFFFF  }
0xb3: {  	s25 =	simm.s32 $0x1B8E;
	s24 =	sld [smem:$0x3FFE];
	[sflag:s4] =	ssyncadd.remote.s32 @!p0 $0x1  }
0xb4: {  	s26 =	simm.s32 $execute0_lowered;
	[smem:$0x3FD2] =	sst s25  }
0xb5: {  	s5 =	sshll.u32 s26, $0x1;
	_ =	strace $0x80000049;
	[dreg:$0x1] =	wrdreg $0xFFFFFFFF  }
0xb6: {  	s28 =	simm.s32 $_size_execute0_lowered;
	s3 =	sadd.s32 s3, s5;
	[dreg:$0x0] =	wrdreg $0x0  }
0xb7: {  	s5 =	sshll.u32 s28, $0x1;
	[dreg:$0x2] =	wrdreg s3  }
0xb8: {  	[dreg:$0x3] =	wrdreg s5  }
0xb9: {  	[dreg:$0x4] =	wrdreg $0xC0  }
0xba: {  	_ =	task [dreg:s22], $0x5FFFF  }
0xbb: {  	[dreg:$0x1] =	wrdreg $0xFFFFFFFF  }
0xbc: {  	[dreg:$0x0] =	wrdreg $0x60  }
0xbd: {  	[dreg:$0x2] =	wrdreg s24  }
0xbe: {  	[dreg:$0x3] =	wrdreg $0x49000  }
0xbf: {  	[dreg:$0x4] =	wrdreg $0xE9000  }
0xc0: {  	[dreg:$0x5] =	wrdreg $0x9  }
0xc1: {  	_ =	task.clear_ibuf [dreg:s22], $0x6FFFF;
	_ =	strace $0x90000049  }
0xc2: {  	s29 =	simm.s32 $0x9;
	_ =	strace $0x8000004B  }
0xc3: {  	_ =	swait.ge [sflag:s29], $0x1  }
0xc4: {  	[sflag:s29] =	ssyncadd.s32 $0xFFFFFFFF  }
0xc5: {  	_ =	strace $0x9000004B  }
0xc6: {  	_ =	sfence  }
0xc7: {  	s30 =	sld [smem:$0x0];
	_ =	sdelay $0x2  }
0xc8: {  	s31 =	sshll.u32 s1, $0xD;
	s1 =	sshrl.u32 s1, $0x2  }
0xc9: {  	s4 =	sand.u32 $0x4000, s31;
	s1 =	sadd.s32 s1, s30  }
0xca: {  	s0 =	sor.u32 s4, s0;
	s1 =	sshll.u32 s1, $0x11  }
0xcb: {  	s0 =	sor.u32 s1, s0  }
0xcc: {  	s0 =	sadd.s32 $0x8F2B, s0  }
0xcd: {  	[sflag:s0] =	ssyncadd.remote.s32 $0x1  }
0xce: {  	_ =	sfence.sel $0xFFFF  }
0xcf: {  	[dreg:$0x0] =	wrdreg $0xFFFFFFFF;
	(pc) =	sbr.abs _section_cstart, $3  }
0xd0: {  	[dreg:$0x1] =	wrdreg $0xFFFFFFFF  }
0xd1: {  	_ =	task.clear_ibuf [dreg:s22], $0x2FFFF;
	_ =	strace $0x9FFFFFFF  }
0xd2: {  	(tm) =	ssettm $0x7FFFFFFF  }
0xd3: {  	_ =	shalt  }
tec
execute0_lowered:
.L_overlay_start_1:
0x0: {  	(tag) =	ssettag $0x1  }
0x1: {  	s5 =	rddreg [dreg:$0x0]  }
0x2: {  	s2 =	rddreg [dreg:$0x1];
	s0 =	stileid.u32  }
0x3: {  	s1 =	srdreg.scid;
	s3 =	rddreg [dreg:$0x2]  }
0x4: {  	s4 =	simm.s32 $0x0;
	s13 =	simm.s32 $0x1;
	s14 =	simm.s32 $0x80  }
0x5: {  	s15 =	simm.s32 $0x100;
	s18 =	simm.s32 $0x0;
	s7 =	smul.u32 $0x140, s0  }
0x6: {  	s6 =	sand.u32 $0x1, s1;
	s1 =	rddreg [dreg:$0x3];
	s30 =	smul.u32 $0xA000, s0  }
0x7: {  	[smem:$0x7FF] =	sst s4;
	s9 =	sshll.u32 s0, $0x5;
	s12 =	smul.u32 $0x28000, s0  }
0x8: {  	s8 =	smul.u32 $0x1400, s6;
	_ =	strace $0x8000004A;
	s28 =	ssub.s32 $0x2, s6  }
0x9: {  	s10 =	sadd.s32 s9, s5;
	s11 =	sshll.u32 s6, $0x4;
	s29 =	sshrl.u32 s28, $0x1  }
0xa: {  	s16 =	sadd.s32 s30, s2;
	s17 =	sadd.s32 s30, s3;
	s31 =	sshrl.u32 s12, $0x2  }
0xb: {  	s11 =	sadd.s32 s11, s10;
	s12 =	simm.s32 $0x4100;
	s7 =	sadd.s32 s7, s8  }
0xc: {  	s8 =	ssub.s32 s28, s29;
	s9 =	sadd.s32 s31, s2;
	s7 =	sshll.u32 s7, $0x4  }
0xd: {  	s10 =	sadd.s32 $0xF400, s11;
	s11 =	sadd.s32 $0x5400, s11;
	s7 =	sadd.s32 s7, s5  }
0xe: {  	s16 =	sshrl.u32 s16, $0x3;
	s17 =	sshrl.u32 s17, $0x3;
	s5 =	sadd.s32 $0x91400, s7  }
0xf: {  	v0 =	vimm.f32 $0.0e+00;
	v1 =	vimm.f32 $1.000000000e+00;
	s6 =	sadd.s32 $0xB9400, s7;
	s7 =	smax.u32 s8, $0x1;
	s8 =	sadd.s32 s31, s3  }
.LBB2_1:
0x10: {  	s19 =	simm.s32 $0x0;
	s20 =	simm.s32 $0x200  }
.LBB2_2:
0x11: {  	p0 =	sne.s32 s20, $0x1E00;
	[tilespmem:s19+$0x4170] =	vst v0  }
0x12: {  	[tilespmem:s19+$0x4100] =	vst v0  }
0x13: {  	[tilespmem:s19+$0x4110] =	vst v0  }
.Ltmp0:
0x14: {  	[tilespmem:s19+$0x4120] =	vst v0;
	(pc) =	sbr.rel @p0 .LBB2_2-.Ltmp0, $4  }
0x15: {  	[tilespmem:s19+$0x4130] =	vst v0  }
0x16: {  	[tilespmem:s19+$0x4140] =	vst v0  }
0x17: {  	[tilespmem:s19+$0x4150] =	vst v0  }
0x18: {  	[tilespmem:s19+$0x4160] =	vst v0;
	s19 =	sshra.s32 s20, $0x2;
	s20 =	sadd.s32 $0x200, s20  }
0x19: {  	[tilespmem:s19+$0x4170] =	vst v0  }
0x1a: {  	[tilespmem:s19+$0x4100] =	vst v0  }
0x1b: {  	[tilespmem:s19+$0x4110] =	vst v0  }
0x1c: {  	[tilespmem:s19+$0x4120] =	vst v0  }
0x1d: {  	[tilespmem:s19+$0x4130] =	vst v0  }
0x1e: {  	[tilespmem:s19+$0x4140] =	vst v0  }
0x1f: {  	[tilespmem:s19+$0x4150] =	vst v0  }
0x20: {  	[tilespmem:s19+$0x4160] =	vst v0;
	s19 =	simm.s32 $0x0;
	s20 =	simm.s32 $0x200  }
.LBB2_4:
0x21: {  	p0 =	sne.s32 s20, $0xFE00;
	[tilespmem:s19+$0x170] =	vst v1  }
0x22: {  	[tilespmem:s19+$0x100] =	vst v1  }
0x23: {  	[tilespmem:s19+$0x110] =	vst v1  }
.Ltmp1:
0x24: {  	[tilespmem:s19+$0x120] =	vst v1;
	(pc) =	sbr.rel @p0 .LBB2_4-.Ltmp1, $4  }
0x25: {  	[tilespmem:s19+$0x130] =	vst v1  }
0x26: {  	[tilespmem:s19+$0x140] =	vst v1  }
0x27: {  	[tilespmem:s19+$0x150] =	vst v1  }
0x28: {  	[tilespmem:s19+$0x160] =	vst v1;
	s19 =	sshra.s32 s20, $0x2;
	s20 =	sadd.s32 $0x200, s20  }
0x29: {  	[tilespmem:s19+$0x170] =	vst v1  }
0x2a: {  	[tilespmem:s19+$0x100] =	vst v1  }
0x2b: {  	[tilespmem:s19+$0x110] =	vst v1  }
0x2c: {  	[tilespmem:s19+$0x120] =	vst v1  }
0x2d: {  	[tilespmem:s19+$0x130] =	vst v1  }
0x2e: {  	[tilespmem:s19+$0x140] =	vst v1  }
0x2f: {  	[tilespmem:s19+$0x150] =	vst v1  }
0x30: {  	[tilespmem:s19+$0x160] =	vst v1;
	s30 =	sadd.s32 $0x0, s9  }
0x31: {  	[spmem:s30] =	stream.linear.scatter [tilespmem:s12], [sflag:$0x1], $0x800, $0x38;
	[tilespmem:$0x18900] =	vst v63  }
0x32: {  	_ =	swait.ge [sflag:s13], $0x800  }
0x33: {  	[sflag:s13] =	ssyncset.done $0x0  }
0x34: {  	s31 =	sadd.s32 $0x0, s8;
	[sflag:s13] =	ssyncadd.s32 $0xFFFFF800  }
0x35: {  	[spmem:s31] =	stream.linear.scatter [tilespmem:s12], [sflag:$0x1], $0x800, $0x38;
	[tilespmem:$0x18900] =	vst v63  }
0x36: {  	_ =	swait.ge [sflag:s13], $0x800  }
0x37: {  	s20 =	simm.s32 $0x4000;
	s19 =	simm.s32 $0x800;
	[sflag:s13] =	ssyncset.done $0x0  }
.LBB2_6:
0x38: {  	s21 =	sadd.s32 s19, s9  }
0x39: {  	[sflag:s13] =	ssyncadd.s32 $0xFFFFF800;
	s22 =	smov.u32 s20;
	s23 =	sadd.s32 $0x2000, s20  }
0x3a: {  	[spmem:s21] =	stream.linear.scatter [tilespmem:s12], [sflag:$0x1], $0x800, $0x38;
	[tilespmem:$0x18900] =	vst v63  }
0x3b: {  	p0 =	sne.s32 s20, $0x26000;
	_ =	swait.ge [sflag:s13], $0x800  }
.Ltmp2:
0x3c: {  	[sflag:s13] =	ssyncset.done $0x0;
	(pc) =	sbr.rel @p0 .LBB2_6-.Ltmp2, $4  }
0x3d: {  	s19 =	sadd.s32 s19, s8;
	[sflag:s13] =	ssyncadd.s32 $0xFFFFF800  }
0x3e: {  	[spmem:s19] =	stream.linear.scatter [tilespmem:s12], [sflag:$0x1], $0x800, $0x38;
	[tilespmem:$0x18900] =	vst v63  }
0x3f: {  	_ =	swait.ge [sflag:s13], $0x800  }
0x40: {  	s20 =	smov.u32 s23;
	s19 =	sshra.s32 s22, $0x2;
	[sflag:s13] =	ssyncset.done $0x0  }
0x41: {  	s20 =	sadd.s32 s19, s9;
	[sflag:s13] =	ssyncadd.s32 $0xFFFFF800  }
0x42: {  	[spmem:s20] =	stream.linear.scatter [tilespmem:s12], [sflag:$0x1], $0x800, $0x38;
	[tilespmem:$0x18900] =	vst v63  }
0x43: {  	_ =	swait.ge [sflag:s13], $0x800  }
0x44: {  	[sflag:s13] =	ssyncset.done $0x0  }
0x45: {  	s29 =	sadd.s32 s19, s8;
	[sflag:s13] =	ssyncadd.s32 $0xFFFFF800  }
0x46: {  	[spmem:s29] =	stream.linear.scatter [tilespmem:s12], [sflag:$0x1], $0x800, $0x38;
	[tilespmem:$0x18900] =	vst v63  }
0x47: {  	_ =	swait.ge [sflag:s13], $0x800  }
0x48: {  	[sflag:s13] =	ssyncset.done $0x0  }
0x49: {  	[sflag:s13] =	ssyncadd.s32 $0xFFFFF800  }
0x4a: {  	s30 =	sadd.s32 $0x0, s10;
	[bflag:$0x0] =	sbarrier.arrive $0xFFFF  }
0x4b: {  	[tilespmem:s4], [sflag:$0x1] =	stream.linear.gather [hbm4b:s30+s4], $0x80, $0x38;
	[tilespmem:$0x18900] =	vst v63  }
0x4c: {  	_ =	swait.ge [sflag:s13], $0x80  }
0x4d: {  	[sflag:s13] =	ssyncset.done $0x0  }
0x4e: {  	s31 =	sadd.s32 $0x0, s11;
	[sflag:s13] =	ssyncadd.s32 $0xFFFFFF80  }
0x4f: {  	[tilespmem:s14], [sflag:$0x1] =	stream.linear.gather [hbm4b:s31+s4], $0x80, $0x38;
	[tilespmem:$0x18900] =	vst v63  }
0x50: {  	_ =	swait.ge [sflag:s13], $0x80  }
0x51: {  	[sflag:s13] =	ssyncset.done $0x0  }
0x52: {  	[sflag:s13] =	ssyncadd.s32 $0xFFFFFF80  }
0x53: {  	[spmem:s2] =	stream.indirect.scatter.add.f32 [tilespmem:s15], [sflag:$0x1], $0x80, s14, s14, $0xb8;
	[tilespmem:$0x18900] =	vst v63  }
0x54: {  	_ =	swait.ge [sflag:s13], $0x4000  }
0x55: {  	[sflag:s13] =	ssyncset.done $0x0  }
0x56: {  	[sflag:s13] =	ssyncadd.s32 $0xFFFFC000  }
0x57: {  	[spmem:s3] =	stream.indirect.scatter.add.f32 [tilespmem:s15], [sflag:$0x1], $0x80, s4, s14, $0xb8;
	[tilespmem:$0x18900] =	vst v63  }
0x58: {  	_ =	swait.ge [sflag:s13], $0x4000  }
0x59: {  	s19 =	simm.s32 $0x200;
	s20 =	simm.s32 $0x400;
	[sflag:s13] =	ssyncset.done $0x0  }
.LBB2_8:
0x5a: {  	s21 =	sadd.s32 s19, s10  }
0x5b: {  	[sflag:s13] =	ssyncadd.s32 $0xFFFFC000;
	s22 =	smov.u32 s20;
	s23 =	sadd.s32 $0x200, s20  }
0x5c: {  	[tilespmem:s4], [sflag:$0x1] =	stream.linear.gather [hbm4b:s21+s4], $0x80, $0x38;
	[tilespmem:$0x18900] =	vst v63  }
0x5d: {  	p0 =	sne.s32 s20, $0x9E00;
	_ =	swait.ge [sflag:s13], $0x80  }
0x5e: {  	[sflag:s13] =	ssyncset.done $0x0  }
0x5f: {  	s20 =	sadd.s32 s19, s11;
	s19 =	smov.u32 s22;
	[sflag:s13] =	ssyncadd.s32 $0xFFFFFF80  }
0x60: {  	[tilespmem:s14], [sflag:$0x1] =	stream.linear.gather [hbm4b:s20+s4], $0x80, $0x38;
	[tilespmem:$0x18900] =	vst v63  }
0x61: {  	_ =	swait.ge [sflag:s13], $0x80  }
0x62: {  	[sflag:s13] =	ssyncset.done $0x0  }
0x63: {  	[sflag:s13] =	ssyncadd.s32 $0xFFFFFF80  }
0x64: {  	[spmem:s2] =	stream.indirect.scatter.add.f32 [tilespmem:s15], [sflag:$0x1], $0x80, s14, s14, $0xb8;
	[tilespmem:$0x18900] =	vst v63  }
0x65: {  	_ =	swait.ge [sflag:s13], $0x4000  }
.Ltmp3:
0x66: {  	[sflag:s13] =	ssyncset.done $0x0;
	(pc) =	sbr.rel @p0 .LBB2_8-.Ltmp3, $4  }
0x67: {  	[sflag:s13] =	ssyncadd.s32 $0xFFFFC000  }
0x68: {  	[spmem:s3] =	stream.indirect.scatter.add.f32 [tilespmem:s15], [sflag:$0x1], $0x80, s4, s14, $0xb8;
	[tilespmem:$0x18900] =	vst v63  }
0x69: {  	_ =	swait.ge [sflag:s13], $0x4000  }
0x6a: {  	s20 =	smov.u32 s23;
	[sflag:s13] =	ssyncset.done $0x0  }
0x6b: {  	s20 =	sadd.s32 s19, s10;
	[sflag:s13] =	ssyncadd.s32 $0xFFFFC000  }
0x6c: {  	[tilespmem:s4], [sflag:$0x1] =	stream.linear.gather [hbm4b:s20+s4], $0x80, $0x38;
	[tilespmem:$0x18900] =	vst v63  }
0x6d: {  	_ =	swait.ge [sflag:s13], $0x80  }
0x6e: {  	[sflag:s13] =	ssyncset.done $0x0  }
0x6f: {  	s30 =	sadd.s32 s19, s11;
	[sflag:s13] =	ssyncadd.s32 $0xFFFFFF80  }
0x70: {  	[tilespmem:s14], [sflag:$0x1] =	stream.linear.gather [hbm4b:s30+s4], $0x80, $0x38;
	[tilespmem:$0x18900] =	vst v63  }
0x71: {  	_ =	swait.ge [sflag:s13], $0x80  }
0x72: {  	[sflag:s13] =	ssyncset.done $0x0  }
0x73: {  	[sflag:s13] =	ssyncadd.s32 $0xFFFFFF80  }
0x74: {  	[spmem:s2] =	stream.indirect.scatter.add.f32 [tilespmem:s15], [sflag:$0x1], $0x80, s14, s14, $0xb8;
	[tilespmem:$0x18900] =	vst v63  }
0x75: {  	_ =	swait.ge [sflag:s13], $0x4000  }
0x76: {  	[sflag:s13] =	ssyncset.done $0x0  }
0x77: {  	[sflag:s13] =	ssyncadd.s32 $0xFFFFC000  }
0x78: {  	[spmem:s3] =	stream.indirect.scatter.add.f32 [tilespmem:s15], [sflag:$0x1], $0x80, s4, s14, $0xb8;
	[tilespmem:$0x18900] =	vst v63  }
0x79: {  	_ =	swait.ge [sflag:s13], $0x4000  }
0x7a: {  	[sflag:s13] =	ssyncset.done $0x0  }
0x7b: {  	s31 =	sshll.u32 s0, $0x6;
	[sflag:s13] =	ssyncadd.s32 $0xFFFFC000  }
0x7c: {  	s19 =	sor.u32 $0x1C01, s31;
	[bflag:$0x0] =	sbarrier.arrive $0xFFFF  }
0x7d: {  	[hbm:s5], [sflag:s19] =	dma.local [spmem:s16], $0x1400  }
0x7e: {  	s18 =	sadd.s32 $0x1, s18;
	_ =	swait.ge [sflag:s13], $0x1400  }
0x7f: {  	p0 =	sne.s32 s18, s7;
	[sflag:s13] =	ssyncset.done $0x0  }
.Ltmp4:
0x80: {  	[sflag:s13] =	ssyncadd.s32 $0xFFFFEC00;
	(pc) =	sbr.rel @p0 .LBB2_1-.Ltmp4, $4  }
0x81: {  	[hbm:s6], [sflag:s19] =	dma.local [spmem:s17], $0x1400  }
0x82: {  	_ =	swait.ge [sflag:s13], $0x1400  }
0x83: {  	[sflag:s13] =	ssyncset.done $0x0  }
0x84: {  	[sflag:s13] =	ssyncadd.s32 $0xFFFFEC00  }
0x85: {  	_ =	sfence.sel $0x180000  }
0x86: {  	[bflag:$0x0] =	sbarrier.arrive $0xFFFF  }
0x87: {  	p0 =	sne.s32 s0, $0x0;
	_ =	strace $0x9000004A  }
0x88: {  	s0 =	sadd.s32 @!p0 $0x100000, s1;
	[bflag:$0x2] =	sbarrier.arrive $0xFFFF  }
0x89: {  	[sflag:s0] =	ssyncadd.tile.s32 @!p0 $0x1;
	_ =	shalt  }
.Lfunc_end2:
_tile_overlayer_lowered:
.L_overlay_start_2:
0x8a: {  	(tag) =	ssettag $0x2  }
0x8b: {  	s0 =	rddreg [dreg:$0x0];
	s2 =	stileid.u32  }
0x8c: {  	s1 =	rddreg [dreg:$0x1];
	p0 =	sne.s32 s2, $0x0  }
0x8d: {  	s3 =	rddreg [dreg:$0x2];
	[bflag:$0x3] =	sbarrier.arrive $0xFFFF;
	s2 =	simm.s32 @!p0 $0x1C01  }
0x8e: {  	[timem:s3], [sflag:s2] =	dma.local @!p0 [hbm:s0], s1  }
0x8f: {  	s0 =	simm.s32 @!p0 $0x1  }
0x90: {  	_ =	swait.ge @!p0 [sflag:s0], s1  }
0x91: {  	s1 =	ssub.s32 @!p0 $0x0, s1;
	[sflag:s0] =	ssyncset.done @!p0 $0x0  }
0x92: {  	[sflag:s0] =	ssyncadd.s32 @!p0 s1  }
0x93: {  	[bflag:$0x3] =	sbarrier.arrive $0xFFFF  }
0x94: {  	_ =	shalt  }

</sc_bundles>
